<compile_context>
chip_gen: v7x
topology: tpu7x:2x2x1
jax: 0.10.2.dev20260603
libtpu: 0.0.44.dev20260713+nightly
codegen_flags: <defaults>
</compile_context>

<pallas_src>
import functools

import jax
import jax.numpy as jnp
from jax import lax
from jax.experimental import pallas as pl
from jax.experimental.pallas import tpu as pltpu
from jax.experimental.pallas import tpu_sc as plsc

N = 100000
D = 128
E = 300000
EPAD = 303104
EPT = EPAD // 16
SEG = 1184
NSEG = EPT // SEG
GSEG = SEG // 16
R = 10000
NBINS = 10
NPASS = NBINS // 2
TRASH = R
RPT = R // 16
K = 128
RING = 16
ZR = 64


def _sc_segment_sums(y_mov, y_dir, src1, dst1, src2, dst2):
    mesh = plsc.VectorSubcoreMesh(core_axis_name="c", subcore_axis_name="s")

    @functools.partial(
        pl.kernel,
        out_type=[
            jax.ShapeDtypeStruct((N, D), jnp.float32),
            jax.ShapeDtypeStruct((N, D), jnp.float32),
        ],
        mesh=mesh,
        compiler_params=pltpu.CompilerParams(use_tc_tiling_on_sc=False,
                                             needs_layout_passes=False),
        scratch_types=[
            pltpu.VMEM((2, SEG), jnp.int32),
            pltpu.VMEM((2, SEG), jnp.int32),
            pltpu.VMEM((RING, K), jnp.int32),
            pltpu.VMEM((RING, K), jnp.int32),
            pltpu.VMEM((K, D), jnp.float32),
            pltpu.VMEM((K, D), jnp.float32),
            pltpu.VMEM((ZR, D), jnp.float32),
            pltpu.VMEM_SHARED((R + 8, D), jnp.float32),
            pltpu.SemaphoreType.DMA,
            pltpu.SemaphoreType.DMA,
            pltpu.SemaphoreType.DMA,
            pltpu.SemaphoreType.DMA,
        ],
    )
    def body(y_mov_h, y_dir_h, src1_h, dst1_h, src2_h, dst2_h,
             agg_dir_h, agg_mov_h,
             esrcb, edstb, gidx, sidx, rb0, rb1, zblk, acc,
             zsem, esem, gsem0, gsem1):
        cid = lax.axis_index("c")
        sid = lax.axis_index("s")
        zero16 = jnp.zeros((16,), jnp.float32)
        iota16 = lax.iota(jnp.int32, 16)

        def zb(t, _):
            zblk[t >> 3, pl.ds((t & 7) * 16, 16)] = zero16
            return 0
        lax.fori_loop(0, ZR * 8, zb, 0)

        def relation(y_h, src_h, dst_h, out_h):
            r0 = sid * RPT
            ebase = sid * EPT

            def pass_body(p, _):
                base = (p * 2 + cid) * R

                def zf_issue(k2, _):
                    pltpu.async_copy(zblk.at[pl.ds(0, ZR)],
                                     acc.at[pl.ds(r0 + k2 * ZR, ZR)], zsem)
                    return 0
                lax.fori_loop(0, 9, zf_issue, 0)
                pltpu.async_copy(zblk.at[pl.ds(0, 49)],
                                 acc.at[pl.ds(r0 + 576, 49)], zsem)

                @pl.when(sid == 0)
                def _():
                    pltpu.async_copy(zblk.at[pl.ds(0, 8)],
                                     acc.at[pl.ds(R, 8)], zsem)

                pltpu.async_copy(src_h.at[pl.ds(ebase, SEG)],
                                 esrcb.at[0], esem)
                pltpu.async_copy(dst_h.at[pl.ds(ebase, SEG)],
                                 edstb.at[0], esem)

                def zf_drain(k2, _):
                    pltpu.make_async_copy(
                        zblk.at[pl.ds(0, ZR)],
                        acc.at[pl.ds(r0 + k2 * ZR, ZR)], zsem).wait()
                    return 0
                lax.fori_loop(0, 9, zf_drain, 0)
                pltpu.make_async_copy(zblk.at[pl.ds(0, 49)],
                                      acc.at[pl.ds(r0 + 576, 49)],
                                      zsem).wait()

                @pl.when(sid == 0)
                def _():
                    pltpu.make_async_copy(zblk.at[pl.ds(0, 8)],
                                          acc.at[pl.ds(R, 8)], zsem).wait()
                plsc.subcore_barrier()

                def seg_body(s, carry):
                    ptr_v, done = carry
                    par = lax.bitwise_and(s, 1)
                    off = ebase + s * SEG
                    pltpu.make_async_copy(src_h.at[pl.ds(off, SEG)],
                                          esrcb.at[par], esem).wait()
                    pltpu.make_async_copy(dst_h.at[pl.ds(off, SEG)],
                                          edstb.at[par], esem).wait()

                    @pl.when(s + 1 < NSEG)
                    def _():
                        off2 = off + SEG
                        pltpu.async_copy(src_h.at[pl.ds(off2, SEG)],
                                         esrcb.at[1 - par], esem)
                        pltpu.async_copy(dst_h.at[pl.ds(off2, SEG)],
                                         edstb.at[1 - par], esem)

                    def fgrp(g, ptr_v):
                        dv = edstb[par, pl.ds(g * 16, 16)]
                        m = (dv >= base) & (dv < base + R)
                        pos = ptr_v + plsc.cumsum(m.astype(jnp.int32)) - 1
                        row = lax.bitwise_and(
                            lax.shift_right_arithmetic(pos, 7), RING - 1)
                        col = lax.bitwise_and(pos, K - 1)
                        sv = esrcb[par, pl.ds(g * 16, 16)]
                        plsc.store_scatter(gidx, [row, col], sv, mask=m)
                        plsc.store_scatter(sidx, [row, col], dv - base,
                                           mask=m)
                        return ptr_v + plsc.all_reduce_population_count(m)
                    ptr_v = plsc.parallel_loop(0, GSEG, unroll=8,
                                               carry=ptr_v)(fgrp)

                    ready = lax.shift_right_arithmetic(jnp.max(ptr_v), 7)

                    def emit(c2, _):
                        def work(rb, rb_o, gs, gs_o):
                            cr = lax.bitwise_and(c2, RING - 1)
                            cr1 = lax.bitwise_and(c2 + 1, RING - 1)

                            @pl.when(c2 == done)
                            def _():
                                pltpu.async_copy(y_h.at[gidx.at[cr]], rb,
                                                 gs)
                            pltpu.make_async_copy(y_h.at[gidx.at[cr]], rb,
                                                  gs).wait()

                            @pl.when(c2 + 1 < ready)
                            def _():
                                pltpu.async_copy(y_h.at[gidx.at[cr1]],
                                                 rb_o, gs_o)
                            pltpu.sync_copy(rb, acc.at[sidx.at[cr]],
                                            add=True)

                        @pl.when(lax.bitwise_and(c2, 1) == 0)
                        def _():
                            work(rb0, rb1, gsem0, gsem1)

                        @pl.when(lax.bitwise_and(c2, 1) == 1)
                        def _():
                            work(rb1, rb0, gsem1, gsem0)
                        return 0
                    lax.fori_loop(done, ready, emit, 0)
                    return (ptr_v, ready)

                init = (jnp.zeros((16,), jnp.int32), jnp.int32(0))
                ptr_v, done = lax.fori_loop(0, NSEG, seg_body, init)
                ptr = jnp.max(ptr_v)

                nch = lax.shift_right_arithmetic(ptr + (K - 1), 7)
                p2 = nch * K

                def padb(t, _):
                    pos = ptr + t * 16 + iota16
                    pm = pos < p2
                    prow = lax.bitwise_and(
                        lax.shift_right_arithmetic(pos, 7), RING - 1)
                    pcol = lax.bitwise_and(pos, K - 1)
                    plsc.store_scatter(gidx, [prow, pcol],
                                       jnp.zeros((16,), jnp.int32), mask=pm)
                    plsc.store_scatter(sidx, [prow, pcol],
                                       jnp.full((16,), TRASH, jnp.int32),
                                       mask=pm)
                    return 0
                lax.fori_loop(0, K // 16, padb, 0)

                @pl.when(nch > done)
                def _():
                    cr = lax.bitwise_and(done, RING - 1)
                    pltpu.async_copy(y_h.at[gidx.at[cr]], rb0, gsem0).wait()
                    pltpu.sync_copy(rb0, acc.at[sidx.at[cr]], add=True)
                plsc.subcore_barrier()

                def wb_issue(k2, _):
                    pltpu.async_copy(
                        acc.at[pl.ds(r0 + k2 * ZR, ZR)],
                        out_h.at[pl.ds(base + r0 + k2 * ZR, ZR)], zsem)
                    return 0
                lax.fori_loop(0, 9, wb_issue, 0)
                pltpu.async_copy(acc.at[pl.ds(r0 + 576, 49)],
                                 out_h.at[pl.ds(base + r0 + 576, 49)], zsem)

                def wb_drain(k2, _):
                    pltpu.make_async_copy(
                        acc.at[pl.ds(r0 + k2 * ZR, ZR)],
                        out_h.at[pl.ds(base + r0 + k2 * ZR, ZR)],
                        zsem).wait()
                    return 0
                lax.fori_loop(0, 9, wb_drain, 0)
                pltpu.make_async_copy(acc.at[pl.ds(r0 + 576, 49)],
                                      out_h.at[pl.ds(base + r0 + 576, 49)],
                                      zsem).wait()
                return 0

            lax.fori_loop(0, NPASS, pass_body, 0)
            plsc.subcore_barrier()

        relation(y_mov_h, src1_h, dst1_h, agg_dir_h)
        relation(y_dir_h, src2_h, dst2_h, agg_mov_h)

    return body(y_mov, y_dir, src1, dst1, src2, dst2)


BLK = 1000


def _mm_body(x_ref, w_ref, o_ref):
    o_ref[...] = jnp.dot(x_ref[...], w_ref[...],
                         preferred_element_type=jnp.float32)


def _tc_messages(x, w):
    return pl.pallas_call(
        _mm_body,
        grid=(N // BLK,),
        in_specs=[
            pl.BlockSpec((BLK, D), lambda i: (i, 0)),
            pl.BlockSpec((D, D), lambda i: (0, 0)),
        ],
        out_specs=pl.BlockSpec((BLK, D), lambda i: (i, 0)),
        out_shape=jax.ShapeDtypeStruct((N, D), jnp.float32),
    )(x, w)


def _fin_body(agg_ref, x_ref, w_ref, b_ref, o_ref):
    o_ref[...] = jnp.maximum(
        agg_ref[...]
        + jnp.dot(x_ref[...], w_ref[...], preferred_element_type=jnp.float32)
        + b_ref[...],
        0.0,
    )


def _tc_finish(agg, x, w_root, b):
    return pl.pallas_call(
        _fin_body,
        grid=(N // BLK,),
        in_specs=[
            pl.BlockSpec((BLK, D), lambda i: (i, 0)),
            pl.BlockSpec((BLK, D), lambda i: (i, 0)),
            pl.BlockSpec((D, D), lambda i: (0, 0)),
            pl.BlockSpec((1, D), lambda i: (0, 0)),
        ],
        out_specs=pl.BlockSpec((BLK, D), lambda i: (i, 0)),
        out_shape=jax.ShapeDtypeStruct((N, D), jnp.float32),
    )(agg, x, w_root, b)


def kernel(x_movie, x_director, edge_index_movie_to_director,
           edge_index_director_to_movie, W_rel_m2d, b_rel_m2d, W_root_m2d,
           W_rel_d2m, b_rel_d2m, W_root_d2m):
    y_mov = _tc_messages(x_movie, W_rel_m2d)
    y_dir = _tc_messages(x_director, W_rel_d2m)

    pad_src = jnp.zeros((EPAD - E,), jnp.int32)
    pad_dst = jnp.full((EPAD - E,), jnp.int32(1 << 30))
    src1 = jnp.concatenate([edge_index_movie_to_director[0], pad_src])
    dst1 = jnp.concatenate([edge_index_movie_to_director[1], pad_dst])
    src2 = jnp.concatenate([edge_index_director_to_movie[0], pad_src])
    dst2 = jnp.concatenate([edge_index_director_to_movie[1], pad_dst])

    agg_dir, agg_mov = _sc_segment_sums(y_mov, y_dir, src1, dst1, src2, dst2)

    out_director = _tc_finish(agg_dir, x_director, W_root_m2d,
                              b_rel_m2d.reshape(1, D))
    out_movie = _tc_finish(agg_mov, x_movie, W_root_d2m,
                           b_rel_d2m.reshape(1, D))
    return (out_movie, out_director)

# --- scband reference (transcript-rebuilt; emitter-appended) ---
"""Pipeline reference for scband-simple-hetero-gnn-26663156973731 (READ-ONLY COPY).

The authoritative reference and input builder live on the scoring server;
editing this copy changes nothing except your own understanding.
"""

import jax, jax.numpy as jnp
import numpy as np

N_MOVIE = 100000
N_DIRECTOR = 100000
D_IN = 128
D_OUT = 128
E = 300000


def setup_inputs(seed: int = 0) -> dict:
    key = jax.random.key(seed)
    ks = jax.random.split(key, 10)
    s = 1.0 / np.sqrt(D_IN)
    x_movie = jax.random.normal(ks[0], (N_MOVIE, D_IN), dtype=jnp.float32)
    x_director = jax.random.normal(ks[1], (N_DIRECTOR, D_IN), dtype=jnp.float32)
    edge_index_movie_to_director = jax.random.randint(ks[2], (2, E), 0, N_DIRECTOR, dtype=jnp.int32)
    edge_index_director_to_movie = jax.random.randint(ks[3], (2, E), 0, N_MOVIE, dtype=jnp.int32)
    W_rel_m2d = jax.random.normal(ks[4], (D_IN, D_OUT), dtype=jnp.float32) * s
    b_rel_m2d = jnp.zeros((D_OUT,), dtype=jnp.float32)
    W_root_m2d = jax.random.normal(ks[5], (D_IN, D_OUT), dtype=jnp.float32) * s
    W_rel_d2m = jax.random.normal(ks[6], (D_IN, D_OUT), dtype=jnp.float32) * s
    b_rel_d2m = jnp.zeros((D_OUT,), dtype=jnp.float32)
    W_root_d2m = jax.random.normal(ks[7], (D_IN, D_OUT), dtype=jnp.float32) * s
    return {
        "x_movie": x_movie,
        "x_director": x_director,
        "edge_index_movie_to_director": edge_index_movie_to_director,
        "edge_index_director_to_movie": edge_index_director_to_movie,
        "W_rel_m2d": W_rel_m2d,
        "b_rel_m2d": b_rel_m2d,
        "W_root_m2d": W_root_m2d,
        "W_rel_d2m": W_rel_d2m,
        "b_rel_d2m": b_rel_d2m,
        "W_root_d2m": W_root_d2m,
    }


def reference(x_movie, x_director, edge_index_movie_to_director, edge_index_director_to_movie,
              W_rel_m2d, b_rel_m2d, W_root_m2d, W_rel_d2m, b_rel_d2m, W_root_d2m):
    # Relation (movie -> director): gather source (movie) features, scatter-add into director nodes.
    src1 = edge_index_movie_to_director[0]
    dst1 = edge_index_movie_to_director[1]
    agg_dir = jax.ops.segment_sum(jnp.take(x_movie, src1, axis=0), dst1,
                                  num_segments=x_director.shape[0])
    # GraphConv: lin_rel(aggregated) + lin_root(x_dst); lin_root has no bias in PyG GraphConv.
    out_director = agg_dir @ W_rel_m2d + b_rel_m2d + x_director @ W_root_m2d

    # Relation (director -> movie)
    src2 = edge_index_director_to_movie[0]
    dst2 = edge_index_director_to_movie[1]
    agg_mov = jax.ops.segment_sum(jnp.take(x_director, src2, axis=0), dst2,
                                  num_segments=x_movie.shape[0])
    out_movie = agg_mov @ W_rel_d2m + b_rel_d2m + x_movie @ W_root_d2m

    # HeteroConv aggr='sum' has a single edge type per destination here; then ReLU per node type.
    return (jax.nn.relu(out_movie), jax.nn.relu(out_director))

if __name__ == "__main__":
    import jax
    _d = setup_inputs()
    print(jax.jit(kernel)(*tuple(_d.values())))

</pallas_src>

<mosaic_0001>
#map = affine_map<(d0, d1) -> (0, 0)>
#map1 = affine_map<(d0, d1) -> (0)>
module attributes {stable_mosaic.version = 14 : i64} {
  func.func @body(%arg0: i32, %arg1: i32, %arg2: memref<100000x128xf32, #tpu.memory_space<hbm>>, %arg3: memref<100000x128xf32, #tpu.memory_space<hbm>>, %arg4: memref<303104xi32, #tpu.memory_space<hbm>>, %arg5: memref<303104xi32, #tpu.memory_space<hbm>>, %arg6: memref<303104xi32, #tpu.memory_space<hbm>>, %arg7: memref<303104xi32, #tpu.memory_space<hbm>>, %arg8: memref<100000x128xf32, #tpu.memory_space<hbm>>, %arg9: memref<100000x128xf32, #tpu.memory_space<hbm>>, %arg10: memref<2x1184xi32, #tpu.memory_space<vmem>>, %arg11: memref<2x1184xi32, #tpu.memory_space<vmem>>, %arg12: memref<16x128xi32, #tpu.memory_space<vmem>>, %arg13: memref<16x128xi32, #tpu.memory_space<vmem>>, %arg14: memref<128x128xf32, #tpu.memory_space<vmem>>, %arg15: memref<128x128xf32, #tpu.memory_space<vmem>>, %arg16: memref<64x128xf32, #tpu.memory_space<vmem>>, %arg17: memref<10008x128xf32, #tpu.memory_space<vmem_shared>>, %arg18: memref<!tpu.dma_semaphore, #tpu.memory_space<semaphore_mem>>, %arg19: memref<!tpu.dma_semaphore, #tpu.memory_space<semaphore_mem>>, %arg20: memref<!tpu.dma_semaphore, #tpu.memory_space<semaphore_mem>>, %arg21: memref<!tpu.dma_semaphore, #tpu.memory_space<semaphore_mem>>) attributes {dimension_semantics = [#tpu.dimension_semantics<core_parallel>, #tpu.dimension_semantics<subcore_parallel>], iteration_bounds = array<i64: 2, 16>, scalar_prefetch = 0 : i64, scratch_operands = 12 : i64, tpu.core_type = #tpu.core_type<sc_vector_subcore>, window_params = [{transform_indices = #map}, {transform_indices = #map}, {transform_indices = #map1}, {transform_indices = #map1}, {transform_indices = #map1}, {transform_indices = #map1}, {transform_indices = #map}, {transform_indices = #map}]} {
    %broadcast_in_dim3A = arith.constant 0.000000e+00 : f32
    %broadcast_in_dim3A_0 = vector.broadcast %broadcast_in_dim3A : f32 to vector<16xf32>
    %iota3A = tpu.iota {dimensions = array<i32: 0>} : vector<16xi32>
    %scan3A = arith.constant 0 : i32
    %scan3A_1 = arith.constant 0 : i32
    %scan3A_2 = arith.constant 512 : i32
    %scan3A_3 = arith.addi %scan3A_1, %scan3A_2 : i32
    %scan3A_4 = arith.constant 1 : i32
    %scan3A_5 = scf.for %scan3A_29 = %scan3A_1 to %scan3A_3 step %scan3A_4 iter_args(%scan3A_30 = %scan3A) -> (i32)  : i32 {
      %shift_right_arithmetic3A = arith.constant 3 : i32
      %shift_right_arithmetic3A_31 = arith.shrsi %scan3A_29, %shift_right_arithmetic3A : i32
      %and3A = arith.constant 7 : i32
      %and3A_32 = arith.andi %scan3A_29, %and3A : i32
      %mul3A_33 = arith.constant 16 : i32
      %mul3A_34 = arith.muli %and3A_32, %mul3A_33 : i32
      %swap3A = arith.index_cast %shift_right_arithmetic3A_31 : i32 to index
      %swap3A_35 = arith.index_cast %mul3A_34 : i32 to index
      %swap3A_36 = tpu.vector_load %arg16[%swap3A, %swap3A_35] {strides = array<i32>} : memref<64x128xf32, #tpu.memory_space<vmem>>, vector<16xf32>,
      tpu.vector_store %arg16[%swap3A, %swap3A_35], %broadcast_in_dim3A_0 {strides = array<i32>} : memref<64x128xf32, #tpu.memory_space<vmem>>, vector<16xf32>,
      %scan3A_37 = arith.constant 0 : i32
      scf.yield %scan3A_37 : i32
    }
    %scan3A_6 = arith.constant 512 : i32
    %mul3A = arith.constant 625 : i32
    %mul3A_7 = arith.muli %arg1, %mul3A : i32
    %mul3A_8 = arith.constant 18944 : i32
    %mul3A_9 = arith.muli %arg1, %mul3A_8 : i32
    %scan3A_10 = arith.constant 0 : i32
    %scan3A_11 = arith.constant 0 : i32
    %scan3A_12 = arith.constant 5 : i32
    %scan3A_13 = arith.addi %scan3A_11, %scan3A_12 : i32
    %scan3A_14 = arith.constant 1 : i32
    %scan3A_15 = scf.for %scan3A_29 = %scan3A_11 to %scan3A_13 step %scan3A_14 iter_args(%scan3A_30 = %scan3A_10) -> (i32)  : i32 {
      %mul3A_31 = arith.constant 2 : i32
      %mul3A_32 = arith.muli %scan3A_29, %mul3A_31 : i32
      %add3A = arith.addi %mul3A_32, %arg0 : i32
      %mul3A_33 = arith.constant 10000 : i32
      %mul3A_34 = arith.muli %add3A, %mul3A_33 : i32
      %scan3A_35 = arith.constant 0 : i32
      %scan3A_36 = arith.constant 0 : i32
      %scan3A_37 = arith.constant 9 : i32
      %scan3A_38 = arith.addi %scan3A_36, %scan3A_37 : i32
      %scan3A_39 = arith.constant 1 : i32
      %scan3A_40 = scf.for %scan3A_162 = %scan3A_36 to %scan3A_38 step %scan3A_39 iter_args(%scan3A_163 = %scan3A_35) -> (i32)  : i32 {
        %mul3A_164 = arith.constant 64 : i32
        %mul3A_165 = arith.muli %scan3A_162, %mul3A_164 : i32
        %add3A_166 = arith.addi %mul3A_7, %mul3A_165 : i32
        %dma_start3A_167 = arith.constant 0 : i32
        %dma_start3A_168 = arith.constant 0 : i32
        %dma_start3A_169 = tpu.memref_slice %arg16[%dma_start3A_167, %dma_start3A_168] : memref<64x128xf32, #tpu.memory_space<vmem>> -> memref<64x128xf32, #tpu.memory_space<vmem>>
        %dma_start3A_170 = arith.constant 0 : i32
        %dma_start3A_171 = tpu.memref_slice %arg17[%add3A_166, %dma_start3A_170] : memref<10008x128xf32, #tpu.memory_space<vmem_shared>> -> memref<64x128xf32, #tpu.memory_space<vmem_shared>>
        %dma_start3A_172 = arith.constant 0 : i32
        %dma_start3A_173 = tpu.memref_slice %arg17[%add3A_166, %dma_start3A_172] : memref<10008x128xf32, #tpu.memory_space<vmem_shared>> -> memref<64x128xf32, #tpu.memory_space<vmem_shared>>
        %dma_start3A_174 = arith.constant 0 : i32
        %dma_start3A_175 = arith.constant 0 : i32
        %dma_start3A_176 = tpu.memref_slice %arg16[%dma_start3A_174, %dma_start3A_175] : memref<64x128xf32, #tpu.memory_space<vmem>> -> memref<64x128xf32, #tpu.memory_space<vmem>>
        tpu.enqueue_dma source(%dma_start3A_176 : memref<64x128xf32, #tpu.memory_space<vmem>>) target(%dma_start3A_173 : memref<64x128xf32, #tpu.memory_space<vmem_shared>>) target_semaphore(%arg18 : memref<!tpu.dma_semaphore, #tpu.memory_space<semaphore_mem>>)
        %scan3A_177 = arith.constant 0 : i32
        scf.yield %scan3A_177 : i32
      }
      %scan3A_41 = arith.constant 9 : i32
      %add3A_42 = arith.constant 576 : i32
      %add3A_43 = arith.addi %mul3A_7, %add3A_42 : i32
      %dma_start3A = arith.constant 0 : i32
      %dma_start3A_44 = arith.constant 0 : i32
      %dma_start3A_45 = tpu.memref_slice %arg16[%dma_start3A, %dma_start3A_44] : memref<64x128xf32, #tpu.memory_space<vmem>> -> memref<49x128xf32, #tpu.memory_space<vmem>>
      %dma_start3A_46 = arith.constant 0 : i32
      %dma_start3A_47 = tpu.memref_slice %arg17[%add3A_43, %dma_start3A_46] : memref<10008x128xf32, #tpu.memory_space<vmem_shared>> -> memref<49x128xf32, #tpu.memory_space<vmem_shared>>
      %dma_start3A_48 = arith.constant 0 : i32
      %dma_start3A_49 = tpu.memref_slice %arg17[%add3A_43, %dma_start3A_48] : memref<10008x128xf32, #tpu.memory_space<vmem_shared>> -> memref<49x128xf32, #tpu.memory_space<vmem_shared>>
      %dma_start3A_50 = arith.constant 0 : i32
      %dma_start3A_51 = arith.constant 0 : i32
      %dma_start3A_52 = tpu.memref_slice %arg16[%dma_start3A_50, %dma_start3A_51] : memref<64x128xf32, #tpu.memory_space<vmem>> -> memref<49x128xf32, #tpu.memory_space<vmem>>
      tpu.enqueue_dma source(%dma_start3A_52 : memref<49x128xf32, #tpu.memory_space<vmem>>) target(%dma_start3A_49 : memref<49x128xf32, #tpu.memory_space<vmem_shared>>) target_semaphore(%arg18 : memref<!tpu.dma_semaphore, #tpu.memory_space<semaphore_mem>>)
      %eq3A = arith.constant 0 : i32
      %eq3A_53 = arith.cmpi eq, %arg1, %eq3A : i32
      %convert_element_type3A = arith.extui %eq3A_53 : i1 to i32
      %cond3A = arith.constant 0 : i32
      %cond3A_54 = arith.cmpi ne, %convert_element_type3A, %cond3A : i32
      scf.if %cond3A_54 {
        %dma_start3A_162 = arith.constant 0 : i32
        %dma_start3A_163 = arith.constant 0 : i32
        %dma_start3A_164 = tpu.memref_slice %arg16[%dma_start3A_162, %dma_start3A_163] : memref<64x128xf32, #tpu.memory_space<vmem>> -> memref<8x128xf32, #tpu.memory_space<vmem>>
        %dma_start3A_165 = arith.constant 10000 : i32
        %dma_start3A_166 = arith.constant 0 : i32
        %dma_start3A_167 = tpu.memref_slice %arg17[%dma_start3A_165, %dma_start3A_166] : memref<10008x128xf32, #tpu.memory_space<vmem_shared>> -> memref<8x128xf32, #tpu.memory_space<vmem_shared>>
        %dma_start3A_168 = arith.constant 10000 : i32
        %dma_start3A_169 = arith.constant 0 : i32
        %dma_start3A_170 = tpu.memref_slice %arg17[%dma_start3A_168, %dma_start3A_169] : memref<10008x128xf32, #tpu.memory_space<vmem_shared>> -> memref<8x128xf32, #tpu.memory_space<vmem_shared>>
        %dma_start3A_171 = arith.constant 0 : i32
        %dma_start3A_172 = arith.constant 0 : i32
        %dma_start3A_173 = tpu.memref_slice %arg16[%dma_start3A_171, %dma_start3A_172] : memref<64x128xf32, #tpu.memory_space<vmem>> -> memref<8x128xf32, #tpu.memory_space<vmem>>
        tpu.enqueue_dma source(%dma_start3A_173 : memref<8x128xf32, #tpu.memory_space<vmem>>) target(%dma_start3A_170 : memref<8x128xf32, #tpu.memory_space<vmem_shared>>) target_semaphore(%arg18 : memref<!tpu.dma_semaphore, #tpu.memory_space<semaphore_mem>>)
      } else {
      }
      %dma_start3A_55 = arith.constant 0 : i32
      %dma_start3A_56 = arith.constant 0 : i32
      %dma_start3A_57 = tpu.memref_slice %arg10[%dma_start3A_55, %dma_start3A_56] : memref<2x1184xi32, #tpu.memory_space<vmem>> -> memref<1x1184xi32, #tpu.memory_space<vmem>>
      %dma_start3A_58 = tpu.memref_squeeze %dma_start3A_57 : memref<1x1184xi32, #tpu.memory_space<vmem>> -> memref<1184xi32, #tpu.memory_space<vmem>>
      %dma_start3A_59 = tpu.memref_slice %arg4[%mul3A_9] : memref<303104xi32, #tpu.memory_space<hbm>> -> memref<1184xi32, #tpu.memory_space<hbm>>
      %dma_start3A_60 = arith.constant 0 : i32
      %dma_start3A_61 = tpu.memref_slice %arg10[%dma_start3A_55, %dma_start3A_60] : memref<2x1184xi32, #tpu.memory_space<vmem>> -> memref<1x1184xi32, #tpu.memory_space<vmem>>
      %dma_start3A_62 = tpu.memref_squeeze %dma_start3A_61 : memref<1x1184xi32, #tpu.memory_space<vmem>> -> memref<1184xi32, #tpu.memory_space<vmem>>
      %dma_start3A_63 = tpu.memref_slice %arg4[%mul3A_9] : memref<303104xi32, #tpu.memory_space<hbm>> -> memref<1184xi32, #tpu.memory_space<hbm>>
      tpu.enqueue_dma source(%dma_start3A_63 : memref<1184xi32, #tpu.memory_space<hbm>>) target(%dma_start3A_62 : memref<1184xi32, #tpu.memory_space<vmem>>) target_semaphore(%arg19 : memref<!tpu.dma_semaphore, #tpu.memory_space<semaphore_mem>>)
      %dma_start3A_64 = arith.constant 0 : i32
      %dma_start3A_65 = arith.constant 0 : i32
      %dma_start3A_66 = tpu.memref_slice %arg11[%dma_start3A_64, %dma_start3A_65] : memref<2x1184xi32, #tpu.memory_space<vmem>> -> memref<1x1184xi32, #tpu.memory_space<vmem>>
      %dma_start3A_67 = tpu.memref_squeeze %dma_start3A_66 : memref<1x1184xi32, #tpu.memory_space<vmem>> -> memref<1184xi32, #tpu.memory_space<vmem>>
      %dma_start3A_68 = tpu.memref_slice %arg5[%mul3A_9] : memref<303104xi32, #tpu.memory_space<hbm>> -> memref<1184xi32, #tpu.memory_space<hbm>>
      %dma_start3A_69 = arith.constant 0 : i32
      %dma_start3A_70 = tpu.memref_slice %arg11[%dma_start3A_64, %dma_start3A_69] : memref<2x1184xi32, #tpu.memory_space<vmem>> -> memref<1x1184xi32, #tpu.memory_space<vmem>>
      %dma_start3A_71 = tpu.memref_squeeze %dma_start3A_70 : memref<1x1184xi32, #tpu.memory_space<vmem>> -> memref<1184xi32, #tpu.memory_space<vmem>>
      %dma_start3A_72 = tpu.memref_slice %arg5[%mul3A_9] : memref<303104xi32, #tpu.memory_space<hbm>> -> memref<1184xi32, #tpu.memory_space<hbm>>
      tpu.enqueue_dma source(%dma_start3A_72 : memref<1184xi32, #tpu.memory_space<hbm>>) target(%dma_start3A_71 : memref<1184xi32, #tpu.memory_space<vmem>>) target_semaphore(%arg19 : memref<!tpu.dma_semaphore, #tpu.memory_space<semaphore_mem>>)
      %scan3A_73 = arith.constant 0 : i32
      %scan3A_74 = arith.constant 0 : i32
      %scan3A_75 = arith.constant 9 : i32
      %scan3A_76 = arith.addi %scan3A_74, %scan3A_75 : i32
      %scan3A_77 = arith.constant 1 : i32
      %scan3A_78 = scf.for %scan3A_162 = %scan3A_74 to %scan3A_76 step %scan3A_77 iter_args(%scan3A_163 = %scan3A_73) -> (i32)  : i32 {
        %mul3A_164 = arith.constant 64 : i32
        %mul3A_165 = arith.muli %scan3A_162, %mul3A_164 : i32
        %add3A_166 = arith.addi %mul3A_7, %mul3A_165 : i32
        %dma_wait3A_167 = arith.constant 0 : i32
        %dma_wait3A_168 = arith.constant 0 : i32
        %dma_wait3A_169 = tpu.memref_slice %arg16[%dma_wait3A_167, %dma_wait3A_168] : memref<64x128xf32, #tpu.memory_space<vmem>> -> memref<64x128xf32, #tpu.memory_space<vmem>>
        %dma_wait3A_170 = arith.constant 0 : i32
        %dma_wait3A_171 = tpu.memref_slice %arg17[%add3A_166, %dma_wait3A_170] : memref<10008x128xf32, #tpu.memory_space<vmem_shared>> -> memref<64x128xf32, #tpu.memory_space<vmem_shared>>
        %dma_wait3A_172 = arith.constant 0 : i32
        %dma_wait3A_173 = tpu.memref_slice %arg17[%add3A_166, %dma_wait3A_172] : memref<10008x128xf32, #tpu.memory_space<vmem_shared>> -> memref<64x128xf32, #tpu.memory_space<vmem_shared>>
        %dma_wait3A_174 = arith.constant 0 : i32
        %dma_wait3A_175 = arith.constant 0 : i32
        %dma_wait3A_176 = tpu.memref_slice %arg16[%dma_wait3A_174, %dma_wait3A_175] : memref<64x128xf32, #tpu.memory_space<vmem>> -> memref<64x128xf32, #tpu.memory_space<vmem>>
        tpu.wait_dma2 semaphore(%arg18 : memref<!tpu.dma_semaphore, #tpu.memory_space<semaphore_mem>>) src(%dma_wait3A_176 : memref<64x128xf32, #tpu.memory_space<vmem>>) dst(%dma_wait3A_173 : memref<64x128xf32, #tpu.memory_space<vmem_shared>>)
        %scan3A_177 = arith.constant 0 : i32
        scf.yield %scan3A_177 : i32
      }
      %scan3A_79 = arith.constant 9 : i32
      %add3A_80 = arith.constant 576 : i32
      %add3A_81 = arith.addi %mul3A_7, %add3A_80 : i32
      %dma_wait3A = arith.constant 0 : i32
      %dma_wait3A_82 = arith.constant 0 : i32
      %dma_wait3A_83 = tpu.memref_slice %arg16[%dma_wait3A, %dma_wait3A_82] : memref<64x128xf32, #tpu.memory_space<vmem>> -> memref<49x128xf32, #tpu.memory_space<vmem>>
      %dma_wait3A_84 = arith.constant 0 : i32
      %dma_wait3A_85 = tpu.memref_slice %arg17[%add3A_81, %dma_wait3A_84] : memref<10008x128xf32, #tpu.memory_space<vmem_shared>> -> memref<49x128xf32, #tpu.memory_space<vmem_shared>>
      %dma_wait3A_86 = arith.constant 0 : i32
      %dma_wait3A_87 = tpu.memref_slice %arg17[%add3A_81, %dma_wait3A_86] : memref<10008x128xf32, #tpu.memory_space<vmem_shared>> -> memref<49x128xf32, #tpu.memory_space<vmem_shared>>
      %dma_wait3A_88 = arith.constant 0 : i32
      %dma_wait3A_89 = arith.constant 0 : i32
      %dma_wait3A_90 = tpu.memref_slice %arg16[%dma_wait3A_88, %dma_wait3A_89] : memref<64x128xf32, #tpu.memory_space<vmem>> -> memref<49x128xf32, #tpu.memory_space<vmem>>
      tpu.wait_dma2 semaphore(%arg18 : memref<!tpu.dma_semaphore, #tpu.memory_space<semaphore_mem>>) src(%dma_wait3A_90 : memref<49x128xf32, #tpu.memory_space<vmem>>) dst(%dma_wait3A_87 : memref<49x128xf32, #tpu.memory_space<vmem_shared>>)
      %eq3A_91 = arith.constant 0 : i32
      %eq3A_92 = arith.cmpi eq, %arg1, %eq3A_91 : i32
      %convert_element_type3A_93 = arith.extui %eq3A_92 : i1 to i32
      %cond3A_94 = arith.constant 0 : i32
      %cond3A_95 = arith.cmpi ne, %convert_element_type3A_93, %cond3A_94 : i32
      scf.if %cond3A_95 {
        %dma_wait3A_162 = arith.constant 0 : i32
        %dma_wait3A_163 = arith.constant 0 : i32
        %dma_wait3A_164 = tpu.memref_slice %arg16[%dma_wait3A_162, %dma_wait3A_163] : memref<64x128xf32, #tpu.memory_space<vmem>> -> memref<8x128xf32, #tpu.memory_space<vmem>>
        %dma_wait3A_165 = arith.constant 10000 : i32
        %dma_wait3A_166 = arith.constant 0 : i32
        %dma_wait3A_167 = tpu.memref_slice %arg17[%dma_wait3A_165, %dma_wait3A_166] : memref<10008x128xf32, #tpu.memory_space<vmem_shared>> -> memref<8x128xf32, #tpu.memory_space<vmem_shared>>
        %dma_wait3A_168 = arith.constant 10000 : i32
        %dma_wait3A_169 = arith.constant 0 : i32
        %dma_wait3A_170 = tpu.memref_slice %arg17[%dma_wait3A_168, %dma_wait3A_169] : memref<10008x128xf32, #tpu.memory_space<vmem_shared>> -> memref<8x128xf32, #tpu.memory_space<vmem_shared>>
        %dma_wait3A_171 = arith.constant 0 : i32
        %dma_wait3A_172 = arith.constant 0 : i32
        %dma_wait3A_173 = tpu.memref_slice %arg16[%dma_wait3A_171, %dma_wait3A_172] : memref<64x128xf32, #tpu.memory_space<vmem>> -> memref<8x128xf32, #tpu.memory_space<vmem>>
        tpu.wait_dma2 semaphore(%arg18 : memref<!tpu.dma_semaphore, #tpu.memory_space<semaphore_mem>>) src(%dma_wait3A_173 : memref<8x128xf32, #tpu.memory_space<vmem>>) dst(%dma_wait3A_170 : memref<8x128xf32, #tpu.memory_space<vmem_shared>>)
      } else {
      }
      %barrier3A_96 = arith.constant 0 : index
      tpu.barrier barrier_id(%barrier3A_96)
      %broadcast_in_dim3A_97 = arith.constant 0 : i32
      %broadcast_in_dim3A_98 = vector.broadcast %broadcast_in_dim3A_97 : i32 to vector<16xi32>
      %scan3A_99 = arith.constant 0 : i32
      %scan3A_100 = arith.constant 0 : i32
      %scan3A_101 = arith.constant 16 : i32
      %scan3A_102 = arith.addi %scan3A_100, %scan3A_101 : i32
      %scan3A_103 = arith.constant 1 : i32
      %scan3A_104:2 = scf.for %scan3A_162 = %scan3A_100 to %scan3A_102 step %scan3A_103 iter_args(%scan3A_163 = %broadcast_in_dim3A_98, %scan3A_164 = %scan3A_99) -> (vector<16xi32>, i32)  : i32 {
        %and3A = arith.constant 1 : i32
        %and3A_165 = arith.andi %scan3A_162, %and3A : i32
        %mul3A_166 = arith.constant 1184 : i32
        %mul3A_167 = arith.muli %scan3A_162, %mul3A_166 : i32
        %add3A_168 = arith.addi %mul3A_9, %mul3A_167 : i32
        %dma_wait3A_169 = arith.constant 0 : i32
        %dma_wait3A_170 = tpu.memref_slice %arg10[%and3A_165, %dma_wait3A_169] : memref<2x1184xi32, #tpu.memory_space<vmem>> -> memref<1x1184xi32, #tpu.memory_space<vmem>>
        %dma_wait3A_171 = tpu.memref_squeeze %dma_wait3A_170 : memref<1x1184xi32, #tpu.memory_space<vmem>> -> memref<1184xi32, #tpu.memory_space<vmem>>
        %dma_wait3A_172 = tpu.memref_slice %arg4[%add3A_168] : memref<303104xi32, #tpu.memory_space<hbm>> -> memref<1184xi32, #tpu.memory_space<hbm>>
        %dma_wait3A_173 = arith.constant 0 : i32
        %dma_wait3A_174 = tpu.memref_slice %arg10[%and3A_165, %dma_wait3A_173] : memref<2x1184xi32, #tpu.memory_space<vmem>> -> memref<1x1184xi32, #tpu.memory_space<vmem>>
        %dma_wait3A_175 = tpu.memref_squeeze %dma_wait3A_174 : memref<1x1184xi32, #tpu.memory_space<vmem>> -> memref<1184xi32, #tpu.memory_space<vmem>>
        %dma_wait3A_176 = tpu.memref_slice %arg4[%add3A_168] : memref<303104xi32, #tpu.memory_space<hbm>> -> memref<1184xi32, #tpu.memory_space<hbm>>
        tpu.wait_dma2 semaphore(%arg19 : memref<!tpu.dma_semaphore, #tpu.memory_space<semaphore_mem>>) src(%dma_wait3A_176 : memref<1184xi32, #tpu.memory_space<hbm>>) dst(%dma_wait3A_175 : memref<1184xi32, #tpu.memory_space<vmem>>)
        %dma_wait3A_177 = arith.constant 0 : i32
        %dma_wait3A_178 = tpu.memref_slice %arg11[%and3A_165, %dma_wait3A_177] : memref<2x1184xi32, #tpu.memory_space<vmem>> -> memref<1x1184xi32, #tpu.memory_space<vmem>>
        %dma_wait3A_179 = tpu.memref_squeeze %dma_wait3A_178 : memref<1x1184xi32, #tpu.memory_space<vmem>> -> memref<1184xi32, #tpu.memory_space<vmem>>
        %dma_wait3A_180 = tpu.memref_slice %arg5[%add3A_168] : memref<303104xi32, #tpu.memory_space<hbm>> -> memref<1184xi32, #tpu.memory_space<hbm>>
        %dma_wait3A_181 = arith.constant 0 : i32
        %dma_wait3A_182 = tpu.memref_slice %arg11[%and3A_165, %dma_wait3A_181] : memref<2x1184xi32, #tpu.memory_space<vmem>> -> memref<1x1184xi32, #tpu.memory_space<vmem>>
        %dma_wait3A_183 = tpu.memref_squeeze %dma_wait3A_182 : memref<1x1184xi32, #tpu.memory_space<vmem>> -> memref<1184xi32, #tpu.memory_space<vmem>>
        %dma_wait3A_184 = tpu.memref_slice %arg5[%add3A_168] : memref<303104xi32, #tpu.memory_space<hbm>> -> memref<1184xi32, #tpu.memory_space<hbm>>
        tpu.wait_dma2 semaphore(%arg19 : memref<!tpu.dma_semaphore, #tpu.memory_space<semaphore_mem>>) src(%dma_wait3A_184 : memref<1184xi32, #tpu.memory_space<hbm>>) dst(%dma_wait3A_183 : memref<1184xi32, #tpu.memory_space<vmem>>)
        %add3A_185 = arith.constant 1 : i32
        %add3A_186 = arith.addi %scan3A_162, %add3A_185 : i32
        %lt3A = arith.constant 16 : i32
        %lt3A_187 = arith.cmpi slt, %add3A_186, %lt3A : i32
        %convert_element_type3A_188 = arith.extui %lt3A_187 : i1 to i32
        %cond3A_189 = arith.constant 0 : i32
        %cond3A_190 = arith.cmpi ne, %convert_element_type3A_188, %cond3A_189 : i32
        scf.if %cond3A_190 {
          %add3A_214 = arith.constant 1184 : i32
          %add3A_215 = arith.addi %add3A_168, %add3A_214 : i32
          %sub3A = arith.constant 1 : i32
          %sub3A_216 = arith.subi %sub3A, %and3A_165 : i32
          %dma_start3A_217 = arith.constant 0 : i32
          %dma_start3A_218 = tpu.memref_slice %arg10[%sub3A_216, %dma_start3A_217] : memref<2x1184xi32, #tpu.memory_space<vmem>> -> memref<1x1184xi32, #tpu.memory_space<vmem>>
          %dma_start3A_219 = tpu.memref_squeeze %dma_start3A_218 : memref<1x1184xi32, #tpu.memory_space<vmem>> -> memref<1184xi32, #tpu.memory_space<vmem>>
          %dma_start3A_220 = tpu.memref_slice %arg4[%add3A_215] : memref<303104xi32, #tpu.memory_space<hbm>> -> memref<1184xi32, #tpu.memory_space<hbm>>
          %dma_start3A_221 = arith.constant 0 : i32
          %dma_start3A_222 = tpu.memref_slice %arg10[%sub3A_216, %dma_start3A_221] : memref<2x1184xi32, #tpu.memory_space<vmem>> -> memref<1x1184xi32, #tpu.memory_space<vmem>>
          %dma_start3A_223 = tpu.memref_squeeze %dma_start3A_222 : memref<1x1184xi32, #tpu.memory_space<vmem>> -> memref<1184xi32, #tpu.memory_space<vmem>>
          %dma_start3A_224 = tpu.memref_slice %arg4[%add3A_215] : memref<303104xi32, #tpu.memory_space<hbm>> -> memref<1184xi32, #tpu.memory_space<hbm>>
          tpu.enqueue_dma source(%dma_start3A_224 : memref<1184xi32, #tpu.memory_space<hbm>>) target(%dma_start3A_223 : memref<1184xi32, #tpu.memory_space<vmem>>) target_semaphore(%arg19 : memref<!tpu.dma_semaphore, #tpu.memory_space<semaphore_mem>>)
          %sub3A_225 = arith.constant 1 : i32
          %sub3A_226 = arith.subi %sub3A_225, %and3A_165 : i32
          %dma_start3A_227 = arith.constant 0 : i32
          %dma_start3A_228 = tpu.memref_slice %arg11[%sub3A_226, %dma_start3A_227] : memref<2x1184xi32, #tpu.memory_space<vmem>> -> memref<1x1184xi32, #tpu.memory_space<vmem>>
          %dma_start3A_229 = tpu.memref_squeeze %dma_start3A_228 : memref<1x1184xi32, #tpu.memory_space<vmem>> -> memref<1184xi32, #tpu.memory_space<vmem>>
          %dma_start3A_230 = tpu.memref_slice %arg5[%add3A_215] : memref<303104xi32, #tpu.memory_space<hbm>> -> memref<1184xi32, #tpu.memory_space<hbm>>
          %dma_start3A_231 = arith.constant 0 : i32
          %dma_start3A_232 = tpu.memref_slice %arg11[%sub3A_226, %dma_start3A_231] : memref<2x1184xi32, #tpu.memory_space<vmem>> -> memref<1x1184xi32, #tpu.memory_space<vmem>>
          %dma_start3A_233 = tpu.memref_squeeze %dma_start3A_232 : memref<1x1184xi32, #tpu.memory_space<vmem>> -> memref<1184xi32, #tpu.memory_space<vmem>>
          %dma_start3A_234 = tpu.memref_slice %arg5[%add3A_215] : memref<303104xi32, #tpu.memory_space<hbm>> -> memref<1184xi32, #tpu.memory_space<hbm>>
          tpu.enqueue_dma source(%dma_start3A_234 : memref<1184xi32, #tpu.memory_space<hbm>>) target(%dma_start3A_233 : memref<1184xi32, #tpu.memory_space<vmem>>) target_semaphore(%arg19 : memref<!tpu.dma_semaphore, #tpu.memory_space<semaphore_mem>>)
        } else {
        }
        %parallel_loop3A = arith.constant 0 : i32
        %parallel_loop3A_191 = arith.constant 74 : i32
        %parallel_loop3A_192 = arith.constant 1 : i32
        %parallel_loop3A_193 = scf.for %parallel_loop3A_214 = %parallel_loop3A to %parallel_loop3A_191 step %parallel_loop3A_192 iter_args(%parallel_loop3A_215 = %scan3A_163) -> (vector<16xi32>)  : i32 {
          %parallel_loop3A_216 = arith.constant 16 : i32
          %parallel_loop3A_217 = arith.muli %parallel_loop3A_214, %parallel_loop3A_216 : i32
          %parallel_loop3A_218 = arith.index_cast %and3A_165 : i32 to index
          %parallel_loop3A_219 = arith.index_cast %parallel_loop3A_217 : i32 to index
          %parallel_loop3A_220 = tpu.vector_load %arg11[%parallel_loop3A_218, %parallel_loop3A_219] {strides = array<i32>} : memref<2x1184xi32, #tpu.memory_space<vmem>>, vector<16xi32>,
          %parallel_loop3A_221 = vector.broadcast %mul3A_34 : i32 to vector<16xi32>
          %parallel_loop3A_222 = arith.cmpi sge, %parallel_loop3A_220, %parallel_loop3A_221 : vector<16xi32>
          %parallel_loop3A_223 = arith.constant 10000 : i32
          %parallel_loop3A_224 = arith.addi %mul3A_34, %parallel_loop3A_223 : i32
          %parallel_loop3A_225 = vector.broadcast %parallel_loop3A_224 : i32 to vector<16xi32>
          %parallel_loop3A_226 = arith.cmpi slt, %parallel_loop3A_220, %parallel_loop3A_225 : vector<16xi32>
          %parallel_loop3A_227 = arith.andi %parallel_loop3A_222, %parallel_loop3A_226 : vector<16xi1>
          %parallel_loop3A_228 = arith.extui %parallel_loop3A_227 : vector<16xi1> to vector<16xi32>
          %parallel_loop3A_229 = arith.constant true
          %parallel_loop3A_230 = vector.broadcast %parallel_loop3A_229 : i1 to vector<16xi1>
          %parallel_loop3A_231 = tpu.scan <sum>, %parallel_loop3A_228 masked %parallel_loop3A_230 : vector<16xi32>, vector<16xi1> -> vector<16xi32>
          %parallel_loop3A_232 = arith.addi %parallel_loop3A_215, %parallel_loop3A_231 : vector<16xi32>
          %parallel_loop3A_233 = arith.constant 1 : i32
          %parallel_loop3A_234 = vector.broadcast %parallel_loop3A_233 : i32 to vector<16xi32>
          %parallel_loop3A_235 = arith.subi %parallel_loop3A_232, %parallel_loop3A_234 : vector<16xi32>
          %parallel_loop3A_236 = arith.constant 7 : i32
          %parallel_loop3A_237 = vector.broadcast %parallel_loop3A_236 : i32 to vector<16xi32>
          %parallel_loop3A_238 = arith.shrsi %parallel_loop3A_235, %parallel_loop3A_237 : vector<16xi32>
          %parallel_loop3A_239 = arith.constant 15 : i32
          %parallel_loop3A_240 = vector.broadcast %parallel_loop3A_239 : i32 to vector<16xi32>
          %parallel_loop3A_241 = arith.andi %parallel_loop3A_238, %parallel_loop3A_240 : vector<16xi32>
          %parallel_loop3A_242 = arith.constant 127 : i32
          %parallel_loop3A_243 = vector.broadcast %parallel_loop3A_242 : i32 to vector<16xi32>
          %parallel_loop3A_244 = arith.andi %parallel_loop3A_235, %parallel_loop3A_243 : vector<16xi32>
          %parallel_loop3A_245 = arith.constant 16 : i32
          %parallel_loop3A_246 = arith.muli %parallel_loop3A_214, %parallel_loop3A_245 : i32
          %parallel_loop3A_247 = arith.index_cast %and3A_165 : i32 to index
          %parallel_loop3A_248 = arith.index_cast %parallel_loop3A_246 : i32 to index
          %parallel_loop3A_249 = tpu.vector_load %arg10[%parallel_loop3A_247, %parallel_loop3A_248] {strides = array<i32>} : memref<2x1184xi32, #tpu.memory_space<vmem>>, vector<16xi32>,
          tpu.vector_store_idx %arg12[%parallel_loop3A_241, %parallel_loop3A_244], %parallel_loop3A_249 masked %parallel_loop3A_227 : memref<16x128xi32, #tpu.memory_space<vmem>>[vector<16xi32>, vector<16xi32>], vector<16xi32>, vector<16xi1>
          %parallel_loop3A_250 = vector.broadcast %mul3A_34 : i32 to vector<16xi32>
          %parallel_loop3A_251 = arith.subi %parallel_loop3A_220, %parallel_loop3A_250 : vector<16xi32>
          tpu.vector_store_idx %arg13[%parallel_loop3A_241, %parallel_loop3A_244], %parallel_loop3A_251 masked %parallel_loop3A_227 : memref<16x128xi32, #tpu.memory_space<vmem>>[vector<16xi32>, vector<16xi32>], vector<16xi32>, vector<16xi1>
          %parallel_loop3A_252 = tpu.all_reduce %parallel_loop3A_227 {dim = 0 : i64, kind = #tpu.reduction_kind<sum>} : vector<16xi1> -> vector<16xi32>
          %parallel_loop3A_253 = arith.addi %parallel_loop3A_215, %parallel_loop3A_252 : vector<16xi32>
          scf.yield %parallel_loop3A_253 : vector<16xi32>
        } {sc.loop_unroll_factor = 8 : i64, sc.parallel_access}
        %reduce_max3A_194 = arith.constant true
        %reduce_max3A_195 = vector.broadcast %reduce_max3A_194 : i1 to vector<16xi1>
        %reduce_max3A_196 = arith.constant -2147483648 : i32
        %reduce_max3A_197 = vector.broadcast %reduce_max3A_196 : i32 to vector<16xi32>
        %reduce_max3A_198 = arith.xori %parallel_loop3A_193, %reduce_max3A_197 : vector<16xi32>
        %reduce_max3A_199 = tpu.scan <max>, %reduce_max3A_198 masked %reduce_max3A_195 : vector<16xi32>, vector<16xi1> -> vector<16xi32>
        %reduce_max3A_200 = arith.xori %reduce_max3A_199, %reduce_max3A_197 : vector<16xi32>
        %reduce_max3A_201 = vector.extract %reduce_max3A_200[15] : i32 from vector<16xi32>
        %shift_right_arithmetic3A_202 = arith.constant 7 : i32
        %shift_right_arithmetic3A_203 = arith.shrsi %reduce_max3A_201, %shift_right_arithmetic3A_202 : i32
        %while3A = arith.constant 0 : i32
        %while3A_204 = arith.subi %shift_right_arithmetic3A_203, %scan3A_164 : i32
        %while3A_205 = arith.addi %scan3A_164, %while3A_204 : i32
        %while3A_206 = arith.constant 1 : i32
        %while3A_207 = arith.divsi %while3A_204, %while3A_206 : i32
        %while3A_208 = arith.muli %while3A_207, %while3A_206 : i32
        %while3A_209 = arith.addi %scan3A_164, %while3A_208 : i32
        %while3A_210 = arith.constant 1 : i32
        %while3A_211 = scf.for %while3A_214 = %scan3A_164 to %while3A_209 step %while3A_210 iter_args(%while3A_215 = %while3A) -> (i32)  : i32 {
          %and3A_216 = arith.constant 1 : i32
          %and3A_217 = arith.andi %while3A_214, %and3A_216 : i32
          %eq3A_218 = arith.constant 0 : i32
          %eq3A_219 = arith.cmpi eq, %and3A_217, %eq3A_218 : i32
          %convert_element_type3A_220 = arith.extui %eq3A_219 : i1 to i32
          %cond3A_221 = arith.constant 0 : i32
          %cond3A_222 = arith.cmpi ne, %convert_element_type3A_220, %cond3A_221 : i32
          scf.if %cond3A_222 {
            %and3A_231 = arith.constant 15 : i32
            %and3A_232 = arith.andi %while3A_214, %and3A_231 : i32
            %add3A_233 = arith.constant 1 : i32
            %add3A_234 = arith.addi %while3A_214, %add3A_233 : i32
            %and3A_235 = arith.constant 15 : i32
            %and3A_236 = arith.andi %add3A_234, %and3A_235 : i32
            %eq3A_237 = arith.cmpi eq, %while3A_214, %scan3A_164 : i32
            %convert_element_type3A_238 = arith.extui %eq3A_237 : i1 to i32
            %cond3A_239 = arith.constant 0 : i32
            %cond3A_240 = arith.cmpi ne, %convert_element_type3A_238, %cond3A_239 : i32
            scf.if %cond3A_240 {
              %dma_start3A_253 = arith.constant 0 : i32
              %dma_start3A_254 = tpu.memref_slice %arg12[%and3A_232, %dma_start3A_253] : memref<16x128xi32, #tpu.memory_space<vmem>> -> memref<1x128xi32, #tpu.memory_space<vmem>>
              %dma_start3A_255 = tpu.memref_squeeze %dma_start3A_254 : memref<1x128xi32, #tpu.memory_space<vmem>> -> memref<128xi32, #tpu.memory_space<vmem>>
              %dma_start3A_256 = arith.constant 0 : i32
              %dma_start3A_257 = arith.constant 0 : i32
              %dma_start3A_258 = tpu.memref_slice %arg2[%dma_start3A_256, %dma_start3A_257] : memref<100000x128xf32, #tpu.memory_space<hbm>> -> memref<100000x128xf32, #tpu.memory_space<hbm>>
              tpu.enqueue_indirect_dma source(%dma_start3A_258 : memref<100000x128xf32, #tpu.memory_space<hbm>>) target(%arg14 : memref<128x128xf32, #tpu.memory_space<vmem>>) offsets(%dma_start3A_255 : memref<128xi32, #tpu.memory_space<vmem>>) semaphore(%arg20 : memref<!tpu.dma_semaphore, #tpu.memory_space<semaphore_mem>>)
            } else {
            }
            %dma_wait3A_241 = arith.constant 0 : i32
            %dma_wait3A_242 = tpu.memref_slice %arg12[%and3A_232, %dma_wait3A_241] : memref<16x128xi32, #tpu.memory_space<vmem>> -> memref<1x128xi32, #tpu.memory_space<vmem>>
            %dma_wait3A_243 = tpu.memref_squeeze %dma_wait3A_242 : memref<1x128xi32, #tpu.memory_space<vmem>> -> memref<128xi32, #tpu.memory_space<vmem>>
            %dma_wait3A_244 = arith.constant 0 : i32
            %dma_wait3A_245 = arith.constant 0 : i32
            %dma_wait3A_246 = tpu.memref_slice %arg2[%dma_wait3A_244, %dma_wait3A_245] : memref<100000x128xf32, #tpu.memory_space<hbm>> -> memref<100000x128xf32, #tpu.memory_space<hbm>>
            tpu.wait_indirect_dma semaphore(%arg20 : memref<!tpu.dma_semaphore, #tpu.memory_space<semaphore_mem>>) src(%dma_wait3A_246 : memref<100000x128xf32, #tpu.memory_space<hbm>>) dst(%arg14 : memref<128x128xf32, #tpu.memory_space<vmem>>)
            %add3A_247 = arith.constant 1 : i32
            %add3A_248 = arith.addi %while3A_214, %add3A_247 : i32
            %lt3A_249 = arith.cmpi slt, %add3A_248, %shift_right_arithmetic3A_203 : i32
            %convert_element_type3A_250 = arith.extui %lt3A_249 : i1 to i32
            %cond3A_251 = arith.constant 0 : i32
            %cond3A_252 = arith.cmpi ne, %convert_element_type3A_250, %cond3A_251 : i32
            scf.if %cond3A_252 {
              %dma_start3A_253 = arith.constant 0 : i32
              %dma_start3A_254 = tpu.memref_slice %arg12[%and3A_236, %dma_start3A_253] : memref<16x128xi32, #tpu.memory_space<vmem>> -> memref<1x128xi32, #tpu.memory_space<vmem>>
              %dma_start3A_255 = tpu.memref_squeeze %dma_start3A_254 : memref<1x128xi32, #tpu.memory_space<vmem>> -> memref<128xi32, #tpu.memory_space<vmem>>
              %dma_start3A_256 = arith.constant 0 : i32
              %dma_start3A_257 = arith.constant 0 : i32
              %dma_start3A_258 = tpu.memref_slice %arg2[%dma_start3A_256, %dma_start3A_257] : memref<100000x128xf32, #tpu.memory_space<hbm>> -> memref<100000x128xf32, #tpu.memory_space<hbm>>
              tpu.enqueue_indirect_dma source(%dma_start3A_258 : memref<100000x128xf32, #tpu.memory_space<hbm>>) target(%arg15 : memref<128x128xf32, #tpu.memory_space<vmem>>) offsets(%dma_start3A_255 : memref<128xi32, #tpu.memory_space<vmem>>) semaphore(%arg21 : memref<!tpu.dma_semaphore, #tpu.memory_space<semaphore_mem>>)
            } else {
            }
            "tpu.region"() ({
              %run_scoped3A = tpu.sem_alloc : memref<!tpu.dma_semaphore, #tpu.memory_space<semaphore_mem>>
              %dma_start3A_253 = arith.constant 0 : i32
              %dma_start3A_254 = tpu.memref_slice %arg13[%and3A_232, %dma_start3A_253] : memref<16x128xi32, #tpu.memory_space<vmem>> -> memref<1x128xi32, #tpu.memory_space<vmem>>
              %dma_start3A_255 = tpu.memref_squeeze %dma_start3A_254 : memref<1x128xi32, #tpu.memory_space<vmem>> -> memref<128xi32, #tpu.memory_space<vmem>>
              %dma_start3A_256 = arith.constant 0 : i32
              %dma_start3A_257 = arith.constant 0 : i32
              %dma_start3A_258 = tpu.memref_slice %arg17[%dma_start3A_256, %dma_start3A_257] : memref<10008x128xf32, #tpu.memory_space<vmem_shared>> -> memref<10008x128xf32, #tpu.memory_space<vmem_shared>>
              tpu.enqueue_indirect_dma source(%arg14 : memref<128x128xf32, #tpu.memory_space<vmem>>) target(%dma_start3A_258 : memref<10008x128xf32, #tpu.memory_space<vmem_shared>>) offsets(%dma_start3A_255 : memref<128xi32, #tpu.memory_space<vmem>>) semaphore(%run_scoped3A : memref<!tpu.dma_semaphore, #tpu.memory_space<semaphore_mem>>) {add = true}
              %dma_wait3A_259 = arith.constant 0 : i32
              %dma_wait3A_260 = tpu.memref_slice %arg13[%and3A_232, %dma_wait3A_259] : memref<16x128xi32, #tpu.memory_space<vmem>> -> memref<1x128xi32, #tpu.memory_space<vmem>>
              %dma_wait3A_261 = tpu.memref_squeeze %dma_wait3A_260 : memref<1x128xi32, #tpu.memory_space<vmem>> -> memref<128xi32, #tpu.memory_space<vmem>>
              %dma_wait3A_262 = arith.constant 0 : i32
              %dma_wait3A_263 = arith.constant 0 : i32
              %dma_wait3A_264 = tpu.memref_slice %arg17[%dma_wait3A_262, %dma_wait3A_263] : memref<10008x128xf32, #tpu.memory_space<vmem_shared>> -> memref<10008x128xf32, #tpu.memory_space<vmem_shared>>
              tpu.wait_indirect_dma semaphore(%run_scoped3A : memref<!tpu.dma_semaphore, #tpu.memory_space<semaphore_mem>>) src(%arg14 : memref<128x128xf32, #tpu.memory_space<vmem>>) dst(%dma_wait3A_264 : memref<10008x128xf32, #tpu.memory_space<vmem_shared>>)
              tpu.yield
            }) : () -> ()
          } else {
          }
          %and3A_223 = arith.constant 1 : i32
          %and3A_224 = arith.andi %while3A_214, %and3A_223 : i32
          %eq3A_225 = arith.constant 1 : i32
          %eq3A_226 = arith.cmpi eq, %and3A_224, %eq3A_225 : i32
          %convert_element_type3A_227 = arith.extui %eq3A_226 : i1 to i32
          %cond3A_228 = arith.constant 0 : i32
          %cond3A_229 = arith.cmpi ne, %convert_element_type3A_227, %cond3A_228 : i32
          scf.if %cond3A_229 {
            %and3A_231 = arith.constant 15 : i32
            %and3A_232 = arith.andi %while3A_214, %and3A_231 : i32
            %add3A_233 = arith.constant 1 : i32
            %add3A_234 = arith.addi %while3A_214, %add3A_233 : i32
            %and3A_235 = arith.constant 15 : i32
            %and3A_236 = arith.andi %add3A_234, %and3A_235 : i32
            %eq3A_237 = arith.cmpi eq, %while3A_214, %scan3A_164 : i32
            %convert_element_type3A_238 = arith.extui %eq3A_237 : i1 to i32
            %cond3A_239 = arith.constant 0 : i32
            %cond3A_240 = arith.cmpi ne, %convert_element_type3A_238, %cond3A_239 : i32
            scf.if %cond3A_240 {
              %dma_start3A_253 = arith.constant 0 : i32
              %dma_start3A_254 = tpu.memref_slice %arg12[%and3A_232, %dma_start3A_253] : memref<16x128xi32, #tpu.memory_space<vmem>> -> memref<1x128xi32, #tpu.memory_space<vmem>>
              %dma_start3A_255 = tpu.memref_squeeze %dma_start3A_254 : memref<1x128xi32, #tpu.memory_space<vmem>> -> memref<128xi32, #tpu.memory_space<vmem>>
              %dma_start3A_256 = arith.constant 0 : i32
              %dma_start3A_257 = arith.constant 0 : i32
              %dma_start3A_258 = tpu.memref_slice %arg2[%dma_start3A_256, %dma_start3A_257] : memref<100000x128xf32, #tpu.memory_space<hbm>> -> memref<100000x128xf32, #tpu.memory_space<hbm>>
              tpu.enqueue_indirect_dma source(%dma_start3A_258 : memref<100000x128xf32, #tpu.memory_space<hbm>>) target(%arg15 : memref<128x128xf32, #tpu.memory_space<vmem>>) offsets(%dma_start3A_255 : memref<128xi32, #tpu.memory_space<vmem>>) semaphore(%arg21 : memref<!tpu.dma_semaphore, #tpu.memory_space<semaphore_mem>>)
            } else {
            }
            %dma_wait3A_241 = arith.constant 0 : i32
            %dma_wait3A_242 = tpu.memref_slice %arg12[%and3A_232, %dma_wait3A_241] : memref<16x128xi32, #tpu.memory_space<vmem>> -> memref<1x128xi32, #tpu.memory_space<vmem>>
            %dma_wait3A_243 = tpu.memref_squeeze %dma_wait3A_242 : memref<1x128xi32, #tpu.memory_space<vmem>> -> memref<128xi32, #tpu.memory_space<vmem>>
            %dma_wait3A_244 = arith.constant 0 : i32
            %dma_wait3A_245 = arith.constant 0 : i32
            %dma_wait3A_246 = tpu.memref_slice %arg2[%dma_wait3A_244, %dma_wait3A_245] : memref<100000x128xf32, #tpu.memory_space<hbm>> -> memref<100000x128xf32, #tpu.memory_space<hbm>>
            tpu.wait_indirect_dma semaphore(%arg21 : memref<!tpu.dma_semaphore, #tpu.memory_space<semaphore_mem>>) src(%dma_wait3A_246 : memref<100000x128xf32, #tpu.memory_space<hbm>>) dst(%arg15 : memref<128x128xf32, #tpu.memory_space<vmem>>)
            %add3A_247 = arith.constant 1 : i32
            %add3A_248 = arith.addi %while3A_214, %add3A_247 : i32
            %lt3A_249 = arith.cmpi slt, %add3A_248, %shift_right_arithmetic3A_203 : i32
            %convert_element_type3A_250 = arith.extui %lt3A_249 : i1 to i32
            %cond3A_251 = arith.constant 0 : i32
            %cond3A_252 = arith.cmpi ne, %convert_element_type3A_250, %cond3A_251 : i32
            scf.if %cond3A_252 {
              %dma_start3A_253 = arith.constant 0 : i32
              %dma_start3A_254 = tpu.memref_slice %arg12[%and3A_236, %dma_start3A_253] : memref<16x128xi32, #tpu.memory_space<vmem>> -> memref<1x128xi32, #tpu.memory_space<vmem>>
              %dma_start3A_255 = tpu.memref_squeeze %dma_start3A_254 : memref<1x128xi32, #tpu.memory_space<vmem>> -> memref<128xi32, #tpu.memory_space<vmem>>
              %dma_start3A_256 = arith.constant 0 : i32
              %dma_start3A_257 = arith.constant 0 : i32
              %dma_start3A_258 = tpu.memref_slice %arg2[%dma_start3A_256, %dma_start3A_257] : memref<100000x128xf32, #tpu.memory_space<hbm>> -> memref<100000x128xf32, #tpu.memory_space<hbm>>
              tpu.enqueue_indirect_dma source(%dma_start3A_258 : memref<100000x128xf32, #tpu.memory_space<hbm>>) target(%arg14 : memref<128x128xf32, #tpu.memory_space<vmem>>) offsets(%dma_start3A_255 : memref<128xi32, #tpu.memory_space<vmem>>) semaphore(%arg20 : memref<!tpu.dma_semaphore, #tpu.memory_space<semaphore_mem>>)
            } else {
            }
            "tpu.region"() ({
              %run_scoped3A = tpu.sem_alloc : memref<!tpu.dma_semaphore, #tpu.memory_space<semaphore_mem>>
              %dma_start3A_253 = arith.constant 0 : i32
              %dma_start3A_254 = tpu.memref_slice %arg13[%and3A_232, %dma_start3A_253] : memref<16x128xi32, #tpu.memory_space<vmem>> -> memref<1x128xi32, #tpu.memory_space<vmem>>
              %dma_start3A_255 = tpu.memref_squeeze %dma_start3A_254 : memref<1x128xi32, #tpu.memory_space<vmem>> -> memref<128xi32, #tpu.memory_space<vmem>>
              %dma_start3A_256 = arith.constant 0 : i32
              %dma_start3A_257 = arith.constant 0 : i32
              %dma_start3A_258 = tpu.memref_slice %arg17[%dma_start3A_256, %dma_start3A_257] : memref<10008x128xf32, #tpu.memory_space<vmem_shared>> -> memref<10008x128xf32, #tpu.memory_space<vmem_shared>>
              tpu.enqueue_indirect_dma source(%arg15 : memref<128x128xf32, #tpu.memory_space<vmem>>) target(%dma_start3A_258 : memref<10008x128xf32, #tpu.memory_space<vmem_shared>>) offsets(%dma_start3A_255 : memref<128xi32, #tpu.memory_space<vmem>>) semaphore(%run_scoped3A : memref<!tpu.dma_semaphore, #tpu.memory_space<semaphore_mem>>) {add = true}
              %dma_wait3A_259 = arith.constant 0 : i32
              %dma_wait3A_260 = tpu.memref_slice %arg13[%and3A_232, %dma_wait3A_259] : memref<16x128xi32, #tpu.memory_space<vmem>> -> memref<1x128xi32, #tpu.memory_space<vmem>>
              %dma_wait3A_261 = tpu.memref_squeeze %dma_wait3A_260 : memref<1x128xi32, #tpu.memory_space<vmem>> -> memref<128xi32, #tpu.memory_space<vmem>>
              %dma_wait3A_262 = arith.constant 0 : i32
              %dma_wait3A_263 = arith.constant 0 : i32
              %dma_wait3A_264 = tpu.memref_slice %arg17[%dma_wait3A_262, %dma_wait3A_263] : memref<10008x128xf32, #tpu.memory_space<vmem_shared>> -> memref<10008x128xf32, #tpu.memory_space<vmem_shared>>
              tpu.wait_indirect_dma semaphore(%run_scoped3A : memref<!tpu.dma_semaphore, #tpu.memory_space<semaphore_mem>>) src(%arg15 : memref<128x128xf32, #tpu.memory_space<vmem>>) dst(%dma_wait3A_264 : memref<10008x128xf32, #tpu.memory_space<vmem_shared>>)
              tpu.yield
            }) : () -> ()
          } else {
          }
          %while3A_230 = arith.constant 0 : i32
          scf.yield %while3A_230 : i32
        }
        %while3A_212 = arith.constant 1 : i32
        %while3A_213 = scf.for %while3A_214 = %while3A_209 to %while3A_205 step %while3A_212 iter_args(%while3A_215 = %while3A_211) -> (i32)  : i32 {
          %and3A_216 = arith.constant 1 : i32
          %and3A_217 = arith.andi %while3A_214, %and3A_216 : i32
          %eq3A_218 = arith.constant 0 : i32
          %eq3A_219 = arith.cmpi eq, %and3A_217, %eq3A_218 : i32
          %convert_element_type3A_220 = arith.extui %eq3A_219 : i1 to i32
          %cond3A_221 = arith.constant 0 : i32
          %cond3A_222 = arith.cmpi ne, %convert_element_type3A_220, %cond3A_221 : i32
          scf.if %cond3A_222 {
            %and3A_231 = arith.constant 15 : i32
            %and3A_232 = arith.andi %while3A_214, %and3A_231 : i32
            %add3A_233 = arith.constant 1 : i32
            %add3A_234 = arith.addi %while3A_214, %add3A_233 : i32
            %and3A_235 = arith.constant 15 : i32
            %and3A_236 = arith.andi %add3A_234, %and3A_235 : i32
            %eq3A_237 = arith.cmpi eq, %while3A_214, %scan3A_164 : i32
            %convert_element_type3A_238 = arith.extui %eq3A_237 : i1 to i32
            %cond3A_239 = arith.constant 0 : i32
            %cond3A_240 = arith.cmpi ne, %convert_element_type3A_238, %cond3A_239 : i32
            scf.if %cond3A_240 {
              %dma_start3A_253 = arith.constant 0 : i32
              %dma_start3A_254 = tpu.memref_slice %arg12[%and3A_232, %dma_start3A_253] : memref<16x128xi32, #tpu.memory_space<vmem>> -> memref<1x128xi32, #tpu.memory_space<vmem>>
              %dma_start3A_255 = tpu.memref_squeeze %dma_start3A_254 : memref<1x128xi32, #tpu.memory_space<vmem>> -> memref<128xi32, #tpu.memory_space<vmem>>
              %dma_start3A_256 = arith.constant 0 : i32
              %dma_start3A_257 = arith.constant 0 : i32
              %dma_start3A_258 = tpu.memref_slice %arg2[%dma_start3A_256, %dma_start3A_257] : memref<100000x128xf32, #tpu.memory_space<hbm>> -> memref<100000x128xf32, #tpu.memory_space<hbm>>
              tpu.enqueue_indirect_dma source(%dma_start3A_258 : memref<100000x128xf32, #tpu.memory_space<hbm>>) target(%arg14 : memref<128x128xf32, #tpu.memory_space<vmem>>) offsets(%dma_start3A_255 : memref<128xi32, #tpu.memory_space<vmem>>) semaphore(%arg20 : memref<!tpu.dma_semaphore, #tpu.memory_space<semaphore_mem>>)
            } else {
            }
            %dma_wait3A_241 = arith.constant 0 : i32
            %dma_wait3A_242 = tpu.memref_slice %arg12[%and3A_232, %dma_wait3A_241] : memref<16x128xi32, #tpu.memory_space<vmem>> -> memref<1x128xi32, #tpu.memory_space<vmem>>
            %dma_wait3A_243 = tpu.memref_squeeze %dma_wait3A_242 : memref<1x128xi32, #tpu.memory_space<vmem>> -> memref<128xi32, #tpu.memory_space<vmem>>
            %dma_wait3A_244 = arith.constant 0 : i32
            %dma_wait3A_245 = arith.constant 0 : i32
            %dma_wait3A_246 = tpu.memref_slice %arg2[%dma_wait3A_244, %dma_wait3A_245] : memref<100000x128xf32, #tpu.memory_space<hbm>> -> memref<100000x128xf32, #tpu.memory_space<hbm>>
            tpu.wait_indirect_dma semaphore(%arg20 : memref<!tpu.dma_semaphore, #tpu.memory_space<semaphore_mem>>) src(%dma_wait3A_246 : memref<100000x128xf32, #tpu.memory_space<hbm>>) dst(%arg14 : memref<128x128xf32, #tpu.memory_space<vmem>>)
            %add3A_247 = arith.constant 1 : i32
            %add3A_248 = arith.addi %while3A_214, %add3A_247 : i32
            %lt3A_249 = arith.cmpi slt, %add3A_248, %shift_right_arithmetic3A_203 : i32
            %convert_element_type3A_250 = arith.extui %lt3A_249 : i1 to i32
            %cond3A_251 = arith.constant 0 : i32
            %cond3A_252 = arith.cmpi ne, %convert_element_type3A_250, %cond3A_251 : i32
            scf.if %cond3A_252 {
              %dma_start3A_253 = arith.constant 0 : i32
              %dma_start3A_254 = tpu.memref_slice %arg12[%and3A_236, %dma_start3A_253] : memref<16x128xi32, #tpu.memory_space<vmem>> -> memref<1x128xi32, #tpu.memory_space<vmem>>
              %dma_start3A_255 = tpu.memref_squeeze %dma_start3A_254 : memref<1x128xi32, #tpu.memory_space<vmem>> -> memref<128xi32, #tpu.memory_space<vmem>>
              %dma_start3A_256 = arith.constant 0 : i32
              %dma_start3A_257 = arith.constant 0 : i32
              %dma_start3A_258 = tpu.memref_slice %arg2[%dma_start3A_256, %dma_start3A_257] : memref<100000x128xf32, #tpu.memory_space<hbm>> -> memref<100000x128xf32, #tpu.memory_space<hbm>>
              tpu.enqueue_indirect_dma source(%dma_start3A_258 : memref<100000x128xf32, #tpu.memory_space<hbm>>) target(%arg15 : memref<128x128xf32, #tpu.memory_space<vmem>>) offsets(%dma_start3A_255 : memref<128xi32, #tpu.memory_space<vmem>>) semaphore(%arg21 : memref<!tpu.dma_semaphore, #tpu.memory_space<semaphore_mem>>)
            } else {
            }
            "tpu.region"() ({
              %run_scoped3A = tpu.sem_alloc : memref<!tpu.dma_semaphore, #tpu.memory_space<semaphore_mem>>
              %dma_start3A_253 = arith.constant 0 : i32
              %dma_start3A_254 = tpu.memref_slice %arg13[%and3A_232, %dma_start3A_253] : memref<16x128xi32, #tpu.memory_space<vmem>> -> memref<1x128xi32, #tpu.memory_space<vmem>>
              %dma_start3A_255 = tpu.memref_squeeze %dma_start3A_254 : memref<1x128xi32, #tpu.memory_space<vmem>> -> memref<128xi32, #tpu.memory_space<vmem>>
              %dma_start3A_256 = arith.constant 0 : i32
              %dma_start3A_257 = arith.constant 0 : i32
              %dma_start3A_258 = tpu.memref_slice %arg17[%dma_start3A_256, %dma_start3A_257] : memref<10008x128xf32, #tpu.memory_space<vmem_shared>> -> memref<10008x128xf32, #tpu.memory_space<vmem_shared>>
              tpu.enqueue_indirect_dma source(%arg14 : memref<128x128xf32, #tpu.memory_space<vmem>>) target(%dma_start3A_258 : memref<10008x128xf32, #tpu.memory_space<vmem_shared>>) offsets(%dma_start3A_255 : memref<128xi32, #tpu.memory_space<vmem>>) semaphore(%run_scoped3A : memref<!tpu.dma_semaphore, #tpu.memory_space<semaphore_mem>>) {add = true}
              %dma_wait3A_259 = arith.constant 0 : i32
              %dma_wait3A_260 = tpu.memref_slice %arg13[%and3A_232, %dma_wait3A_259] : memref<16x128xi32, #tpu.memory_space<vmem>> -> memref<1x128xi32, #tpu.memory_space<vmem>>
              %dma_wait3A_261 = tpu.memref_squeeze %dma_wait3A_260 : memref<1x128xi32, #tpu.memory_space<vmem>> -> memref<128xi32, #tpu.memory_space<vmem>>
              %dma_wait3A_262 = arith.constant 0 : i32
              %dma_wait3A_263 = arith.constant 0 : i32
              %dma_wait3A_264 = tpu.memref_slice %arg17[%dma_wait3A_262, %dma_wait3A_263] : memref<10008x128xf32, #tpu.memory_space<vmem_shared>> -> memref<10008x128xf32, #tpu.memory_space<vmem_shared>>
              tpu.wait_indirect_dma semaphore(%run_scoped3A : memref<!tpu.dma_semaphore, #tpu.memory_space<semaphore_mem>>) src(%arg14 : memref<128x128xf32, #tpu.memory_space<vmem>>) dst(%dma_wait3A_264 : memref<10008x128xf32, #tpu.memory_space<vmem_shared>>)
              tpu.yield
            }) : () -> ()
          } else {
          }
          %and3A_223 = arith.constant 1 : i32
          %and3A_224 = arith.andi %while3A_214, %and3A_223 : i32
          %eq3A_225 = arith.constant 1 : i32
          %eq3A_226 = arith.cmpi eq, %and3A_224, %eq3A_225 : i32
          %convert_element_type3A_227 = arith.extui %eq3A_226 : i1 to i32
          %cond3A_228 = arith.constant 0 : i32
          %cond3A_229 = arith.cmpi ne, %convert_element_type3A_227, %cond3A_228 : i32
          scf.if %cond3A_229 {
            %and3A_231 = arith.constant 15 : i32
            %and3A_232 = arith.andi %while3A_214, %and3A_231 : i32
            %add3A_233 = arith.constant 1 : i32
            %add3A_234 = arith.addi %while3A_214, %add3A_233 : i32
            %and3A_235 = arith.constant 15 : i32
            %and3A_236 = arith.andi %add3A_234, %and3A_235 : i32
            %eq3A_237 = arith.cmpi eq, %while3A_214, %scan3A_164 : i32
            %convert_element_type3A_238 = arith.extui %eq3A_237 : i1 to i32
            %cond3A_239 = arith.constant 0 : i32
            %cond3A_240 = arith.cmpi ne, %convert_element_type3A_238, %cond3A_239 : i32
            scf.if %cond3A_240 {
              %dma_start3A_253 = arith.constant 0 : i32
              %dma_start3A_254 = tpu.memref_slice %arg12[%and3A_232, %dma_start3A_253] : memref<16x128xi32, #tpu.memory_space<vmem>> -> memref<1x128xi32, #tpu.memory_space<vmem>>
              %dma_start3A_255 = tpu.memref_squeeze %dma_start3A_254 : memref<1x128xi32, #tpu.memory_space<vmem>> -> memref<128xi32, #tpu.memory_space<vmem>>
              %dma_start3A_256 = arith.constant 0 : i32
              %dma_start3A_257 = arith.constant 0 : i32
              %dma_start3A_258 = tpu.memref_slice %arg2[%dma_start3A_256, %dma_start3A_257] : memref<100000x128xf32, #tpu.memory_space<hbm>> -> memref<100000x128xf32, #tpu.memory_space<hbm>>
              tpu.enqueue_indirect_dma source(%dma_start3A_258 : memref<100000x128xf32, #tpu.memory_space<hbm>>) target(%arg15 : memref<128x128xf32, #tpu.memory_space<vmem>>) offsets(%dma_start3A_255 : memref<128xi32, #tpu.memory_space<vmem>>) semaphore(%arg21 : memref<!tpu.dma_semaphore, #tpu.memory_space<semaphore_mem>>)
            } else {
            }
            %dma_wait3A_241 = arith.constant 0 : i32
            %dma_wait3A_242 = tpu.memref_slice %arg12[%and3A_232, %dma_wait3A_241] : memref<16x128xi32, #tpu.memory_space<vmem>> -> memref<1x128xi32, #tpu.memory_space<vmem>>
            %dma_wait3A_243 = tpu.memref_squeeze %dma_wait3A_242 : memref<1x128xi32, #tpu.memory_space<vmem>> -> memref<128xi32, #tpu.memory_space<vmem>>
            %dma_wait3A_244 = arith.constant 0 : i32
            %dma_wait3A_245 = arith.constant 0 : i32
            %dma_wait3A_246 = tpu.memref_slice %arg2[%dma_wait3A_244, %dma_wait3A_245] : memref<100000x128xf32, #tpu.memory_space<hbm>> -> memref<100000x128xf32, #tpu.memory_space<hbm>>
            tpu.wait_indirect_dma semaphore(%arg21 : memref<!tpu.dma_semaphore, #tpu.memory_space<semaphore_mem>>) src(%dma_wait3A_246 : memref<100000x128xf32, #tpu.memory_space<hbm>>) dst(%arg15 : memref<128x128xf32, #tpu.memory_space<vmem>>)
            %add3A_247 = arith.constant 1 : i32
            %add3A_248 = arith.addi %while3A_214, %add3A_247 : i32
            %lt3A_249 = arith.cmpi slt, %add3A_248, %shift_right_arithmetic3A_203 : i32
            %convert_element_type3A_250 = arith.extui %lt3A_249 : i1 to i32
            %cond3A_251 = arith.constant 0 : i32
            %cond3A_252 = arith.cmpi ne, %convert_element_type3A_250, %cond3A_251 : i32
            scf.if %cond3A_252 {
              %dma_start3A_253 = arith.constant 0 : i32
              %dma_start3A_254 = tpu.memref_slice %arg12[%and3A_236, %dma_start3A_253] : memref<16x128xi32, #tpu.memory_space<vmem>> -> memref<1x128xi32, #tpu.memory_space<vmem>>
              %dma_start3A_255 = tpu.memref_squeeze %dma_start3A_254 : memref<1x128xi32, #tpu.memory_space<vmem>> -> memref<128xi32, #tpu.memory_space<vmem>>
              %dma_start3A_256 = arith.constant 0 : i32
              %dma_start3A_257 = arith.constant 0 : i32
              %dma_start3A_258 = tpu.memref_slice %arg2[%dma_start3A_256, %dma_start3A_257] : memref<100000x128xf32, #tpu.memory_space<hbm>> -> memref<100000x128xf32, #tpu.memory_space<hbm>>
              tpu.enqueue_indirect_dma source(%dma_start3A_258 : memref<100000x128xf32, #tpu.memory_space<hbm>>) target(%arg14 : memref<128x128xf32, #tpu.memory_space<vmem>>) offsets(%dma_start3A_255 : memref<128xi32, #tpu.memory_space<vmem>>) semaphore(%arg20 : memref<!tpu.dma_semaphore, #tpu.memory_space<semaphore_mem>>)
            } else {
            }
            "tpu.region"() ({
              %run_scoped3A = tpu.sem_alloc : memref<!tpu.dma_semaphore, #tpu.memory_space<semaphore_mem>>
              %dma_start3A_253 = arith.constant 0 : i32
              %dma_start3A_254 = tpu.memref_slice %arg13[%and3A_232, %dma_start3A_253] : memref<16x128xi32, #tpu.memory_space<vmem>> -> memref<1x128xi32, #tpu.memory_space<vmem>>
              %dma_start3A_255 = tpu.memref_squeeze %dma_start3A_254 : memref<1x128xi32, #tpu.memory_space<vmem>> -> memref<128xi32, #tpu.memory_space<vmem>>
              %dma_start3A_256 = arith.constant 0 : i32
              %dma_start3A_257 = arith.constant 0 : i32
              %dma_start3A_258 = tpu.memref_slice %arg17[%dma_start3A_256, %dma_start3A_257] : memref<10008x128xf32, #tpu.memory_space<vmem_shared>> -> memref<10008x128xf32, #tpu.memory_space<vmem_shared>>
              tpu.enqueue_indirect_dma source(%arg15 : memref<128x128xf32, #tpu.memory_space<vmem>>) target(%dma_start3A_258 : memref<10008x128xf32, #tpu.memory_space<vmem_shared>>) offsets(%dma_start3A_255 : memref<128xi32, #tpu.memory_space<vmem>>) semaphore(%run_scoped3A : memref<!tpu.dma_semaphore, #tpu.memory_space<semaphore_mem>>) {add = true}
              %dma_wait3A_259 = arith.constant 0 : i32
              %dma_wait3A_260 = tpu.memref_slice %arg13[%and3A_232, %dma_wait3A_259] : memref<16x128xi32, #tpu.memory_space<vmem>> -> memref<1x128xi32, #tpu.memory_space<vmem>>
              %dma_wait3A_261 = tpu.memref_squeeze %dma_wait3A_260 : memref<1x128xi32, #tpu.memory_space<vmem>> -> memref<128xi32, #tpu.memory_space<vmem>>
              %dma_wait3A_262 = arith.constant 0 : i32
              %dma_wait3A_263 = arith.constant 0 : i32
              %dma_wait3A_264 = tpu.memref_slice %arg17[%dma_wait3A_262, %dma_wait3A_263] : memref<10008x128xf32, #tpu.memory_space<vmem_shared>> -> memref<10008x128xf32, #tpu.memory_space<vmem_shared>>
              tpu.wait_indirect_dma semaphore(%run_scoped3A : memref<!tpu.dma_semaphore, #tpu.memory_space<semaphore_mem>>) src(%arg15 : memref<128x128xf32, #tpu.memory_space<vmem>>) dst(%dma_wait3A_264 : memref<10008x128xf32, #tpu.memory_space<vmem_shared>>)
              tpu.yield
            }) : () -> ()
          } else {
          }
          %while3A_230 = arith.constant 0 : i32
          scf.yield %while3A_230 : i32
        }
        scf.yield %parallel_loop3A_193, %shift_right_arithmetic3A_203 : vector<16xi32>, i32
      }
      %scan3A_105 = arith.constant 16 : i32
      %reduce_max3A = arith.constant true
      %reduce_max3A_106 = vector.broadcast %reduce_max3A : i1 to vector<16xi1>
      %reduce_max3A_107 = arith.constant -2147483648 : i32
      %reduce_max3A_108 = vector.broadcast %reduce_max3A_107 : i32 to vector<16xi32>
      %reduce_max3A_109 = arith.xori %scan3A_104#0, %reduce_max3A_108 : vector<16xi32>
      %reduce_max3A_110 = tpu.scan <max>, %reduce_max3A_109 masked %reduce_max3A_106 : vector<16xi32>, vector<16xi1> -> vector<16xi32>
      %reduce_max3A_111 = arith.xori %reduce_max3A_110, %reduce_max3A_108 : vector<16xi32>
      %reduce_max3A_112 = vector.extract %reduce_max3A_111[15] : i32 from vector<16xi32>
      %add3A_113 = arith.constant 127 : i32
      %add3A_114 = arith.addi %reduce_max3A_112, %add3A_113 : i32
      %shift_right_arithmetic3A = arith.constant 7 : i32
      %shift_right_arithmetic3A_115 = arith.shrsi %add3A_114, %shift_right_arithmetic3A : i32
      %mul3A_116 = arith.constant 128 : i32
      %mul3A_117 = arith.muli %shift_right_arithmetic3A_115, %mul3A_116 : i32
      %scan3A_118 = arith.constant 0 : i32
      %scan3A_119 = arith.constant 0 : i32
      %scan3A_120 = arith.constant 8 : i32
      %scan3A_121 = arith.addi %scan3A_119, %scan3A_120 : i32
      %scan3A_122 = arith.constant 1 : i32
      %scan3A_123 = scf.for %scan3A_162 = %scan3A_119 to %scan3A_121 step %scan3A_122 iter_args(%scan3A_163 = %scan3A_118) -> (i32)  : i32 {
        %mul3A_164 = arith.constant 16 : i32
        %mul3A_165 = arith.muli %scan3A_162, %mul3A_164 : i32
        %add3A_166 = arith.addi %reduce_max3A_112, %mul3A_165 : i32
        %add3A_167 = vector.broadcast %add3A_166 : i32 to vector<16xi32>
        %add3A_168 = arith.addi %add3A_167, %iota3A : vector<16xi32>
        %lt3A = vector.broadcast %mul3A_117 : i32 to vector<16xi32>
        %lt3A_169 = arith.cmpi slt, %add3A_168, %lt3A : vector<16xi32>
        %shift_right_arithmetic3A_170 = arith.constant 7 : i32
        %shift_right_arithmetic3A_171 = vector.broadcast %shift_right_arithmetic3A_170 : i32 to vector<16xi32>
        %shift_right_arithmetic3A_172 = arith.shrsi %add3A_168, %shift_right_arithmetic3A_171 : vector<16xi32>
        %and3A = arith.constant 15 : i32
        %and3A_173 = vector.broadcast %and3A : i32 to vector<16xi32>
        %and3A_174 = arith.andi %shift_right_arithmetic3A_172, %and3A_173 : vector<16xi32>
        %and3A_175 = arith.constant 127 : i32
        %and3A_176 = vector.broadcast %and3A_175 : i32 to vector<16xi32>
        %and3A_177 = arith.andi %add3A_168, %and3A_176 : vector<16xi32>
        %broadcast_in_dim3A_178 = arith.constant 0 : i32
        %broadcast_in_dim3A_179 = vector.broadcast %broadcast_in_dim3A_178 : i32 to vector<16xi32>
        tpu.vector_store_idx %arg12[%and3A_174, %and3A_177], %broadcast_in_dim3A_179 masked %lt3A_169 : memref<16x128xi32, #tpu.memory_space<vmem>>[vector<16xi32>, vector<16xi32>], vector<16xi32>, vector<16xi1>
        %broadcast_in_dim3A_180 = arith.constant 10000 : i32
        %broadcast_in_dim3A_181 = vector.broadcast %broadcast_in_dim3A_180 : i32 to vector<16xi32>
        tpu.vector_store_idx %arg13[%and3A_174, %and3A_177], %broadcast_in_dim3A_181 masked %lt3A_169 : memref<16x128xi32, #tpu.memory_space<vmem>>[vector<16xi32>, vector<16xi32>], vector<16xi32>, vector<16xi1>
        %scan3A_182 = arith.constant 0 : i32
        scf.yield %scan3A_182 : i32
      }
      %scan3A_124 = arith.constant 8 : i32
      %gt3A = arith.cmpi sgt, %shift_right_arithmetic3A_115, %scan3A_104#1 : i32
      %convert_element_type3A_125 = arith.extui %gt3A : i1 to i32
      %cond3A_126 = arith.constant 0 : i32
      %cond3A_127 = arith.cmpi ne, %convert_element_type3A_125, %cond3A_126 : i32
      scf.if %cond3A_127 {
        %and3A = arith.constant 15 : i32
        %and3A_162 = arith.andi %scan3A_104#1, %and3A : i32
        %dma_start3A_163 = arith.constant 0 : i32
        %dma_start3A_164 = tpu.memref_slice %arg12[%and3A_162, %dma_start3A_163] : memref<16x128xi32, #tpu.memory_space<vmem>> -> memref<1x128xi32, #tpu.memory_space<vmem>>
        %dma_start3A_165 = tpu.memref_squeeze %dma_start3A_164 : memref<1x128xi32, #tpu.memory_space<vmem>> -> memref<128xi32, #tpu.memory_space<vmem>>
        %dma_start3A_166 = arith.constant 0 : i32
        %dma_start3A_167 = arith.constant 0 : i32
        %dma_start3A_168 = tpu.memref_slice %arg2[%dma_start3A_166, %dma_start3A_167] : memref<100000x128xf32, #tpu.memory_space<hbm>> -> memref<100000x128xf32, #tpu.memory_space<hbm>>
        tpu.enqueue_indirect_dma source(%dma_start3A_168 : memref<100000x128xf32, #tpu.memory_space<hbm>>) target(%arg14 : memref<128x128xf32, #tpu.memory_space<vmem>>) offsets(%dma_start3A_165 : memref<128xi32, #tpu.memory_space<vmem>>) semaphore(%arg20 : memref<!tpu.dma_semaphore, #tpu.memory_space<semaphore_mem>>)
        %dma_wait3A_169 = arith.constant 0 : i32
        %dma_wait3A_170 = tpu.memref_slice %arg12[%and3A_162, %dma_wait3A_169] : memref<16x128xi32, #tpu.memory_space<vmem>> -> memref<1x128xi32, #tpu.memory_space<vmem>>
        %dma_wait3A_171 = tpu.memref_squeeze %dma_wait3A_170 : memref<1x128xi32, #tpu.memory_space<vmem>> -> memref<128xi32, #tpu.memory_space<vmem>>
        %dma_wait3A_172 = arith.constant 0 : i32
        %dma_wait3A_173 = arith.constant 0 : i32
        %dma_wait3A_174 = tpu.memref_slice %arg2[%dma_wait3A_172, %dma_wait3A_173] : memref<100000x128xf32, #tpu.memory_space<hbm>> -> memref<100000x128xf32, #tpu.memory_space<hbm>>
        tpu.wait_indirect_dma semaphore(%arg20 : memref<!tpu.dma_semaphore, #tpu.memory_space<semaphore_mem>>) src(%dma_wait3A_174 : memref<100000x128xf32, #tpu.memory_space<hbm>>) dst(%arg14 : memref<128x128xf32, #tpu.memory_space<vmem>>)
        "tpu.region"() ({
          %run_scoped3A = tpu.sem_alloc : memref<!tpu.dma_semaphore, #tpu.memory_space<semaphore_mem>>
          %dma_start3A_175 = arith.constant 0 : i32
          %dma_start3A_176 = tpu.memref_slice %arg13[%and3A_162, %dma_start3A_175] : memref<16x128xi32, #tpu.memory_space<vmem>> -> memref<1x128xi32, #tpu.memory_space<vmem>>
          %dma_start3A_177 = tpu.memref_squeeze %dma_start3A_176 : memref<1x128xi32, #tpu.memory_space<vmem>> -> memref<128xi32, #tpu.memory_space<vmem>>
          %dma_start3A_178 = arith.constant 0 : i32
          %dma_start3A_179 = arith.constant 0 : i32
          %dma_start3A_180 = tpu.memref_slice %arg17[%dma_start3A_178, %dma_start3A_179] : memref<10008x128xf32, #tpu.memory_space<vmem_shared>> -> memref<10008x128xf32, #tpu.memory_space<vmem_shared>>
          tpu.enqueue_indirect_dma source(%arg14 : memref<128x128xf32, #tpu.memory_space<vmem>>) target(%dma_start3A_180 : memref<10008x128xf32, #tpu.memory_space<vmem_shared>>) offsets(%dma_start3A_177 : memref<128xi32, #tpu.memory_space<vmem>>) semaphore(%run_scoped3A : memref<!tpu.dma_semaphore, #tpu.memory_space<semaphore_mem>>) {add = true}
          %dma_wait3A_181 = arith.constant 0 : i32
          %dma_wait3A_182 = tpu.memref_slice %arg13[%and3A_162, %dma_wait3A_181] : memref<16x128xi32, #tpu.memory_space<vmem>> -> memref<1x128xi32, #tpu.memory_space<vmem>>
          %dma_wait3A_183 = tpu.memref_squeeze %dma_wait3A_182 : memref<1x128xi32, #tpu.memory_space<vmem>> -> memref<128xi32, #tpu.memory_space<vmem>>
          %dma_wait3A_184 = arith.constant 0 : i32
          %dma_wait3A_185 = arith.constant 0 : i32
          %dma_wait3A_186 = tpu.memref_slice %arg17[%dma_wait3A_184, %dma_wait3A_185] : memref<10008x128xf32, #tpu.memory_space<vmem_shared>> -> memref<10008x128xf32, #tpu.memory_space<vmem_shared>>
          tpu.wait_indirect_dma semaphore(%run_scoped3A : memref<!tpu.dma_semaphore, #tpu.memory_space<semaphore_mem>>) src(%arg14 : memref<128x128xf32, #tpu.memory_space<vmem>>) dst(%dma_wait3A_186 : memref<10008x128xf32, #tpu.memory_space<vmem_shared>>)
          tpu.yield
        }) : () -> ()
      } else {
      }
      %barrier3A_128 = arith.constant 0 : index
      tpu.barrier barrier_id(%barrier3A_128)
      %scan3A_129 = arith.constant 0 : i32
      %scan3A_130 = arith.constant 0 : i32
      %scan3A_131 = arith.constant 9 : i32
      %scan3A_132 = arith.addi %scan3A_130, %scan3A_131 : i32
      %scan3A_133 = arith.constant 1 : i32
      %scan3A_134 = scf.for %scan3A_162 = %scan3A_130 to %scan3A_132 step %scan3A_133 iter_args(%scan3A_163 = %scan3A_129) -> (i32)  : i32 {
        %mul3A_164 = arith.constant 64 : i32
        %mul3A_165 = arith.muli %scan3A_162, %mul3A_164 : i32
        %add3A_166 = arith.addi %mul3A_7, %mul3A_165 : i32
        %add3A_167 = arith.addi %mul3A_34, %mul3A_7 : i32
        %mul3A_168 = arith.constant 64 : i32
        %mul3A_169 = arith.muli %scan3A_162, %mul3A_168 : i32
        %add3A_170 = arith.addi %add3A_167, %mul3A_169 : i32
        %dma_start3A_171 = arith.constant 0 : i32
        %dma_start3A_172 = tpu.memref_slice %arg8[%add3A_170, %dma_start3A_171] : memref<100000x128xf32, #tpu.memory_space<hbm>> -> memref<64x128xf32, #tpu.memory_space<hbm>>
        %dma_start3A_173 = arith.constant 0 : i32
        %dma_start3A_174 = tpu.memref_slice %arg17[%add3A_166, %dma_start3A_173] : memref<10008x128xf32, #tpu.memory_space<vmem_shared>> -> memref<64x128xf32, #tpu.memory_space<vmem_shared>>
        tpu.enqueue_dma source(%dma_start3A_174 : memref<64x128xf32, #tpu.memory_space<vmem_shared>>) target(%dma_start3A_172 : memref<64x128xf32, #tpu.memory_space<hbm>>) target_semaphore(%arg18 : memref<!tpu.dma_semaphore, #tpu.memory_space<semaphore_mem>>)
        %scan3A_175 = arith.constant 0 : i32
        scf.yield %scan3A_175 : i32
      }
      %scan3A_135 = arith.constant 9 : i32
      %add3A_136 = arith.constant 576 : i32
      %add3A_137 = arith.addi %mul3A_7, %add3A_136 : i32
      %add3A_138 = arith.addi %mul3A_34, %mul3A_7 : i32
      %add3A_139 = arith.constant 576 : i32
      %add3A_140 = arith.addi %add3A_138, %add3A_139 : i32
      %dma_start3A_141 = arith.constant 0 : i32
      %dma_start3A_142 = tpu.memref_slice %arg8[%add3A_140, %dma_start3A_141] : memref<100000x128xf32, #tpu.memory_space<hbm>> -> memref<49x128xf32, #tpu.memory_space<hbm>>
      %dma_start3A_143 = arith.constant 0 : i32
      %dma_start3A_144 = tpu.memref_slice %arg17[%add3A_137, %dma_start3A_143] : memref<10008x128xf32, #tpu.memory_space<vmem_shared>> -> memref<49x128xf32, #tpu.memory_space<vmem_shared>>
      tpu.enqueue_dma source(%dma_start3A_144 : memref<49x128xf32, #tpu.memory_space<vmem_shared>>) target(%dma_start3A_142 : memref<49x128xf32, #tpu.memory_space<hbm>>) target_semaphore(%arg18 : memref<!tpu.dma_semaphore, #tpu.memory_space<semaphore_mem>>)
      %scan3A_145 = arith.constant 0 : i32
      %scan3A_146 = arith.constant 0 : i32
      %scan3A_147 = arith.constant 9 : i32
      %scan3A_148 = arith.addi %scan3A_146, %scan3A_147 : i32
      %scan3A_149 = arith.constant 1 : i32
      %scan3A_150 = scf.for %scan3A_162 = %scan3A_146 to %scan3A_148 step %scan3A_149 iter_args(%scan3A_163 = %scan3A_145) -> (i32)  : i32 {
        %mul3A_164 = arith.constant 64 : i32
        %mul3A_165 = arith.muli %scan3A_162, %mul3A_164 : i32
        %add3A_166 = arith.addi %mul3A_7, %mul3A_165 : i32
        %add3A_167 = arith.addi %mul3A_34, %mul3A_7 : i32
        %mul3A_168 = arith.constant 64 : i32
        %mul3A_169 = arith.muli %scan3A_162, %mul3A_168 : i32
        %add3A_170 = arith.addi %add3A_167, %mul3A_169 : i32
        %dma_wait3A_171 = arith.constant 0 : i32
        %dma_wait3A_172 = tpu.memref_slice %arg8[%add3A_170, %dma_wait3A_171] : memref<100000x128xf32, #tpu.memory_space<hbm>> -> memref<64x128xf32, #tpu.memory_space<hbm>>
        %dma_wait3A_173 = arith.constant 0 : i32
        %dma_wait3A_174 = tpu.memref_slice %arg17[%add3A_166, %dma_wait3A_173] : memref<10008x128xf32, #tpu.memory_space<vmem_shared>> -> memref<64x128xf32, #tpu.memory_space<vmem_shared>>
        tpu.wait_dma2 semaphore(%arg18 : memref<!tpu.dma_semaphore, #tpu.memory_space<semaphore_mem>>) src(%dma_wait3A_174 : memref<64x128xf32, #tpu.memory_space<vmem_shared>>) dst(%dma_wait3A_172 : memref<64x128xf32, #tpu.memory_space<hbm>>)
        %scan3A_175 = arith.constant 0 : i32
        scf.yield %scan3A_175 : i32
      }
      %scan3A_151 = arith.constant 9 : i32
      %add3A_152 = arith.constant 576 : i32
      %add3A_153 = arith.addi %mul3A_7, %add3A_152 : i32
      %add3A_154 = arith.addi %mul3A_34, %mul3A_7 : i32
      %add3A_155 = arith.constant 576 : i32
      %add3A_156 = arith.addi %add3A_154, %add3A_155 : i32
      %dma_wait3A_157 = arith.constant 0 : i32
      %dma_wait3A_158 = tpu.memref_slice %arg8[%add3A_156, %dma_wait3A_157] : memref<100000x128xf32, #tpu.memory_space<hbm>> -> memref<49x128xf32, #tpu.memory_space<hbm>>
      %dma_wait3A_159 = arith.constant 0 : i32
      %dma_wait3A_160 = tpu.memref_slice %arg17[%add3A_153, %dma_wait3A_159] : memref<10008x128xf32, #tpu.memory_space<vmem_shared>> -> memref<49x128xf32, #tpu.memory_space<vmem_shared>>
      tpu.wait_dma2 semaphore(%arg18 : memref<!tpu.dma_semaphore, #tpu.memory_space<semaphore_mem>>) src(%dma_wait3A_160 : memref<49x128xf32, #tpu.memory_space<vmem_shared>>) dst(%dma_wait3A_158 : memref<49x128xf32, #tpu.memory_space<hbm>>)
      %scan3A_161 = arith.constant 0 : i32
      scf.yield %scan3A_161 : i32
    }
    %scan3A_16 = arith.constant 5 : i32
    %barrier3A = arith.constant 0 : index
    tpu.barrier barrier_id(%barrier3A)
    %mul3A_17 = arith.constant 625 : i32
    %mul3A_18 = arith.muli %arg1, %mul3A_17 : i32
    %mul3A_19 = arith.constant 18944 : i32
    %mul3A_20 = arith.muli %arg1, %mul3A_19 : i32
    %scan3A_21 = arith.constant 0 : i32
    %scan3A_22 = arith.constant 0 : i32
    %scan3A_23 = arith.constant 5 : i32
    %scan3A_24 = arith.addi %scan3A_22, %scan3A_23 : i32
    %scan3A_25 = arith.constant 1 : i32
    %scan3A_26 = scf.for %scan3A_29 = %scan3A_22 to %scan3A_24 step %scan3A_25 iter_args(%scan3A_30 = %scan3A_21) -> (i32)  : i32 {
      %mul3A_31 = arith.constant 2 : i32
      %mul3A_32 = arith.muli %scan3A_29, %mul3A_31 : i32
      %add3A = arith.addi %mul3A_32, %arg0 : i32
      %mul3A_33 = arith.constant 10000 : i32
      %mul3A_34 = arith.muli %add3A, %mul3A_33 : i32
      %scan3A_35 = arith.constant 0 : i32
      %scan3A_36 = arith.constant 0 : i32
      %scan3A_37 = arith.constant 9 : i32
      %scan3A_38 = arith.addi %scan3A_36, %scan3A_37 : i32
      %scan3A_39 = arith.constant 1 : i32
      %scan3A_40 = scf.for %scan3A_162 = %scan3A_36 to %scan3A_38 step %scan3A_39 iter_args(%scan3A_163 = %scan3A_35) -> (i32)  : i32 {
        %mul3A_164 = arith.constant 64 : i32
        %mul3A_165 = arith.muli %scan3A_162, %mul3A_164 : i32
        %add3A_166 = arith.addi %mul3A_18, %mul3A_165 : i32
        %dma_start3A_167 = arith.constant 0 : i32
        %dma_start3A_168 = arith.constant 0 : i32
        %dma_start3A_169 = tpu.memref_slice %arg16[%dma_start3A_167, %dma_start3A_168] : memref<64x128xf32, #tpu.memory_space<vmem>> -> memref<64x128xf32, #tpu.memory_space<vmem>>
        %dma_start3A_170 = arith.constant 0 : i32
        %dma_start3A_171 = tpu.memref_slice %arg17[%add3A_166, %dma_start3A_170] : memref<10008x128xf32, #tpu.memory_space<vmem_shared>> -> memref<64x128xf32, #tpu.memory_space<vmem_shared>>
        %dma_start3A_172 = arith.constant 0 : i32
        %dma_start3A_173 = tpu.memref_slice %arg17[%add3A_166, %dma_start3A_172] : memref<10008x128xf32, #tpu.memory_space<vmem_shared>> -> memref<64x128xf32, #tpu.memory_space<vmem_shared>>
        %dma_start3A_174 = arith.constant 0 : i32
        %dma_start3A_175 = arith.constant 0 : i32
        %dma_start3A_176 = tpu.memref_slice %arg16[%dma_start3A_174, %dma_start3A_175] : memref<64x128xf32, #tpu.memory_space<vmem>> -> memref<64x128xf32, #tpu.memory_space<vmem>>
        tpu.enqueue_dma source(%dma_start3A_176 : memref<64x128xf32, #tpu.memory_space<vmem>>) target(%dma_start3A_173 : memref<64x128xf32, #tpu.memory_space<vmem_shared>>) target_semaphore(%arg18 : memref<!tpu.dma_semaphore, #tpu.memory_space<semaphore_mem>>)
        %scan3A_177 = arith.constant 0 : i32
        scf.yield %scan3A_177 : i32
      }
      %scan3A_41 = arith.constant 9 : i32
      %add3A_42 = arith.constant 576 : i32
      %add3A_43 = arith.addi %mul3A_18, %add3A_42 : i32
      %dma_start3A = arith.constant 0 : i32
      %dma_start3A_44 = arith.constant 0 : i32
      %dma_start3A_45 = tpu.memref_slice %arg16[%dma_start3A, %dma_start3A_44] : memref<64x128xf32, #tpu.memory_space<vmem>> -> memref<49x128xf32, #tpu.memory_space<vmem>>
      %dma_start3A_46 = arith.constant 0 : i32
      %dma_start3A_47 = tpu.memref_slice %arg17[%add3A_43, %dma_start3A_46] : memref<10008x128xf32, #tpu.memory_space<vmem_shared>> -> memref<49x128xf32, #tpu.memory_space<vmem_shared>>
      %dma_start3A_48 = arith.constant 0 : i32
      %dma_start3A_49 = tpu.memref_slice %arg17[%add3A_43, %dma_start3A_48] : memref<10008x128xf32, #tpu.memory_space<vmem_shared>> -> memref<49x128xf32, #tpu.memory_space<vmem_shared>>
      %dma_start3A_50 = arith.constant 0 : i32
      %dma_start3A_51 = arith.constant 0 : i32
      %dma_start3A_52 = tpu.memref_slice %arg16[%dma_start3A_50, %dma_start3A_51] : memref<64x128xf32, #tpu.memory_space<vmem>> -> memref<49x128xf32, #tpu.memory_space<vmem>>
      tpu.enqueue_dma source(%dma_start3A_52 : memref<49x128xf32, #tpu.memory_space<vmem>>) target(%dma_start3A_49 : memref<49x128xf32, #tpu.memory_space<vmem_shared>>) target_semaphore(%arg18 : memref<!tpu.dma_semaphore, #tpu.memory_space<semaphore_mem>>)
      %eq3A = arith.constant 0 : i32
      %eq3A_53 = arith.cmpi eq, %arg1, %eq3A : i32
      %convert_element_type3A = arith.extui %eq3A_53 : i1 to i32
      %cond3A = arith.constant 0 : i32
      %cond3A_54 = arith.cmpi ne, %convert_element_type3A, %cond3A : i32
      scf.if %cond3A_54 {
        %dma_start3A_162 = arith.constant 0 : i32
        %dma_start3A_163 = arith.constant 0 : i32
        %dma_start3A_164 = tpu.memref_slice %arg16[%dma_start3A_162, %dma_start3A_163] : memref<64x128xf32, #tpu.memory_space<vmem>> -> memref<8x128xf32, #tpu.memory_space<vmem>>
        %dma_start3A_165 = arith.constant 10000 : i32
        %dma_start3A_166 = arith.constant 0 : i32
        %dma_start3A_167 = tpu.memref_slice %arg17[%dma_start3A_165, %dma_start3A_166] : memref<10008x128xf32, #tpu.memory_space<vmem_shared>> -> memref<8x128xf32, #tpu.memory_space<vmem_shared>>
        %dma_start3A_168 = arith.constant 10000 : i32
        %dma_start3A_169 = arith.constant 0 : i32
        %dma_start3A_170 = tpu.memref_slice %arg17[%dma_start3A_168, %dma_start3A_169] : memref<10008x128xf32, #tpu.memory_space<vmem_shared>> -> memref<8x128xf32, #tpu.memory_space<vmem_shared>>
        %dma_start3A_171 = arith.constant 0 : i32
        %dma_start3A_172 = arith.constant 0 : i32
        %dma_start3A_173 = tpu.memref_slice %arg16[%dma_start3A_171, %dma_start3A_172] : memref<64x128xf32, #tpu.memory_space<vmem>> -> memref<8x128xf32, #tpu.memory_space<vmem>>
        tpu.enqueue_dma source(%dma_start3A_173 : memref<8x128xf32, #tpu.memory_space<vmem>>) target(%dma_start3A_170 : memref<8x128xf32, #tpu.memory_space<vmem_shared>>) target_semaphore(%arg18 : memref<!tpu.dma_semaphore, #tpu.memory_space<semaphore_mem>>)
      } else {
      }
      %dma_start3A_55 = arith.constant 0 : i32
      %dma_start3A_56 = arith.constant 0 : i32
      %dma_start3A_57 = tpu.memref_slice %arg10[%dma_start3A_55, %dma_start3A_56] : memref<2x1184xi32, #tpu.memory_space<vmem>> -> memref<1x1184xi32, #tpu.memory_space<vmem>>
      %dma_start3A_58 = tpu.memref_squeeze %dma_start3A_57 : memref<1x1184xi32, #tpu.memory_space<vmem>> -> memref<1184xi32, #tpu.memory_space<vmem>>
      %dma_start3A_59 = tpu.memref_slice %arg6[%mul3A_20] : memref<303104xi32, #tpu.memory_space<hbm>> -> memref<1184xi32, #tpu.memory_space<hbm>>
      %dma_start3A_60 = arith.constant 0 : i32
      %dma_start3A_61 = tpu.memref_slice %arg10[%dma_start3A_55, %dma_start3A_60] : memref<2x1184xi32, #tpu.memory_space<vmem>> -> memref<1x1184xi32, #tpu.memory_space<vmem>>
      %dma_start3A_62 = tpu.memref_squeeze %dma_start3A_61 : memref<1x1184xi32, #tpu.memory_space<vmem>> -> memref<1184xi32, #tpu.memory_space<vmem>>
      %dma_start3A_63 = tpu.memref_slice %arg6[%mul3A_20] : memref<303104xi32, #tpu.memory_space<hbm>> -> memref<1184xi32, #tpu.memory_space<hbm>>
      tpu.enqueue_dma source(%dma_start3A_63 : memref<1184xi32, #tpu.memory_space<hbm>>) target(%dma_start3A_62 : memref<1184xi32, #tpu.memory_space<vmem>>) target_semaphore(%arg19 : memref<!tpu.dma_semaphore, #tpu.memory_space<semaphore_mem>>)
      %dma_start3A_64 = arith.constant 0 : i32
      %dma_start3A_65 = arith.constant 0 : i32
      %dma_start3A_66 = tpu.memref_slice %arg11[%dma_start3A_64, %dma_start3A_65] : memref<2x1184xi32, #tpu.memory_space<vmem>> -> memref<1x1184xi32, #tpu.memory_space<vmem>>
      %dma_start3A_67 = tpu.memref_squeeze %dma_start3A_66 : memref<1x1184xi32, #tpu.memory_space<vmem>> -> memref<1184xi32, #tpu.memory_space<vmem>>
      %dma_start3A_68 = tpu.memref_slice %arg7[%mul3A_20] : memref<303104xi32, #tpu.memory_space<hbm>> -> memref<1184xi32, #tpu.memory_space<hbm>>
      %dma_start3A_69 = arith.constant 0 : i32
      %dma_start3A_70 = tpu.memref_slice %arg11[%dma_start3A_64, %dma_start3A_69] : memref<2x1184xi32, #tpu.memory_space<vmem>> -> memref<1x1184xi32, #tpu.memory_space<vmem>>
      %dma_start3A_71 = tpu.memref_squeeze %dma_start3A_70 : memref<1x1184xi32, #tpu.memory_space<vmem>> -> memref<1184xi32, #tpu.memory_space<vmem>>
      %dma_start3A_72 = tpu.memref_slice %arg7[%mul3A_20] : memref<303104xi32, #tpu.memory_space<hbm>> -> memref<1184xi32, #tpu.memory_space<hbm>>
      tpu.enqueue_dma source(%dma_start3A_72 : memref<1184xi32, #tpu.memory_space<hbm>>) target(%dma_start3A_71 : memref<1184xi32, #tpu.memory_space<vmem>>) target_semaphore(%arg19 : memref<!tpu.dma_semaphore, #tpu.memory_space<semaphore_mem>>)
      %scan3A_73 = arith.constant 0 : i32
      %scan3A_74 = arith.constant 0 : i32
      %scan3A_75 = arith.constant 9 : i32
      %scan3A_76 = arith.addi %scan3A_74, %scan3A_75 : i32
      %scan3A_77 = arith.constant 1 : i32
      %scan3A_78 = scf.for %scan3A_162 = %scan3A_74 to %scan3A_76 step %scan3A_77 iter_args(%scan3A_163 = %scan3A_73) -> (i32)  : i32 {
        %mul3A_164 = arith.constant 64 : i32
        %mul3A_165 = arith.muli %scan3A_162, %mul3A_164 : i32
        %add3A_166 = arith.addi %mul3A_18, %mul3A_165 : i32
        %dma_wait3A_167 = arith.constant 0 : i32
        %dma_wait3A_168 = arith.constant 0 : i32
        %dma_wait3A_169 = tpu.memref_slice %arg16[%dma_wait3A_167, %dma_wait3A_168] : memref<64x128xf32, #tpu.memory_space<vmem>> -> memref<64x128xf32, #tpu.memory_space<vmem>>
        %dma_wait3A_170 = arith.constant 0 : i32
        %dma_wait3A_171 = tpu.memref_slice %arg17[%add3A_166, %dma_wait3A_170] : memref<10008x128xf32, #tpu.memory_space<vmem_shared>> -> memref<64x128xf32, #tpu.memory_space<vmem_shared>>
        %dma_wait3A_172 = arith.constant 0 : i32
        %dma_wait3A_173 = tpu.memref_slice %arg17[%add3A_166, %dma_wait3A_172] : memref<10008x128xf32, #tpu.memory_space<vmem_shared>> -> memref<64x128xf32, #tpu.memory_space<vmem_shared>>
        %dma_wait3A_174 = arith.constant 0 : i32
        %dma_wait3A_175 = arith.constant 0 : i32
        %dma_wait3A_176 = tpu.memref_slice %arg16[%dma_wait3A_174, %dma_wait3A_175] : memref<64x128xf32, #tpu.memory_space<vmem>> -> memref<64x128xf32, #tpu.memory_space<vmem>>
        tpu.wait_dma2 semaphore(%arg18 : memref<!tpu.dma_semaphore, #tpu.memory_space<semaphore_mem>>) src(%dma_wait3A_176 : memref<64x128xf32, #tpu.memory_space<vmem>>) dst(%dma_wait3A_173 : memref<64x128xf32, #tpu.memory_space<vmem_shared>>)
        %scan3A_177 = arith.constant 0 : i32
        scf.yield %scan3A_177 : i32
      }
      %scan3A_79 = arith.constant 9 : i32
      %add3A_80 = arith.constant 576 : i32
      %add3A_81 = arith.addi %mul3A_18, %add3A_80 : i32
      %dma_wait3A = arith.constant 0 : i32
      %dma_wait3A_82 = arith.constant 0 : i32
      %dma_wait3A_83 = tpu.memref_slice %arg16[%dma_wait3A, %dma_wait3A_82] : memref<64x128xf32, #tpu.memory_space<vmem>> -> memref<49x128xf32, #tpu.memory_space<vmem>>
      %dma_wait3A_84 = arith.constant 0 : i32
      %dma_wait3A_85 = tpu.memref_slice %arg17[%add3A_81, %dma_wait3A_84] : memref<10008x128xf32, #tpu.memory_space<vmem_shared>> -> memref<49x128xf32, #tpu.memory_space<vmem_shared>>
      %dma_wait3A_86 = arith.constant 0 : i32
      %dma_wait3A_87 = tpu.memref_slice %arg17[%add3A_81, %dma_wait3A_86] : memref<10008x128xf32, #tpu.memory_space<vmem_shared>> -> memref<49x128xf32, #tpu.memory_space<vmem_shared>>
      %dma_wait3A_88 = arith.constant 0 : i32
      %dma_wait3A_89 = arith.constant 0 : i32
      %dma_wait3A_90 = tpu.memref_slice %arg16[%dma_wait3A_88, %dma_wait3A_89] : memref<64x128xf32, #tpu.memory_space<vmem>> -> memref<49x128xf32, #tpu.memory_space<vmem>>
      tpu.wait_dma2 semaphore(%arg18 : memref<!tpu.dma_semaphore, #tpu.memory_space<semaphore_mem>>) src(%dma_wait3A_90 : memref<49x128xf32, #tpu.memory_space<vmem>>) dst(%dma_wait3A_87 : memref<49x128xf32, #tpu.memory_space<vmem_shared>>)
      %eq3A_91 = arith.constant 0 : i32
      %eq3A_92 = arith.cmpi eq, %arg1, %eq3A_91 : i32
      %convert_element_type3A_93 = arith.extui %eq3A_92 : i1 to i32
      %cond3A_94 = arith.constant 0 : i32
      %cond3A_95 = arith.cmpi ne, %convert_element_type3A_93, %cond3A_94 : i32
      scf.if %cond3A_95 {
        %dma_wait3A_162 = arith.constant 0 : i32
        %dma_wait3A_163 = arith.constant 0 : i32
        %dma_wait3A_164 = tpu.memref_slice %arg16[%dma_wait3A_162, %dma_wait3A_163] : memref<64x128xf32, #tpu.memory_space<vmem>> -> memref<8x128xf32, #tpu.memory_space<vmem>>
        %dma_wait3A_165 = arith.constant 10000 : i32
        %dma_wait3A_166 = arith.constant 0 : i32
        %dma_wait3A_167 = tpu.memref_slice %arg17[%dma_wait3A_165, %dma_wait3A_166] : memref<10008x128xf32, #tpu.memory_space<vmem_shared>> -> memref<8x128xf32, #tpu.memory_space<vmem_shared>>
        %dma_wait3A_168 = arith.constant 10000 : i32
        %dma_wait3A_169 = arith.constant 0 : i32
        %dma_wait3A_170 = tpu.memref_slice %arg17[%dma_wait3A_168, %dma_wait3A_169] : memref<10008x128xf32, #tpu.memory_space<vmem_shared>> -> memref<8x128xf32, #tpu.memory_space<vmem_shared>>
        %dma_wait3A_171 = arith.constant 0 : i32
        %dma_wait3A_172 = arith.constant 0 : i32
        %dma_wait3A_173 = tpu.memref_slice %arg16[%dma_wait3A_171, %dma_wait3A_172] : memref<64x128xf32, #tpu.memory_space<vmem>> -> memref<8x128xf32, #tpu.memory_space<vmem>>
        tpu.wait_dma2 semaphore(%arg18 : memref<!tpu.dma_semaphore, #tpu.memory_space<semaphore_mem>>) src(%dma_wait3A_173 : memref<8x128xf32, #tpu.memory_space<vmem>>) dst(%dma_wait3A_170 : memref<8x128xf32, #tpu.memory_space<vmem_shared>>)
      } else {
      }
      %barrier3A_96 = arith.constant 0 : index
      tpu.barrier barrier_id(%barrier3A_96)
      %broadcast_in_dim3A_97 = arith.constant 0 : i32
      %broadcast_in_dim3A_98 = vector.broadcast %broadcast_in_dim3A_97 : i32 to vector<16xi32>
      %scan3A_99 = arith.constant 0 : i32
      %scan3A_100 = arith.constant 0 : i32
      %scan3A_101 = arith.constant 16 : i32
      %scan3A_102 = arith.addi %scan3A_100, %scan3A_101 : i32
      %scan3A_103 = arith.constant 1 : i32
      %scan3A_104:2 = scf.for %scan3A_162 = %scan3A_100 to %scan3A_102 step %scan3A_103 iter_args(%scan3A_163 = %broadcast_in_dim3A_98, %scan3A_164 = %scan3A_99) -> (vector<16xi32>, i32)  : i32 {
        %and3A = arith.constant 1 : i32
        %and3A_165 = arith.andi %scan3A_162, %and3A : i32
        %mul3A_166 = arith.constant 1184 : i32
        %mul3A_167 = arith.muli %scan3A_162, %mul3A_166 : i32
        %add3A_168 = arith.addi %mul3A_20, %mul3A_167 : i32
        %dma_wait3A_169 = arith.constant 0 : i32
        %dma_wait3A_170 = tpu.memref_slice %arg10[%and3A_165, %dma_wait3A_169] : memref<2x1184xi32, #tpu.memory_space<vmem>> -> memref<1x1184xi32, #tpu.memory_space<vmem>>
        %dma_wait3A_171 = tpu.memref_squeeze %dma_wait3A_170 : memref<1x1184xi32, #tpu.memory_space<vmem>> -> memref<1184xi32, #tpu.memory_space<vmem>>
        %dma_wait3A_172 = tpu.memref_slice %arg6[%add3A_168] : memref<303104xi32, #tpu.memory_space<hbm>> -> memref<1184xi32, #tpu.memory_space<hbm>>
        %dma_wait3A_173 = arith.constant 0 : i32
        %dma_wait3A_174 = tpu.memref_slice %arg10[%and3A_165, %dma_wait3A_173] : memref<2x1184xi32, #tpu.memory_space<vmem>> -> memref<1x1184xi32, #tpu.memory_space<vmem>>
        %dma_wait3A_175 = tpu.memref_squeeze %dma_wait3A_174 : memref<1x1184xi32, #tpu.memory_space<vmem>> -> memref<1184xi32, #tpu.memory_space<vmem>>
        %dma_wait3A_176 = tpu.memref_slice %arg6[%add3A_168] : memref<303104xi32, #tpu.memory_space<hbm>> -> memref<1184xi32, #tpu.memory_space<hbm>>
        tpu.wait_dma2 semaphore(%arg19 : memref<!tpu.dma_semaphore, #tpu.memory_space<semaphore_mem>>) src(%dma_wait3A_176 : memref<1184xi32, #tpu.memory_space<hbm>>) dst(%dma_wait3A_175 : memref<1184xi32, #tpu.memory_space<vmem>>)
        %dma_wait3A_177 = arith.constant 0 : i32
        %dma_wait3A_178 = tpu.memref_slice %arg11[%and3A_165, %dma_wait3A_177] : memref<2x1184xi32, #tpu.memory_space<vmem>> -> memref<1x1184xi32, #tpu.memory_space<vmem>>
        %dma_wait3A_179 = tpu.memref_squeeze %dma_wait3A_178 : memref<1x1184xi32, #tpu.memory_space<vmem>> -> memref<1184xi32, #tpu.memory_space<vmem>>
        %dma_wait3A_180 = tpu.memref_slice %arg7[%add3A_168] : memref<303104xi32, #tpu.memory_space<hbm>> -> memref<1184xi32, #tpu.memory_space<hbm>>
        %dma_wait3A_181 = arith.constant 0 : i32
        %dma_wait3A_182 = tpu.memref_slice %arg11[%and3A_165, %dma_wait3A_181] : memref<2x1184xi32, #tpu.memory_space<vmem>> -> memref<1x1184xi32, #tpu.memory_space<vmem>>
        %dma_wait3A_183 = tpu.memref_squeeze %dma_wait3A_182 : memref<1x1184xi32, #tpu.memory_space<vmem>> -> memref<1184xi32, #tpu.memory_space<vmem>>
        %dma_wait3A_184 = tpu.memref_slice %arg7[%add3A_168] : memref<303104xi32, #tpu.memory_space<hbm>> -> memref<1184xi32, #tpu.memory_space<hbm>>
        tpu.wait_dma2 semaphore(%arg19 : memref<!tpu.dma_semaphore, #tpu.memory_space<semaphore_mem>>) src(%dma_wait3A_184 : memref<1184xi32, #tpu.memory_space<hbm>>) dst(%dma_wait3A_183 : memref<1184xi32, #tpu.memory_space<vmem>>)
        %add3A_185 = arith.constant 1 : i32
        %add3A_186 = arith.addi %scan3A_162, %add3A_185 : i32
        %lt3A = arith.constant 16 : i32
        %lt3A_187 = arith.cmpi slt, %add3A_186, %lt3A : i32
        %convert_element_type3A_188 = arith.extui %lt3A_187 : i1 to i32
        %cond3A_189 = arith.constant 0 : i32
        %cond3A_190 = arith.cmpi ne, %convert_element_type3A_188, %cond3A_189 : i32
        scf.if %cond3A_190 {
          %add3A_214 = arith.constant 1184 : i32
          %add3A_215 = arith.addi %add3A_168, %add3A_214 : i32
          %sub3A = arith.constant 1 : i32
          %sub3A_216 = arith.subi %sub3A, %and3A_165 : i32
          %dma_start3A_217 = arith.constant 0 : i32
          %dma_start3A_218 = tpu.memref_slice %arg10[%sub3A_216, %dma_start3A_217] : memref<2x1184xi32, #tpu.memory_space<vmem>> -> memref<1x1184xi32, #tpu.memory_space<vmem>>
          %dma_start3A_219 = tpu.memref_squeeze %dma_start3A_218 : memref<1x1184xi32, #tpu.memory_space<vmem>> -> memref<1184xi32, #tpu.memory_space<vmem>>
          %dma_start3A_220 = tpu.memref_slice %arg6[%add3A_215] : memref<303104xi32, #tpu.memory_space<hbm>> -> memref<1184xi32, #tpu.memory_space<hbm>>
          %dma_start3A_221 = arith.constant 0 : i32
          %dma_start3A_222 = tpu.memref_slice %arg10[%sub3A_216, %dma_start3A_221] : memref<2x1184xi32, #tpu.memory_space<vmem>> -> memref<1x1184xi32, #tpu.memory_space<vmem>>
          %dma_start3A_223 = tpu.memref_squeeze %dma_start3A_222 : memref<1x1184xi32, #tpu.memory_space<vmem>> -> memref<1184xi32, #tpu.memory_space<vmem>>
          %dma_start3A_224 = tpu.memref_slice %arg6[%add3A_215] : memref<303104xi32, #tpu.memory_space<hbm>> -> memref<1184xi32, #tpu.memory_space<hbm>>
          tpu.enqueue_dma source(%dma_start3A_224 : memref<1184xi32, #tpu.memory_space<hbm>>) target(%dma_start3A_223 : memref<1184xi32, #tpu.memory_space<vmem>>) target_semaphore(%arg19 : memref<!tpu.dma_semaphore, #tpu.memory_space<semaphore_mem>>)
          %sub3A_225 = arith.constant 1 : i32
          %sub3A_226 = arith.subi %sub3A_225, %and3A_165 : i32
          %dma_start3A_227 = arith.constant 0 : i32
          %dma_start3A_228 = tpu.memref_slice %arg11[%sub3A_226, %dma_start3A_227] : memref<2x1184xi32, #tpu.memory_space<vmem>> -> memref<1x1184xi32, #tpu.memory_space<vmem>>
          %dma_start3A_229 = tpu.memref_squeeze %dma_start3A_228 : memref<1x1184xi32, #tpu.memory_space<vmem>> -> memref<1184xi32, #tpu.memory_space<vmem>>
          %dma_start3A_230 = tpu.memref_slice %arg7[%add3A_215] : memref<303104xi32, #tpu.memory_space<hbm>> -> memref<1184xi32, #tpu.memory_space<hbm>>
          %dma_start3A_231 = arith.constant 0 : i32
          %dma_start3A_232 = tpu.memref_slice %arg11[%sub3A_226, %dma_start3A_231] : memref<2x1184xi32, #tpu.memory_space<vmem>> -> memref<1x1184xi32, #tpu.memory_space<vmem>>
          %dma_start3A_233 = tpu.memref_squeeze %dma_start3A_232 : memref<1x1184xi32, #tpu.memory_space<vmem>> -> memref<1184xi32, #tpu.memory_space<vmem>>
          %dma_start3A_234 = tpu.memref_slice %arg7[%add3A_215] : memref<303104xi32, #tpu.memory_space<hbm>> -> memref<1184xi32, #tpu.memory_space<hbm>>
          tpu.enqueue_dma source(%dma_start3A_234 : memref<1184xi32, #tpu.memory_space<hbm>>) target(%dma_start3A_233 : memref<1184xi32, #tpu.memory_space<vmem>>) target_semaphore(%arg19 : memref<!tpu.dma_semaphore, #tpu.memory_space<semaphore_mem>>)
        } else {
        }
        %parallel_loop3A = arith.constant 0 : i32
        %parallel_loop3A_191 = arith.constant 74 : i32
        %parallel_loop3A_192 = arith.constant 1 : i32
        %parallel_loop3A_193 = scf.for %parallel_loop3A_214 = %parallel_loop3A to %parallel_loop3A_191 step %parallel_loop3A_192 iter_args(%parallel_loop3A_215 = %scan3A_163) -> (vector<16xi32>)  : i32 {
          %parallel_loop3A_216 = arith.constant 16 : i32
          %parallel_loop3A_217 = arith.muli %parallel_loop3A_214, %parallel_loop3A_216 : i32
          %parallel_loop3A_218 = arith.index_cast %and3A_165 : i32 to index
          %parallel_loop3A_219 = arith.index_cast %parallel_loop3A_217 : i32 to index
          %parallel_loop3A_220 = tpu.vector_load %arg11[%parallel_loop3A_218, %parallel_loop3A_219] {strides = array<i32>} : memref<2x1184xi32, #tpu.memory_space<vmem>>, vector<16xi32>,
          %parallel_loop3A_221 = vector.broadcast %mul3A_34 : i32 to vector<16xi32>
          %parallel_loop3A_222 = arith.cmpi sge, %parallel_loop3A_220, %parallel_loop3A_221 : vector<16xi32>
          %parallel_loop3A_223 = arith.constant 10000 : i32
          %parallel_loop3A_224 = arith.addi %mul3A_34, %parallel_loop3A_223 : i32
          %parallel_loop3A_225 = vector.broadcast %parallel_loop3A_224 : i32 to vector<16xi32>
          %parallel_loop3A_226 = arith.cmpi slt, %parallel_loop3A_220, %parallel_loop3A_225 : vector<16xi32>
          %parallel_loop3A_227 = arith.andi %parallel_loop3A_222, %parallel_loop3A_226 : vector<16xi1>
          %parallel_loop3A_228 = arith.extui %parallel_loop3A_227 : vector<16xi1> to vector<16xi32>
          %parallel_loop3A_229 = arith.constant true
          %parallel_loop3A_230 = vector.broadcast %parallel_loop3A_229 : i1 to vector<16xi1>
          %parallel_loop3A_231 = tpu.scan <sum>, %parallel_loop3A_228 masked %parallel_loop3A_230 : vector<16xi32>, vector<16xi1> -> vector<16xi32>
          %parallel_loop3A_232 = arith.addi %parallel_loop3A_215, %parallel_loop3A_231 : vector<16xi32>
          %parallel_loop3A_233 = arith.constant 1 : i32
          %parallel_loop3A_234 = vector.broadcast %parallel_loop3A_233 : i32 to vector<16xi32>
          %parallel_loop3A_235 = arith.subi %parallel_loop3A_232, %parallel_loop3A_234 : vector<16xi32>
          %parallel_loop3A_236 = arith.constant 7 : i32
          %parallel_loop3A_237 = vector.broadcast %parallel_loop3A_236 : i32 to vector<16xi32>
          %parallel_loop3A_238 = arith.shrsi %parallel_loop3A_235, %parallel_loop3A_237 : vector<16xi32>
          %parallel_loop3A_239 = arith.constant 15 : i32
          %parallel_loop3A_240 = vector.broadcast %parallel_loop3A_239 : i32 to vector<16xi32>
          %parallel_loop3A_241 = arith.andi %parallel_loop3A_238, %parallel_loop3A_240 : vector<16xi32>
          %parallel_loop3A_242 = arith.constant 127 : i32
          %parallel_loop3A_243 = vector.broadcast %parallel_loop3A_242 : i32 to vector<16xi32>
          %parallel_loop3A_244 = arith.andi %parallel_loop3A_235, %parallel_loop3A_243 : vector<16xi32>
          %parallel_loop3A_245 = arith.constant 16 : i32
          %parallel_loop3A_246 = arith.muli %parallel_loop3A_214, %parallel_loop3A_245 : i32
          %parallel_loop3A_247 = arith.index_cast %and3A_165 : i32 to index
          %parallel_loop3A_248 = arith.index_cast %parallel_loop3A_246 : i32 to index
          %parallel_loop3A_249 = tpu.vector_load %arg10[%parallel_loop3A_247, %parallel_loop3A_248] {strides = array<i32>} : memref<2x1184xi32, #tpu.memory_space<vmem>>, vector<16xi32>,
          tpu.vector_store_idx %arg12[%parallel_loop3A_241, %parallel_loop3A_244], %parallel_loop3A_249 masked %parallel_loop3A_227 : memref<16x128xi32, #tpu.memory_space<vmem>>[vector<16xi32>, vector<16xi32>], vector<16xi32>, vector<16xi1>
          %parallel_loop3A_250 = vector.broadcast %mul3A_34 : i32 to vector<16xi32>
          %parallel_loop3A_251 = arith.subi %parallel_loop3A_220, %parallel_loop3A_250 : vector<16xi32>
          tpu.vector_store_idx %arg13[%parallel_loop3A_241, %parallel_loop3A_244], %parallel_loop3A_251 masked %parallel_loop3A_227 : memref<16x128xi32, #tpu.memory_space<vmem>>[vector<16xi32>, vector<16xi32>], vector<16xi32>, vector<16xi1>
          %parallel_loop3A_252 = tpu.all_reduce %parallel_loop3A_227 {dim = 0 : i64, kind = #tpu.reduction_kind<sum>} : vector<16xi1> -> vector<16xi32>
          %parallel_loop3A_253 = arith.addi %parallel_loop3A_215, %parallel_loop3A_252 : vector<16xi32>
          scf.yield %parallel_loop3A_253 : vector<16xi32>
        } {sc.loop_unroll_factor = 8 : i64, sc.parallel_access}
        %reduce_max3A_194 = arith.constant true
        %reduce_max3A_195 = vector.broadcast %reduce_max3A_194 : i1 to vector<16xi1>
        %reduce_max3A_196 = arith.constant -2147483648 : i32
        %reduce_max3A_197 = vector.broadcast %reduce_max3A_196 : i32 to vector<16xi32>
        %reduce_max3A_198 = arith.xori %parallel_loop3A_193, %reduce_max3A_197 : vector<16xi32>
        %reduce_max3A_199 = tpu.scan <max>, %reduce_max3A_198 masked %reduce_max3A_195 : vector<16xi32>, vector<16xi1> -> vector<16xi32>
        %reduce_max3A_200 = arith.xori %reduce_max3A_199, %reduce_max3A_197 : vector<16xi32>
        %reduce_max3A_201 = vector.extract %reduce_max3A_200[15] : i32 from vector<16xi32>
        %shift_right_arithmetic3A_202 = arith.constant 7 : i32
        %shift_right_arithmetic3A_203 = arith.shrsi %reduce_max3A_201, %shift_right_arithmetic3A_202 : i32
        %while3A = arith.constant 0 : i32
        %while3A_204 = arith.subi %shift_right_arithmetic3A_203, %scan3A_164 : i32
        %while3A_205 = arith.addi %scan3A_164, %while3A_204 : i32
        %while3A_206 = arith.constant 1 : i32
        %while3A_207 = arith.divsi %while3A_204, %while3A_206 : i32
        %while3A_208 = arith.muli %while3A_207, %while3A_206 : i32
        %while3A_209 = arith.addi %scan3A_164, %while3A_208 : i32
        %while3A_210 = arith.constant 1 : i32
        %while3A_211 = scf.for %while3A_214 = %scan3A_164 to %while3A_209 step %while3A_210 iter_args(%while3A_215 = %while3A) -> (i32)  : i32 {
          %and3A_216 = arith.constant 1 : i32
          %and3A_217 = arith.andi %while3A_214, %and3A_216 : i32
          %eq3A_218 = arith.constant 0 : i32
          %eq3A_219 = arith.cmpi eq, %and3A_217, %eq3A_218 : i32
          %convert_element_type3A_220 = arith.extui %eq3A_219 : i1 to i32
          %cond3A_221 = arith.constant 0 : i32
          %cond3A_222 = arith.cmpi ne, %convert_element_type3A_220, %cond3A_221 : i32
          scf.if %cond3A_222 {
            %and3A_231 = arith.constant 15 : i32
            %and3A_232 = arith.andi %while3A_214, %and3A_231 : i32
            %add3A_233 = arith.constant 1 : i32
            %add3A_234 = arith.addi %while3A_214, %add3A_233 : i32
            %and3A_235 = arith.constant 15 : i32
            %and3A_236 = arith.andi %add3A_234, %and3A_235 : i32
            %eq3A_237 = arith.cmpi eq, %while3A_214, %scan3A_164 : i32
            %convert_element_type3A_238 = arith.extui %eq3A_237 : i1 to i32
            %cond3A_239 = arith.constant 0 : i32
            %cond3A_240 = arith.cmpi ne, %convert_element_type3A_238, %cond3A_239 : i32
            scf.if %cond3A_240 {
              %dma_start3A_253 = arith.constant 0 : i32
              %dma_start3A_254 = tpu.memref_slice %arg12[%and3A_232, %dma_start3A_253] : memref<16x128xi32, #tpu.memory_space<vmem>> -> memref<1x128xi32, #tpu.memory_space<vmem>>
              %dma_start3A_255 = tpu.memref_squeeze %dma_start3A_254 : memref<1x128xi32, #tpu.memory_space<vmem>> -> memref<128xi32, #tpu.memory_space<vmem>>
              %dma_start3A_256 = arith.constant 0 : i32
              %dma_start3A_257 = arith.constant 0 : i32
              %dma_start3A_258 = tpu.memref_slice %arg3[%dma_start3A_256, %dma_start3A_257] : memref<100000x128xf32, #tpu.memory_space<hbm>> -> memref<100000x128xf32, #tpu.memory_space<hbm>>
              tpu.enqueue_indirect_dma source(%dma_start3A_258 : memref<100000x128xf32, #tpu.memory_space<hbm>>) target(%arg14 : memref<128x128xf32, #tpu.memory_space<vmem>>) offsets(%dma_start3A_255 : memref<128xi32, #tpu.memory_space<vmem>>) semaphore(%arg20 : memref<!tpu.dma_semaphore, #tpu.memory_space<semaphore_mem>>)
            } else {
            }
            %dma_wait3A_241 = arith.constant 0 : i32
            %dma_wait3A_242 = tpu.memref_slice %arg12[%and3A_232, %dma_wait3A_241] : memref<16x128xi32, #tpu.memory_space<vmem>> -> memref<1x128xi32, #tpu.memory_space<vmem>>
            %dma_wait3A_243 = tpu.memref_squeeze %dma_wait3A_242 : memref<1x128xi32, #tpu.memory_space<vmem>> -> memref<128xi32, #tpu.memory_space<vmem>>
            %dma_wait3A_244 = arith.constant 0 : i32
            %dma_wait3A_245 = arith.constant 0 : i32
            %dma_wait3A_246 = tpu.memref_slice %arg3[%dma_wait3A_244, %dma_wait3A_245] : memref<100000x128xf32, #tpu.memory_space<hbm>> -> memref<100000x128xf32, #tpu.memory_space<hbm>>
            tpu.wait_indirect_dma semaphore(%arg20 : memref<!tpu.dma_semaphore, #tpu.memory_space<semaphore_mem>>) src(%dma_wait3A_246 : memref<100000x128xf32, #tpu.memory_space<hbm>>) dst(%arg14 : memref<128x128xf32, #tpu.memory_space<vmem>>)
            %add3A_247 = arith.constant 1 : i32
            %add3A_248 = arith.addi %while3A_214, %add3A_247 : i32
            %lt3A_249 = arith.cmpi slt, %add3A_248, %shift_right_arithmetic3A_203 : i32
            %convert_element_type3A_250 = arith.extui %lt3A_249 : i1 to i32
            %cond3A_251 = arith.constant 0 : i32
            %cond3A_252 = arith.cmpi ne, %convert_element_type3A_250, %cond3A_251 : i32
            scf.if %cond3A_252 {
              %dma_start3A_253 = arith.constant 0 : i32
              %dma_start3A_254 = tpu.memref_slice %arg12[%and3A_236, %dma_start3A_253] : memref<16x128xi32, #tpu.memory_space<vmem>> -> memref<1x128xi32, #tpu.memory_space<vmem>>
              %dma_start3A_255 = tpu.memref_squeeze %dma_start3A_254 : memref<1x128xi32, #tpu.memory_space<vmem>> -> memref<128xi32, #tpu.memory_space<vmem>>
              %dma_start3A_256 = arith.constant 0 : i32
              %dma_start3A_257 = arith.constant 0 : i32
              %dma_start3A_258 = tpu.memref_slice %arg3[%dma_start3A_256, %dma_start3A_257] : memref<100000x128xf32, #tpu.memory_space<hbm>> -> memref<100000x128xf32, #tpu.memory_space<hbm>>
              tpu.enqueue_indirect_dma source(%dma_start3A_258 : memref<100000x128xf32, #tpu.memory_space<hbm>>) target(%arg15 : memref<128x128xf32, #tpu.memory_space<vmem>>) offsets(%dma_start3A_255 : memref<128xi32, #tpu.memory_space<vmem>>) semaphore(%arg21 : memref<!tpu.dma_semaphore, #tpu.memory_space<semaphore_mem>>)
            } else {
            }
            "tpu.region"() ({
              %run_scoped3A = tpu.sem_alloc : memref<!tpu.dma_semaphore, #tpu.memory_space<semaphore_mem>>
              %dma_start3A_253 = arith.constant 0 : i32
              %dma_start3A_254 = tpu.memref_slice %arg13[%and3A_232, %dma_start3A_253] : memref<16x128xi32, #tpu.memory_space<vmem>> -> memref<1x128xi32, #tpu.memory_space<vmem>>
              %dma_start3A_255 = tpu.memref_squeeze %dma_start3A_254 : memref<1x128xi32, #tpu.memory_space<vmem>> -> memref<128xi32, #tpu.memory_space<vmem>>
              %dma_start3A_256 = arith.constant 0 : i32
              %dma_start3A_257 = arith.constant 0 : i32
              %dma_start3A_258 = tpu.memref_slice %arg17[%dma_start3A_256, %dma_start3A_257] : memref<10008x128xf32, #tpu.memory_space<vmem_shared>> -> memref<10008x128xf32, #tpu.memory_space<vmem_shared>>
              tpu.enqueue_indirect_dma source(%arg14 : memref<128x128xf32, #tpu.memory_space<vmem>>) target(%dma_start3A_258 : memref<10008x128xf32, #tpu.memory_space<vmem_shared>>) offsets(%dma_start3A_255 : memref<128xi32, #tpu.memory_space<vmem>>) semaphore(%run_scoped3A : memref<!tpu.dma_semaphore, #tpu.memory_space<semaphore_mem>>) {add = true}
              %dma_wait3A_259 = arith.constant 0 : i32
              %dma_wait3A_260 = tpu.memref_slice %arg13[%and3A_232, %dma_wait3A_259] : memref<16x128xi32, #tpu.memory_space<vmem>> -> memref<1x128xi32, #tpu.memory_space<vmem>>
              %dma_wait3A_261 = tpu.memref_squeeze %dma_wait3A_260 : memref<1x128xi32, #tpu.memory_space<vmem>> -> memref<128xi32, #tpu.memory_space<vmem>>
              %dma_wait3A_262 = arith.constant 0 : i32
              %dma_wait3A_263 = arith.constant 0 : i32
              %dma_wait3A_264 = tpu.memref_slice %arg17[%dma_wait3A_262, %dma_wait3A_263] : memref<10008x128xf32, #tpu.memory_space<vmem_shared>> -> memref<10008x128xf32, #tpu.memory_space<vmem_shared>>
              tpu.wait_indirect_dma semaphore(%run_scoped3A : memref<!tpu.dma_semaphore, #tpu.memory_space<semaphore_mem>>) src(%arg14 : memref<128x128xf32, #tpu.memory_space<vmem>>) dst(%dma_wait3A_264 : memref<10008x128xf32, #tpu.memory_space<vmem_shared>>)
              tpu.yield
            }) : () -> ()
          } else {
          }
          %and3A_223 = arith.constant 1 : i32
          %and3A_224 = arith.andi %while3A_214, %and3A_223 : i32
          %eq3A_225 = arith.constant 1 : i32
          %eq3A_226 = arith.cmpi eq, %and3A_224, %eq3A_225 : i32
          %convert_element_type3A_227 = arith.extui %eq3A_226 : i1 to i32
          %cond3A_228 = arith.constant 0 : i32
          %cond3A_229 = arith.cmpi ne, %convert_element_type3A_227, %cond3A_228 : i32
          scf.if %cond3A_229 {
            %and3A_231 = arith.constant 15 : i32
            %and3A_232 = arith.andi %while3A_214, %and3A_231 : i32
            %add3A_233 = arith.constant 1 : i32
            %add3A_234 = arith.addi %while3A_214, %add3A_233 : i32
            %and3A_235 = arith.constant 15 : i32
            %and3A_236 = arith.andi %add3A_234, %and3A_235 : i32
            %eq3A_237 = arith.cmpi eq, %while3A_214, %scan3A_164 : i32
            %convert_element_type3A_238 = arith.extui %eq3A_237 : i1 to i32
            %cond3A_239 = arith.constant 0 : i32
            %cond3A_240 = arith.cmpi ne, %convert_element_type3A_238, %cond3A_239 : i32
            scf.if %cond3A_240 {
              %dma_start3A_253 = arith.constant 0 : i32
              %dma_start3A_254 = tpu.memref_slice %arg12[%and3A_232, %dma_start3A_253] : memref<16x128xi32, #tpu.memory_space<vmem>> -> memref<1x128xi32, #tpu.memory_space<vmem>>
              %dma_start3A_255 = tpu.memref_squeeze %dma_start3A_254 : memref<1x128xi32, #tpu.memory_space<vmem>> -> memref<128xi32, #tpu.memory_space<vmem>>
              %dma_start3A_256 = arith.constant 0 : i32
              %dma_start3A_257 = arith.constant 0 : i32
              %dma_start3A_258 = tpu.memref_slice %arg3[%dma_start3A_256, %dma_start3A_257] : memref<100000x128xf32, #tpu.memory_space<hbm>> -> memref<100000x128xf32, #tpu.memory_space<hbm>>
              tpu.enqueue_indirect_dma source(%dma_start3A_258 : memref<100000x128xf32, #tpu.memory_space<hbm>>) target(%arg15 : memref<128x128xf32, #tpu.memory_space<vmem>>) offsets(%dma_start3A_255 : memref<128xi32, #tpu.memory_space<vmem>>) semaphore(%arg21 : memref<!tpu.dma_semaphore, #tpu.memory_space<semaphore_mem>>)
            } else {
            }
            %dma_wait3A_241 = arith.constant 0 : i32
            %dma_wait3A_242 = tpu.memref_slice %arg12[%and3A_232, %dma_wait3A_241] : memref<16x128xi32, #tpu.memory_space<vmem>> -> memref<1x128xi32, #tpu.memory_space<vmem>>
            %dma_wait3A_243 = tpu.memref_squeeze %dma_wait3A_242 : memref<1x128xi32, #tpu.memory_space<vmem>> -> memref<128xi32, #tpu.memory_space<vmem>>
            %dma_wait3A_244 = arith.constant 0 : i32
            %dma_wait3A_245 = arith.constant 0 : i32
            %dma_wait3A_246 = tpu.memref_slice %arg3[%dma_wait3A_244, %dma_wait3A_245] : memref<100000x128xf32, #tpu.memory_space<hbm>> -> memref<100000x128xf32, #tpu.memory_space<hbm>>
            tpu.wait_indirect_dma semaphore(%arg21 : memref<!tpu.dma_semaphore, #tpu.memory_space<semaphore_mem>>) src(%dma_wait3A_246 : memref<100000x128xf32, #tpu.memory_space<hbm>>) dst(%arg15 : memref<128x128xf32, #tpu.memory_space<vmem>>)
            %add3A_247 = arith.constant 1 : i32
            %add3A_248 = arith.addi %while3A_214, %add3A_247 : i32
            %lt3A_249 = arith.cmpi slt, %add3A_248, %shift_right_arithmetic3A_203 : i32
            %convert_element_type3A_250 = arith.extui %lt3A_249 : i1 to i32
            %cond3A_251 = arith.constant 0 : i32
            %cond3A_252 = arith.cmpi ne, %convert_element_type3A_250, %cond3A_251 : i32
            scf.if %cond3A_252 {
              %dma_start3A_253 = arith.constant 0 : i32
              %dma_start3A_254 = tpu.memref_slice %arg12[%and3A_236, %dma_start3A_253] : memref<16x128xi32, #tpu.memory_space<vmem>> -> memref<1x128xi32, #tpu.memory_space<vmem>>
              %dma_start3A_255 = tpu.memref_squeeze %dma_start3A_254 : memref<1x128xi32, #tpu.memory_space<vmem>> -> memref<128xi32, #tpu.memory_space<vmem>>
              %dma_start3A_256 = arith.constant 0 : i32
              %dma_start3A_257 = arith.constant 0 : i32
              %dma_start3A_258 = tpu.memref_slice %arg3[%dma_start3A_256, %dma_start3A_257] : memref<100000x128xf32, #tpu.memory_space<hbm>> -> memref<100000x128xf32, #tpu.memory_space<hbm>>
              tpu.enqueue_indirect_dma source(%dma_start3A_258 : memref<100000x128xf32, #tpu.memory_space<hbm>>) target(%arg14 : memref<128x128xf32, #tpu.memory_space<vmem>>) offsets(%dma_start3A_255 : memref<128xi32, #tpu.memory_space<vmem>>) semaphore(%arg20 : memref<!tpu.dma_semaphore, #tpu.memory_space<semaphore_mem>>)
            } else {
            }
            "tpu.region"() ({
              %run_scoped3A = tpu.sem_alloc : memref<!tpu.dma_semaphore, #tpu.memory_space<semaphore_mem>>
              %dma_start3A_253 = arith.constant 0 : i32
              %dma_start3A_254 = tpu.memref_slice %arg13[%and3A_232, %dma_start3A_253] : memref<16x128xi32, #tpu.memory_space<vmem>> -> memref<1x128xi32, #tpu.memory_space<vmem>>
              %dma_start3A_255 = tpu.memref_squeeze %dma_start3A_254 : memref<1x128xi32, #tpu.memory_space<vmem>> -> memref<128xi32, #tpu.memory_space<vmem>>
              %dma_start3A_256 = arith.constant 0 : i32
              %dma_start3A_257 = arith.constant 0 : i32
              %dma_start3A_258 = tpu.memref_slice %arg17[%dma_start3A_256, %dma_start3A_257] : memref<10008x128xf32, #tpu.memory_space<vmem_shared>> -> memref<10008x128xf32, #tpu.memory_space<vmem_shared>>
              tpu.enqueue_indirect_dma source(%arg15 : memref<128x128xf32, #tpu.memory_space<vmem>>) target(%dma_start3A_258 : memref<10008x128xf32, #tpu.memory_space<vmem_shared>>) offsets(%dma_start3A_255 : memref<128xi32, #tpu.memory_space<vmem>>) semaphore(%run_scoped3A : memref<!tpu.dma_semaphore, #tpu.memory_space<semaphore_mem>>) {add = true}
              %dma_wait3A_259 = arith.constant 0 : i32
              %dma_wait3A_260 = tpu.memref_slice %arg13[%and3A_232, %dma_wait3A_259] : memref<16x128xi32, #tpu.memory_space<vmem>> -> memref<1x128xi32, #tpu.memory_space<vmem>>
              %dma_wait3A_261 = tpu.memref_squeeze %dma_wait3A_260 : memref<1x128xi32, #tpu.memory_space<vmem>> -> memref<128xi32, #tpu.memory_space<vmem>>
              %dma_wait3A_262 = arith.constant 0 : i32
              %dma_wait3A_263 = arith.constant 0 : i32
              %dma_wait3A_264 = tpu.memref_slice %arg17[%dma_wait3A_262, %dma_wait3A_263] : memref<10008x128xf32, #tpu.memory_space<vmem_shared>> -> memref<10008x128xf32, #tpu.memory_space<vmem_shared>>
              tpu.wait_indirect_dma semaphore(%run_scoped3A : memref<!tpu.dma_semaphore, #tpu.memory_space<semaphore_mem>>) src(%arg15 : memref<128x128xf32, #tpu.memory_space<vmem>>) dst(%dma_wait3A_264 : memref<10008x128xf32, #tpu.memory_space<vmem_shared>>)
              tpu.yield
            }) : () -> ()
          } else {
          }
          %while3A_230 = arith.constant 0 : i32
          scf.yield %while3A_230 : i32
        }
        %while3A_212 = arith.constant 1 : i32
        %while3A_213 = scf.for %while3A_214 = %while3A_209 to %while3A_205 step %while3A_212 iter_args(%while3A_215 = %while3A_211) -> (i32)  : i32 {
          %and3A_216 = arith.constant 1 : i32
          %and3A_217 = arith.andi %while3A_214, %and3A_216 : i32
          %eq3A_218 = arith.constant 0 : i32
          %eq3A_219 = arith.cmpi eq, %and3A_217, %eq3A_218 : i32
          %convert_element_type3A_220 = arith.extui %eq3A_219 : i1 to i32
          %cond3A_221 = arith.constant 0 : i32
          %cond3A_222 = arith.cmpi ne, %convert_element_type3A_220, %cond3A_221 : i32
          scf.if %cond3A_222 {
            %and3A_231 = arith.constant 15 : i32
            %and3A_232 = arith.andi %while3A_214, %and3A_231 : i32
            %add3A_233 = arith.constant 1 : i32
            %add3A_234 = arith.addi %while3A_214, %add3A_233 : i32
            %and3A_235 = arith.constant 15 : i32
            %and3A_236 = arith.andi %add3A_234, %and3A_235 : i32
            %eq3A_237 = arith.cmpi eq, %while3A_214, %scan3A_164 : i32
            %convert_element_type3A_238 = arith.extui %eq3A_237 : i1 to i32
            %cond3A_239 = arith.constant 0 : i32
            %cond3A_240 = arith.cmpi ne, %convert_element_type3A_238, %cond3A_239 : i32
            scf.if %cond3A_240 {
              %dma_start3A_253 = arith.constant 0 : i32
              %dma_start3A_254 = tpu.memref_slice %arg12[%and3A_232, %dma_start3A_253] : memref<16x128xi32, #tpu.memory_space<vmem>> -> memref<1x128xi32, #tpu.memory_space<vmem>>
              %dma_start3A_255 = tpu.memref_squeeze %dma_start3A_254 : memref<1x128xi32, #tpu.memory_space<vmem>> -> memref<128xi32, #tpu.memory_space<vmem>>
              %dma_start3A_256 = arith.constant 0 : i32
              %dma_start3A_257 = arith.constant 0 : i32
              %dma_start3A_258 = tpu.memref_slice %arg3[%dma_start3A_256, %dma_start3A_257] : memref<100000x128xf32, #tpu.memory_space<hbm>> -> memref<100000x128xf32, #tpu.memory_space<hbm>>
              tpu.enqueue_indirect_dma source(%dma_start3A_258 : memref<100000x128xf32, #tpu.memory_space<hbm>>) target(%arg14 : memref<128x128xf32, #tpu.memory_space<vmem>>) offsets(%dma_start3A_255 : memref<128xi32, #tpu.memory_space<vmem>>) semaphore(%arg20 : memref<!tpu.dma_semaphore, #tpu.memory_space<semaphore_mem>>)
            } else {
            }
            %dma_wait3A_241 = arith.constant 0 : i32
            %dma_wait3A_242 = tpu.memref_slice %arg12[%and3A_232, %dma_wait3A_241] : memref<16x128xi32, #tpu.memory_space<vmem>> -> memref<1x128xi32, #tpu.memory_space<vmem>>
            %dma_wait3A_243 = tpu.memref_squeeze %dma_wait3A_242 : memref<1x128xi32, #tpu.memory_space<vmem>> -> memref<128xi32, #tpu.memory_space<vmem>>
            %dma_wait3A_244 = arith.constant 0 : i32
            %dma_wait3A_245 = arith.constant 0 : i32
            %dma_wait3A_246 = tpu.memref_slice %arg3[%dma_wait3A_244, %dma_wait3A_245] : memref<100000x128xf32, #tpu.memory_space<hbm>> -> memref<100000x128xf32, #tpu.memory_space<hbm>>
            tpu.wait_indirect_dma semaphore(%arg20 : memref<!tpu.dma_semaphore, #tpu.memory_space<semaphore_mem>>) src(%dma_wait3A_246 : memref<100000x128xf32, #tpu.memory_space<hbm>>) dst(%arg14 : memref<128x128xf32, #tpu.memory_space<vmem>>)
            %add3A_247 = arith.constant 1 : i32
            %add3A_248 = arith.addi %while3A_214, %add3A_247 : i32
            %lt3A_249 = arith.cmpi slt, %add3A_248, %shift_right_arithmetic3A_203 : i32
            %convert_element_type3A_250 = arith.extui %lt3A_249 : i1 to i32
            %cond3A_251 = arith.constant 0 : i32
            %cond3A_252 = arith.cmpi ne, %convert_element_type3A_250, %cond3A_251 : i32
            scf.if %cond3A_252 {
              %dma_start3A_253 = arith.constant 0 : i32
              %dma_start3A_254 = tpu.memref_slice %arg12[%and3A_236, %dma_start3A_253] : memref<16x128xi32, #tpu.memory_space<vmem>> -> memref<1x128xi32, #tpu.memory_space<vmem>>
              %dma_start3A_255 = tpu.memref_squeeze %dma_start3A_254 : memref<1x128xi32, #tpu.memory_space<vmem>> -> memref<128xi32, #tpu.memory_space<vmem>>
              %dma_start3A_256 = arith.constant 0 : i32
              %dma_start3A_257 = arith.constant 0 : i32
              %dma_start3A_258 = tpu.memref_slice %arg3[%dma_start3A_256, %dma_start3A_257] : memref<100000x128xf32, #tpu.memory_space<hbm>> -> memref<100000x128xf32, #tpu.memory_space<hbm>>
              tpu.enqueue_indirect_dma source(%dma_start3A_258 : memref<100000x128xf32, #tpu.memory_space<hbm>>) target(%arg15 : memref<128x128xf32, #tpu.memory_space<vmem>>) offsets(%dma_start3A_255 : memref<128xi32, #tpu.memory_space<vmem>>) semaphore(%arg21 : memref<!tpu.dma_semaphore, #tpu.memory_space<semaphore_mem>>)
            } else {
            }
            "tpu.region"() ({
              %run_scoped3A = tpu.sem_alloc : memref<!tpu.dma_semaphore, #tpu.memory_space<semaphore_mem>>
              %dma_start3A_253 = arith.constant 0 : i32
              %dma_start3A_254 = tpu.memref_slice %arg13[%and3A_232, %dma_start3A_253] : memref<16x128xi32, #tpu.memory_space<vmem>> -> memref<1x128xi32, #tpu.memory_space<vmem>>
              %dma_start3A_255 = tpu.memref_squeeze %dma_start3A_254 : memref<1x128xi32, #tpu.memory_space<vmem>> -> memref<128xi32, #tpu.memory_space<vmem>>
              %dma_start3A_256 = arith.constant 0 : i32
              %dma_start3A_257 = arith.constant 0 : i32
              %dma_start3A_258 = tpu.memref_slice %arg17[%dma_start3A_256, %dma_start3A_257] : memref<10008x128xf32, #tpu.memory_space<vmem_shared>> -> memref<10008x128xf32, #tpu.memory_space<vmem_shared>>
              tpu.enqueue_indirect_dma source(%arg14 : memref<128x128xf32, #tpu.memory_space<vmem>>) target(%dma_start3A_258 : memref<10008x128xf32, #tpu.memory_space<vmem_shared>>) offsets(%dma_start3A_255 : memref<128xi32, #tpu.memory_space<vmem>>) semaphore(%run_scoped3A : memref<!tpu.dma_semaphore, #tpu.memory_space<semaphore_mem>>) {add = true}
              %dma_wait3A_259 = arith.constant 0 : i32
              %dma_wait3A_260 = tpu.memref_slice %arg13[%and3A_232, %dma_wait3A_259] : memref<16x128xi32, #tpu.memory_space<vmem>> -> memref<1x128xi32, #tpu.memory_space<vmem>>
              %dma_wait3A_261 = tpu.memref_squeeze %dma_wait3A_260 : memref<1x128xi32, #tpu.memory_space<vmem>> -> memref<128xi32, #tpu.memory_space<vmem>>
              %dma_wait3A_262 = arith.constant 0 : i32
              %dma_wait3A_263 = arith.constant 0 : i32
              %dma_wait3A_264 = tpu.memref_slice %arg17[%dma_wait3A_262, %dma_wait3A_263] : memref<10008x128xf32, #tpu.memory_space<vmem_shared>> -> memref<10008x128xf32, #tpu.memory_space<vmem_shared>>
              tpu.wait_indirect_dma semaphore(%run_scoped3A : memref<!tpu.dma_semaphore, #tpu.memory_space<semaphore_mem>>) src(%arg14 : memref<128x128xf32, #tpu.memory_space<vmem>>) dst(%dma_wait3A_264 : memref<10008x128xf32, #tpu.memory_space<vmem_shared>>)
              tpu.yield
            }) : () -> ()
          } else {
          }
          %and3A_223 = arith.constant 1 : i32
          %and3A_224 = arith.andi %while3A_214, %and3A_223 : i32
          %eq3A_225 = arith.constant 1 : i32
          %eq3A_226 = arith.cmpi eq, %and3A_224, %eq3A_225 : i32
          %convert_element_type3A_227 = arith.extui %eq3A_226 : i1 to i32
          %cond3A_228 = arith.constant 0 : i32
          %cond3A_229 = arith.cmpi ne, %convert_element_type3A_227, %cond3A_228 : i32
          scf.if %cond3A_229 {
            %and3A_231 = arith.constant 15 : i32
            %and3A_232 = arith.andi %while3A_214, %and3A_231 : i32
            %add3A_233 = arith.constant 1 : i32
            %add3A_234 = arith.addi %while3A_214, %add3A_233 : i32
            %and3A_235 = arith.constant 15 : i32
            %and3A_236 = arith.andi %add3A_234, %and3A_235 : i32
            %eq3A_237 = arith.cmpi eq, %while3A_214, %scan3A_164 : i32
            %convert_element_type3A_238 = arith.extui %eq3A_237 : i1 to i32
            %cond3A_239 = arith.constant 0 : i32
            %cond3A_240 = arith.cmpi ne, %convert_element_type3A_238, %cond3A_239 : i32
            scf.if %cond3A_240 {
              %dma_start3A_253 = arith.constant 0 : i32
              %dma_start3A_254 = tpu.memref_slice %arg12[%and3A_232, %dma_start3A_253] : memref<16x128xi32, #tpu.memory_space<vmem>> -> memref<1x128xi32, #tpu.memory_space<vmem>>
              %dma_start3A_255 = tpu.memref_squeeze %dma_start3A_254 : memref<1x128xi32, #tpu.memory_space<vmem>> -> memref<128xi32, #tpu.memory_space<vmem>>
              %dma_start3A_256 = arith.constant 0 : i32
              %dma_start3A_257 = arith.constant 0 : i32
              %dma_start3A_258 = tpu.memref_slice %arg3[%dma_start3A_256, %dma_start3A_257] : memref<100000x128xf32, #tpu.memory_space<hbm>> -> memref<100000x128xf32, #tpu.memory_space<hbm>>
              tpu.enqueue_indirect_dma source(%dma_start3A_258 : memref<100000x128xf32, #tpu.memory_space<hbm>>) target(%arg15 : memref<128x128xf32, #tpu.memory_space<vmem>>) offsets(%dma_start3A_255 : memref<128xi32, #tpu.memory_space<vmem>>) semaphore(%arg21 : memref<!tpu.dma_semaphore, #tpu.memory_space<semaphore_mem>>)
            } else {
            }
            %dma_wait3A_241 = arith.constant 0 : i32
            %dma_wait3A_242 = tpu.memref_slice %arg12[%and3A_232, %dma_wait3A_241] : memref<16x128xi32, #tpu.memory_space<vmem>> -> memref<1x128xi32, #tpu.memory_space<vmem>>
            %dma_wait3A_243 = tpu.memref_squeeze %dma_wait3A_242 : memref<1x128xi32, #tpu.memory_space<vmem>> -> memref<128xi32, #tpu.memory_space<vmem>>
            %dma_wait3A_244 = arith.constant 0 : i32
            %dma_wait3A_245 = arith.constant 0 : i32
            %dma_wait3A_246 = tpu.memref_slice %arg3[%dma_wait3A_244, %dma_wait3A_245] : memref<100000x128xf32, #tpu.memory_space<hbm>> -> memref<100000x128xf32, #tpu.memory_space<hbm>>
            tpu.wait_indirect_dma semaphore(%arg21 : memref<!tpu.dma_semaphore, #tpu.memory_space<semaphore_mem>>) src(%dma_wait3A_246 : memref<100000x128xf32, #tpu.memory_space<hbm>>) dst(%arg15 : memref<128x128xf32, #tpu.memory_space<vmem>>)
            %add3A_247 = arith.constant 1 : i32
            %add3A_248 = arith.addi %while3A_214, %add3A_247 : i32
            %lt3A_249 = arith.cmpi slt, %add3A_248, %shift_right_arithmetic3A_203 : i32
            %convert_element_type3A_250 = arith.extui %lt3A_249 : i1 to i32
            %cond3A_251 = arith.constant 0 : i32
            %cond3A_252 = arith.cmpi ne, %convert_element_type3A_250, %cond3A_251 : i32
            scf.if %cond3A_252 {
              %dma_start3A_253 = arith.constant 0 : i32
              %dma_start3A_254 = tpu.memref_slice %arg12[%and3A_236, %dma_start3A_253] : memref<16x128xi32, #tpu.memory_space<vmem>> -> memref<1x128xi32, #tpu.memory_space<vmem>>
              %dma_start3A_255 = tpu.memref_squeeze %dma_start3A_254 : memref<1x128xi32, #tpu.memory_space<vmem>> -> memref<128xi32, #tpu.memory_space<vmem>>
              %dma_start3A_256 = arith.constant 0 : i32
              %dma_start3A_257 = arith.constant 0 : i32
              %dma_start3A_258 = tpu.memref_slice %arg3[%dma_start3A_256, %dma_start3A_257] : memref<100000x128xf32, #tpu.memory_space<hbm>> -> memref<100000x128xf32, #tpu.memory_space<hbm>>
              tpu.enqueue_indirect_dma source(%dma_start3A_258 : memref<100000x128xf32, #tpu.memory_space<hbm>>) target(%arg14 : memref<128x128xf32, #tpu.memory_space<vmem>>) offsets(%dma_start3A_255 : memref<128xi32, #tpu.memory_space<vmem>>) semaphore(%arg20 : memref<!tpu.dma_semaphore, #tpu.memory_space<semaphore_mem>>)
            } else {
            }
            "tpu.region"() ({
              %run_scoped3A = tpu.sem_alloc : memref<!tpu.dma_semaphore, #tpu.memory_space<semaphore_mem>>
              %dma_start3A_253 = arith.constant 0 : i32
              %dma_start3A_254 = tpu.memref_slice %arg13[%and3A_232, %dma_start3A_253] : memref<16x128xi32, #tpu.memory_space<vmem>> -> memref<1x128xi32, #tpu.memory_space<vmem>>
              %dma_start3A_255 = tpu.memref_squeeze %dma_start3A_254 : memref<1x128xi32, #tpu.memory_space<vmem>> -> memref<128xi32, #tpu.memory_space<vmem>>
              %dma_start3A_256 = arith.constant 0 : i32
              %dma_start3A_257 = arith.constant 0 : i32
              %dma_start3A_258 = tpu.memref_slice %arg17[%dma_start3A_256, %dma_start3A_257] : memref<10008x128xf32, #tpu.memory_space<vmem_shared>> -> memref<10008x128xf32, #tpu.memory_space<vmem_shared>>
              tpu.enqueue_indirect_dma source(%arg15 : memref<128x128xf32, #tpu.memory_space<vmem>>) target(%dma_start3A_258 : memref<10008x128xf32, #tpu.memory_space<vmem_shared>>) offsets(%dma_start3A_255 : memref<128xi32, #tpu.memory_space<vmem>>) semaphore(%run_scoped3A : memref<!tpu.dma_semaphore, #tpu.memory_space<semaphore_mem>>) {add = true}
              %dma_wait3A_259 = arith.constant 0 : i32
              %dma_wait3A_260 = tpu.memref_slice %arg13[%and3A_232, %dma_wait3A_259] : memref<16x128xi32, #tpu.memory_space<vmem>> -> memref<1x128xi32, #tpu.memory_space<vmem>>
              %dma_wait3A_261 = tpu.memref_squeeze %dma_wait3A_260 : memref<1x128xi32, #tpu.memory_space<vmem>> -> memref<128xi32, #tpu.memory_space<vmem>>
              %dma_wait3A_262 = arith.constant 0 : i32
              %dma_wait3A_263 = arith.constant 0 : i32
              %dma_wait3A_264 = tpu.memref_slice %arg17[%dma_wait3A_262, %dma_wait3A_263] : memref<10008x128xf32, #tpu.memory_space<vmem_shared>> -> memref<10008x128xf32, #tpu.memory_space<vmem_shared>>
              tpu.wait_indirect_dma semaphore(%run_scoped3A : memref<!tpu.dma_semaphore, #tpu.memory_space<semaphore_mem>>) src(%arg15 : memref<128x128xf32, #tpu.memory_space<vmem>>) dst(%dma_wait3A_264 : memref<10008x128xf32, #tpu.memory_space<vmem_shared>>)
              tpu.yield
            }) : () -> ()
          } else {
          }
          %while3A_230 = arith.constant 0 : i32
          scf.yield %while3A_230 : i32
        }
        scf.yield %parallel_loop3A_193, %shift_right_arithmetic3A_203 : vector<16xi32>, i32
      }
      %scan3A_105 = arith.constant 16 : i32
      %reduce_max3A = arith.constant true
      %reduce_max3A_106 = vector.broadcast %reduce_max3A : i1 to vector<16xi1>
      %reduce_max3A_107 = arith.constant -2147483648 : i32
      %reduce_max3A_108 = vector.broadcast %reduce_max3A_107 : i32 to vector<16xi32>
      %reduce_max3A_109 = arith.xori %scan3A_104#0, %reduce_max3A_108 : vector<16xi32>
      %reduce_max3A_110 = tpu.scan <max>, %reduce_max3A_109 masked %reduce_max3A_106 : vector<16xi32>, vector<16xi1> -> vector<16xi32>
      %reduce_max3A_111 = arith.xori %reduce_max3A_110, %reduce_max3A_108 : vector<16xi32>
      %reduce_max3A_112 = vector.extract %reduce_max3A_111[15] : i32 from vector<16xi32>
      %add3A_113 = arith.constant 127 : i32
      %add3A_114 = arith.addi %reduce_max3A_112, %add3A_113 : i32
      %shift_right_arithmetic3A = arith.constant 7 : i32
      %shift_right_arithmetic3A_115 = arith.shrsi %add3A_114, %shift_right_arithmetic3A : i32
      %mul3A_116 = arith.constant 128 : i32
      %mul3A_117 = arith.muli %shift_right_arithmetic3A_115, %mul3A_116 : i32
      %scan3A_118 = arith.constant 0 : i32
      %scan3A_119 = arith.constant 0 : i32
      %scan3A_120 = arith.constant 8 : i32
      %scan3A_121 = arith.addi %scan3A_119, %scan3A_120 : i32
      %scan3A_122 = arith.constant 1 : i32
      %scan3A_123 = scf.for %scan3A_162 = %scan3A_119 to %scan3A_121 step %scan3A_122 iter_args(%scan3A_163 = %scan3A_118) -> (i32)  : i32 {
        %mul3A_164 = arith.constant 16 : i32
        %mul3A_165 = arith.muli %scan3A_162, %mul3A_164 : i32
        %add3A_166 = arith.addi %reduce_max3A_112, %mul3A_165 : i32
        %add3A_167 = vector.broadcast %add3A_166 : i32 to vector<16xi32>
        %add3A_168 = arith.addi %add3A_167, %iota3A : vector<16xi32>
        %lt3A = vector.broadcast %mul3A_117 : i32 to vector<16xi32>
        %lt3A_169 = arith.cmpi slt, %add3A_168, %lt3A : vector<16xi32>
        %shift_right_arithmetic3A_170 = arith.constant 7 : i32
        %shift_right_arithmetic3A_171 = vector.broadcast %shift_right_arithmetic3A_170 : i32 to vector<16xi32>
        %shift_right_arithmetic3A_172 = arith.shrsi %add3A_168, %shift_right_arithmetic3A_171 : vector<16xi32>
        %and3A = arith.constant 15 : i32
        %and3A_173 = vector.broadcast %and3A : i32 to vector<16xi32>
        %and3A_174 = arith.andi %shift_right_arithmetic3A_172, %and3A_173 : vector<16xi32>
        %and3A_175 = arith.constant 127 : i32
        %and3A_176 = vector.broadcast %and3A_175 : i32 to vector<16xi32>
        %and3A_177 = arith.andi %add3A_168, %and3A_176 : vector<16xi32>
        %broadcast_in_dim3A_178 = arith.constant 0 : i32
        %broadcast_in_dim3A_179 = vector.broadcast %broadcast_in_dim3A_178 : i32 to vector<16xi32>
        tpu.vector_store_idx %arg12[%and3A_174, %and3A_177], %broadcast_in_dim3A_179 masked %lt3A_169 : memref<16x128xi32, #tpu.memory_space<vmem>>[vector<16xi32>, vector<16xi32>], vector<16xi32>, vector<16xi1>
        %broadcast_in_dim3A_180 = arith.constant 10000 : i32
        %broadcast_in_dim3A_181 = vector.broadcast %broadcast_in_dim3A_180 : i32 to vector<16xi32>
        tpu.vector_store_idx %arg13[%and3A_174, %and3A_177], %broadcast_in_dim3A_181 masked %lt3A_169 : memref<16x128xi32, #tpu.memory_space<vmem>>[vector<16xi32>, vector<16xi32>], vector<16xi32>, vector<16xi1>
        %scan3A_182 = arith.constant 0 : i32
        scf.yield %scan3A_182 : i32
      }
      %scan3A_124 = arith.constant 8 : i32
      %gt3A = arith.cmpi sgt, %shift_right_arithmetic3A_115, %scan3A_104#1 : i32
      %convert_element_type3A_125 = arith.extui %gt3A : i1 to i32
      %cond3A_126 = arith.constant 0 : i32
      %cond3A_127 = arith.cmpi ne, %convert_element_type3A_125, %cond3A_126 : i32
      scf.if %cond3A_127 {
        %and3A = arith.constant 15 : i32
        %and3A_162 = arith.andi %scan3A_104#1, %and3A : i32
        %dma_start3A_163 = arith.constant 0 : i32
        %dma_start3A_164 = tpu.memref_slice %arg12[%and3A_162, %dma_start3A_163] : memref<16x128xi32, #tpu.memory_space<vmem>> -> memref<1x128xi32, #tpu.memory_space<vmem>>
        %dma_start3A_165 = tpu.memref_squeeze %dma_start3A_164 : memref<1x128xi32, #tpu.memory_space<vmem>> -> memref<128xi32, #tpu.memory_space<vmem>>
        %dma_start3A_166 = arith.constant 0 : i32
        %dma_start3A_167 = arith.constant 0 : i32
        %dma_start3A_168 = tpu.memref_slice %arg3[%dma_start3A_166, %dma_start3A_167] : memref<100000x128xf32, #tpu.memory_space<hbm>> -> memref<100000x128xf32, #tpu.memory_space<hbm>>
        tpu.enqueue_indirect_dma source(%dma_start3A_168 : memref<100000x128xf32, #tpu.memory_space<hbm>>) target(%arg14 : memref<128x128xf32, #tpu.memory_space<vmem>>) offsets(%dma_start3A_165 : memref<128xi32, #tpu.memory_space<vmem>>) semaphore(%arg20 : memref<!tpu.dma_semaphore, #tpu.memory_space<semaphore_mem>>)
        %dma_wait3A_169 = arith.constant 0 : i32
        %dma_wait3A_170 = tpu.memref_slice %arg12[%and3A_162, %dma_wait3A_169] : memref<16x128xi32, #tpu.memory_space<vmem>> -> memref<1x128xi32, #tpu.memory_space<vmem>>
        %dma_wait3A_171 = tpu.memref_squeeze %dma_wait3A_170 : memref<1x128xi32, #tpu.memory_space<vmem>> -> memref<128xi32, #tpu.memory_space<vmem>>
        %dma_wait3A_172 = arith.constant 0 : i32
        %dma_wait3A_173 = arith.constant 0 : i32
        %dma_wait3A_174 = tpu.memref_slice %arg3[%dma_wait3A_172, %dma_wait3A_173] : memref<100000x128xf32, #tpu.memory_space<hbm>> -> memref<100000x128xf32, #tpu.memory_space<hbm>>
        tpu.wait_indirect_dma semaphore(%arg20 : memref<!tpu.dma_semaphore, #tpu.memory_space<semaphore_mem>>) src(%dma_wait3A_174 : memref<100000x128xf32, #tpu.memory_space<hbm>>) dst(%arg14 : memref<128x128xf32, #tpu.memory_space<vmem>>)
        "tpu.region"() ({
          %run_scoped3A = tpu.sem_alloc : memref<!tpu.dma_semaphore, #tpu.memory_space<semaphore_mem>>
          %dma_start3A_175 = arith.constant 0 : i32
          %dma_start3A_176 = tpu.memref_slice %arg13[%and3A_162, %dma_start3A_175] : memref<16x128xi32, #tpu.memory_space<vmem>> -> memref<1x128xi32, #tpu.memory_space<vmem>>
          %dma_start3A_177 = tpu.memref_squeeze %dma_start3A_176 : memref<1x128xi32, #tpu.memory_space<vmem>> -> memref<128xi32, #tpu.memory_space<vmem>>
          %dma_start3A_178 = arith.constant 0 : i32
          %dma_start3A_179 = arith.constant 0 : i32
          %dma_start3A_180 = tpu.memref_slice %arg17[%dma_start3A_178, %dma_start3A_179] : memref<10008x128xf32, #tpu.memory_space<vmem_shared>> -> memref<10008x128xf32, #tpu.memory_space<vmem_shared>>
          tpu.enqueue_indirect_dma source(%arg14 : memref<128x128xf32, #tpu.memory_space<vmem>>) target(%dma_start3A_180 : memref<10008x128xf32, #tpu.memory_space<vmem_shared>>) offsets(%dma_start3A_177 : memref<128xi32, #tpu.memory_space<vmem>>) semaphore(%run_scoped3A : memref<!tpu.dma_semaphore, #tpu.memory_space<semaphore_mem>>) {add = true}
          %dma_wait3A_181 = arith.constant 0 : i32
          %dma_wait3A_182 = tpu.memref_slice %arg13[%and3A_162, %dma_wait3A_181] : memref<16x128xi32, #tpu.memory_space<vmem>> -> memref<1x128xi32, #tpu.memory_space<vmem>>
          %dma_wait3A_183 = tpu.memref_squeeze %dma_wait3A_182 : memref<1x128xi32, #tpu.memory_space<vmem>> -> memref<128xi32, #tpu.memory_space<vmem>>
          %dma_wait3A_184 = arith.constant 0 : i32
          %dma_wait3A_185 = arith.constant 0 : i32
          %dma_wait3A_186 = tpu.memref_slice %arg17[%dma_wait3A_184, %dma_wait3A_185] : memref<10008x128xf32, #tpu.memory_space<vmem_shared>> -> memref<10008x128xf32, #tpu.memory_space<vmem_shared>>
          tpu.wait_indirect_dma semaphore(%run_scoped3A : memref<!tpu.dma_semaphore, #tpu.memory_space<semaphore_mem>>) src(%arg14 : memref<128x128xf32, #tpu.memory_space<vmem>>) dst(%dma_wait3A_186 : memref<10008x128xf32, #tpu.memory_space<vmem_shared>>)
          tpu.yield
        }) : () -> ()
      } else {
      }
      %barrier3A_128 = arith.constant 0 : index
      tpu.barrier barrier_id(%barrier3A_128)
      %scan3A_129 = arith.constant 0 : i32
      %scan3A_130 = arith.constant 0 : i32
      %scan3A_131 = arith.constant 9 : i32
      %scan3A_132 = arith.addi %scan3A_130, %scan3A_131 : i32
      %scan3A_133 = arith.constant 1 : i32
      %scan3A_134 = scf.for %scan3A_162 = %scan3A_130 to %scan3A_132 step %scan3A_133 iter_args(%scan3A_163 = %scan3A_129) -> (i32)  : i32 {
        %mul3A_164 = arith.constant 64 : i32
        %mul3A_165 = arith.muli %scan3A_162, %mul3A_164 : i32
        %add3A_166 = arith.addi %mul3A_18, %mul3A_165 : i32
        %add3A_167 = arith.addi %mul3A_34, %mul3A_18 : i32
        %mul3A_168 = arith.constant 64 : i32
        %mul3A_169 = arith.muli %scan3A_162, %mul3A_168 : i32
        %add3A_170 = arith.addi %add3A_167, %mul3A_169 : i32
        %dma_start3A_171 = arith.constant 0 : i32
        %dma_start3A_172 = tpu.memref_slice %arg9[%add3A_170, %dma_start3A_171] : memref<100000x128xf32, #tpu.memory_space<hbm>> -> memref<64x128xf32, #tpu.memory_space<hbm>>
        %dma_start3A_173 = arith.constant 0 : i32
        %dma_start3A_174 = tpu.memref_slice %arg17[%add3A_166, %dma_start3A_173] : memref<10008x128xf32, #tpu.memory_space<vmem_shared>> -> memref<64x128xf32, #tpu.memory_space<vmem_shared>>
        tpu.enqueue_dma source(%dma_start3A_174 : memref<64x128xf32, #tpu.memory_space<vmem_shared>>) target(%dma_start3A_172 : memref<64x128xf32, #tpu.memory_space<hbm>>) target_semaphore(%arg18 : memref<!tpu.dma_semaphore, #tpu.memory_space<semaphore_mem>>)
        %scan3A_175 = arith.constant 0 : i32
        scf.yield %scan3A_175 : i32
      }
      %scan3A_135 = arith.constant 9 : i32
      %add3A_136 = arith.constant 576 : i32
      %add3A_137 = arith.addi %mul3A_18, %add3A_136 : i32
      %add3A_138 = arith.addi %mul3A_34, %mul3A_18 : i32
      %add3A_139 = arith.constant 576 : i32
      %add3A_140 = arith.addi %add3A_138, %add3A_139 : i32
      %dma_start3A_141 = arith.constant 0 : i32
      %dma_start3A_142 = tpu.memref_slice %arg9[%add3A_140, %dma_start3A_141] : memref<100000x128xf32, #tpu.memory_space<hbm>> -> memref<49x128xf32, #tpu.memory_space<hbm>>
      %dma_start3A_143 = arith.constant 0 : i32
      %dma_start3A_144 = tpu.memref_slice %arg17[%add3A_137, %dma_start3A_143] : memref<10008x128xf32, #tpu.memory_space<vmem_shared>> -> memref<49x128xf32, #tpu.memory_space<vmem_shared>>
      tpu.enqueue_dma source(%dma_start3A_144 : memref<49x128xf32, #tpu.memory_space<vmem_shared>>) target(%dma_start3A_142 : memref<49x128xf32, #tpu.memory_space<hbm>>) target_semaphore(%arg18 : memref<!tpu.dma_semaphore, #tpu.memory_space<semaphore_mem>>)
      %scan3A_145 = arith.constant 0 : i32
      %scan3A_146 = arith.constant 0 : i32
      %scan3A_147 = arith.constant 9 : i32
      %scan3A_148 = arith.addi %scan3A_146, %scan3A_147 : i32
      %scan3A_149 = arith.constant 1 : i32
      %scan3A_150 = scf.for %scan3A_162 = %scan3A_146 to %scan3A_148 step %scan3A_149 iter_args(%scan3A_163 = %scan3A_145) -> (i32)  : i32 {
        %mul3A_164 = arith.constant 64 : i32
        %mul3A_165 = arith.muli %scan3A_162, %mul3A_164 : i32
        %add3A_166 = arith.addi %mul3A_18, %mul3A_165 : i32
        %add3A_167 = arith.addi %mul3A_34, %mul3A_18 : i32
        %mul3A_168 = arith.constant 64 : i32
        %mul3A_169 = arith.muli %scan3A_162, %mul3A_168 : i32
        %add3A_170 = arith.addi %add3A_167, %mul3A_169 : i32
        %dma_wait3A_171 = arith.constant 0 : i32
        %dma_wait3A_172 = tpu.memref_slice %arg9[%add3A_170, %dma_wait3A_171] : memref<100000x128xf32, #tpu.memory_space<hbm>> -> memref<64x128xf32, #tpu.memory_space<hbm>>
        %dma_wait3A_173 = arith.constant 0 : i32
        %dma_wait3A_174 = tpu.memref_slice %arg17[%add3A_166, %dma_wait3A_173] : memref<10008x128xf32, #tpu.memory_space<vmem_shared>> -> memref<64x128xf32, #tpu.memory_space<vmem_shared>>
        tpu.wait_dma2 semaphore(%arg18 : memref<!tpu.dma_semaphore, #tpu.memory_space<semaphore_mem>>) src(%dma_wait3A_174 : memref<64x128xf32, #tpu.memory_space<vmem_shared>>) dst(%dma_wait3A_172 : memref<64x128xf32, #tpu.memory_space<hbm>>)
        %scan3A_175 = arith.constant 0 : i32
        scf.yield %scan3A_175 : i32
      }
      %scan3A_151 = arith.constant 9 : i32
      %add3A_152 = arith.constant 576 : i32
      %add3A_153 = arith.addi %mul3A_18, %add3A_152 : i32
      %add3A_154 = arith.addi %mul3A_34, %mul3A_18 : i32
      %add3A_155 = arith.constant 576 : i32
      %add3A_156 = arith.addi %add3A_154, %add3A_155 : i32
      %dma_wait3A_157 = arith.constant 0 : i32
      %dma_wait3A_158 = tpu.memref_slice %arg9[%add3A_156, %dma_wait3A_157] : memref<100000x128xf32, #tpu.memory_space<hbm>> -> memref<49x128xf32, #tpu.memory_space<hbm>>
      %dma_wait3A_159 = arith.constant 0 : i32
      %dma_wait3A_160 = tpu.memref_slice %arg17[%add3A_153, %dma_wait3A_159] : memref<10008x128xf32, #tpu.memory_space<vmem_shared>> -> memref<49x128xf32, #tpu.memory_space<vmem_shared>>
      tpu.wait_dma2 semaphore(%arg18 : memref<!tpu.dma_semaphore, #tpu.memory_space<semaphore_mem>>) src(%dma_wait3A_160 : memref<49x128xf32, #tpu.memory_space<vmem_shared>>) dst(%dma_wait3A_158 : memref<49x128xf32, #tpu.memory_space<hbm>>)
      %scan3A_161 = arith.constant 0 : i32
      scf.yield %scan3A_161 : i32
    }
    %scan3A_27 = arith.constant 5 : i32
    %barrier3A_28 = arith.constant 0 : index
    tpu.barrier barrier_id(%barrier3A_28)
    return
  }
}

module attributes {stable_mosaic.version = 14 : i64} {
  func.func @_mm_body(%arg0: i32, %arg1: memref<1000x128xf32, #tpu.memory_space<vmem>>, %arg2: memref<128x128xf32, #tpu.memory_space<vmem>>, %arg3: memref<1000x128xf32, #tpu.memory_space<vmem>>) attributes {dimension_semantics = [#tpu.dimension_semantics<arbitrary>], iteration_bounds = array<i64: 100>, scalar_prefetch = 0 : i64, scratch_operands = 0 : i64, tpu.core_type = #tpu.core_type<tc>, window_params = [{transform_indices = @transform_0, window_bounds = array<i64: 1000, 128>}, {pipeline_mode = #tpu.pipeline_mode<synchronous>, transform_indices = @transform_1, window_bounds = array<i64: 128, 128>}, {transform_indices = @transform_2, window_bounds = array<i64: 1000, 128>}]} {
    %get3A = arith.constant 0 : index
    %get3A_0 = arith.constant 0 : index
    %get3A_1 = vector.load %arg1[%get3A, %get3A_0] : memref<1000x128xf32, #tpu.memory_space<vmem>>, vector<1000x128xf32>
    %get3A_2 = arith.constant 0 : index
    %get3A_3 = arith.constant 0 : index
    %get3A_4 = vector.load %arg2[%get3A_2, %get3A_3] : memref<128x128xf32, #tpu.memory_space<vmem>>, vector<128x128xf32>
    %dot_general3A = arith.constant dense<0.000000e+00> : vector<1000x128xf32>
    %dot_general3A_5 = tpu.matmul %get3A_1, %get3A_4, %dot_general3A {dimension_numbers = #tpu.dot_dimension_numbers<[1], [0], [0], [1], [0, 0, 1, 1], [], []>, transpose_lhs_hint = false} : vector<1000x128xf32>, vector<128x128xf32>, vector<1000x128xf32> -> vector<1000x128xf32>
    %swap3A = arith.constant 0 : index
    %swap3A_6 = arith.constant 0 : index
    %swap3A_7 = vector.load %arg3[%swap3A, %swap3A_6] : memref<1000x128xf32, #tpu.memory_space<vmem>>, vector<1000x128xf32>
    tpu.vector_store %arg3[%swap3A, %swap3A_6], %dot_general3A_5 {strides = array<i32>} : memref<1000x128xf32, #tpu.memory_space<vmem>>, vector<1000x128xf32>,
    return
  }
  func.func @transform_0(%arg0: i32) -> (i32, i32) {
    %c0_i32 = arith.constant 0 : i32
    %c0_i32_0 = arith.constant 0 : i32
    return %arg0, %c0_i32 : i32, i32
  }
  func.func @transform_1(%arg0: i32) -> (i32, i32) {
    %c0_i32 = arith.constant 0 : i32
    %c0_i32_0 = arith.constant 0 : i32
    %c0_i32_1 = arith.constant 0 : i32
    return %c0_i32, %c0_i32_0 : i32, i32
  }
  func.func @transform_2(%arg0: i32) -> (i32, i32) {
    %c0_i32 = arith.constant 0 : i32
    %c0_i32_0 = arith.constant 0 : i32
    return %arg0, %c0_i32 : i32, i32
  }
}

module attributes {stable_mosaic.version = 14 : i64} {
  func.func @_fin_body(%arg0: i32, %arg1: memref<1000x128xf32, #tpu.memory_space<vmem>>, %arg2: memref<1000x128xf32, #tpu.memory_space<vmem>>, %arg3: memref<128x128xf32, #tpu.memory_space<vmem>>, %arg4: memref<1x128xf32, #tpu.memory_space<vmem>>, %arg5: memref<1000x128xf32, #tpu.memory_space<vmem>>) attributes {dimension_semantics = [#tpu.dimension_semantics<arbitrary>], iteration_bounds = array<i64: 100>, scalar_prefetch = 0 : i64, scratch_operands = 0 : i64, tpu.core_type = #tpu.core_type<tc>, window_params = [{transform_indices = @transform_0, window_bounds = array<i64: 1000, 128>}, {transform_indices = @transform_1, window_bounds = array<i64: 1000, 128>}, {pipeline_mode = #tpu.pipeline_mode<synchronous>, transform_indices = @transform_2, window_bounds = array<i64: 128, 128>}, {pipeline_mode = #tpu.pipeline_mode<synchronous>, transform_indices = @transform_3, window_bounds = array<i64: 1, 128>}, {transform_indices = @transform_4, window_bounds = array<i64: 1000, 128>}]} {
    %get3A = arith.constant 0 : index
    %get3A_0 = arith.constant 0 : index
    %get3A_1 = vector.load %arg1[%get3A, %get3A_0] : memref<1000x128xf32, #tpu.memory_space<vmem>>, vector<1000x128xf32>
    %get3A_2 = arith.constant 0 : index
    %get3A_3 = arith.constant 0 : index
    %get3A_4 = vector.load %arg2[%get3A_2, %get3A_3] : memref<1000x128xf32, #tpu.memory_space<vmem>>, vector<1000x128xf32>
    %get3A_5 = arith.constant 0 : index
    %get3A_6 = arith.constant 0 : index
    %get3A_7 = vector.load %arg3[%get3A_5, %get3A_6] : memref<128x128xf32, #tpu.memory_space<vmem>>, vector<128x128xf32>
    %dot_general3A = arith.constant dense<0.000000e+00> : vector<1000x128xf32>
    %dot_general3A_8 = tpu.matmul %get3A_4, %get3A_7, %dot_general3A {dimension_numbers = #tpu.dot_dimension_numbers<[1], [0], [0], [1], [0, 0, 1, 1], [], []>, transpose_lhs_hint = false} : vector<1000x128xf32>, vector<128x128xf32>, vector<1000x128xf32> -> vector<1000x128xf32>
    %add3A = arith.addf %get3A_1, %dot_general3A_8 : vector<1000x128xf32>
    %get3A_9 = arith.constant 0 : index
    %get3A_10 = arith.constant 0 : index
    %get3A_11 = vector.load %arg4[%get3A_9, %get3A_10] : memref<1x128xf32, #tpu.memory_space<vmem>>, vector<1x128xf32>
    %add3A_12 = vector.broadcast %get3A_11 : vector<1x128xf32> to vector<1000x128xf32>
    %add3A_13 = arith.addf %add3A, %add3A_12 : vector<1000x128xf32>
    %max3A = arith.constant 0.000000e+00 : f32
    %max3A_14 = vector.broadcast %max3A : f32 to vector<1000x128xf32>
    %max3A_15 = arith.maximumf %add3A_13, %max3A_14 : vector<1000x128xf32>
    %swap3A = arith.constant 0 : index
    %swap3A_16 = arith.constant 0 : index
    %swap3A_17 = vector.load %arg5[%swap3A, %swap3A_16] : memref<1000x128xf32, #tpu.memory_space<vmem>>, vector<1000x128xf32>
    tpu.vector_store %arg5[%swap3A, %swap3A_16], %max3A_15 {strides = array<i32>} : memref<1000x128xf32, #tpu.memory_space<vmem>>, vector<1000x128xf32>,
    return
  }
  func.func @transform_0(%arg0: i32) -> (i32, i32) {
    %c0_i32 = arith.constant 0 : i32
    %c0_i32_0 = arith.constant 0 : i32
    return %arg0, %c0_i32 : i32, i32
  }
  func.func @transform_1(%arg0: i32) -> (i32, i32) {
    %c0_i32 = arith.constant 0 : i32
    %c0_i32_0 = arith.constant 0 : i32
    return %arg0, %c0_i32 : i32, i32
  }
  func.func @transform_2(%arg0: i32) -> (i32, i32) {
    %c0_i32 = arith.constant 0 : i32
    %c0_i32_0 = arith.constant 0 : i32
    %c0_i32_1 = arith.constant 0 : i32
    return %c0_i32, %c0_i32_0 : i32, i32
  }
  func.func @transform_3(%arg0: i32) -> (i32, i32) {
    %c0_i32 = arith.constant 0 : i32
    %c0_i32_0 = arith.constant 0 : i32
    %c0_i32_1 = arith.constant 0 : i32
    return %c0_i32, %c0_i32_0 : i32, i32
  }
  func.func @transform_4(%arg0: i32) -> (i32, i32) {
    %c0_i32 = arith.constant 0 : i32
    %c0_i32_0 = arith.constant 0 : i32
    return %arg0, %c0_i32 : i32, i32
  }
}

</mosaic_0001>

<sc_bundles>
// kernel: kernel.7.cloned.1.call-start
scs
__scs_entry_jumppad:
0x0: {  	(pc) =	sbr.rel $0x88, $3  }
0x1: {  	(tag) =	ssettag $0x0;
	lr =	simm.s32 $0x1  }
0x2: {  	[smem:$0x3F97] =	sst lr;
	_ =	strace $0xD0000000  }
0x3: {  	_ = 	snop  }
0x4: {  	_ = 	snop  }
0x5: {  	_ = 	snop  }
0x6: {  	_ = 	snop  }
0x7: {  	_ = 	snop  }
__scs_overlays_trampoline_lowered:
0x8: {  	[smem:$0x3FA6] =	sst s0  }
0x9: {  	[smem:$0x3FA7] =	sst s1  }
0xa: {  	[smem:$0x3FA8] =	sst s2  }
0xb: {  	[smem:$0x3FA9] =	sst s3  }
0xc: {  	[smem:$0x3FAA] =	sst s4  }
0xd: {  	[smem:$0x3FAB] =	sst s5  }
0xe: {  	[smem:$0x3FAC] =	sst s6  }
0xf: {  	[smem:$0x3FAD] =	sst s7  }
0x10: {  	[smem:$0x3FAE] =	sst s8  }
0x11: {  	[smem:$0x3FAF] =	sst s9;
	s0 =	simm.s32 @!p0 $0x0  }
0x12: {  	s1 =	sld [smem:$0x3F95];
	s0 =	simm.s32 @p0 $0x1  }
0x13: {  	[smem:$0x3FB0] =	sst s0;
	s0 =	simm.s32 @!p1 $0x0  }
0x14: {  	s2 =	sld [smem:$0x3F94];
	s0 =	simm.s32 @p1 $0x1  }
0x15: {  	[smem:$0x3FB1] =	sst s0;
	s0 =	simm.s32 @!p2 $0x0  }
0x16: {  	s3 =	sld [smem:$0x3FDB];
	s0 =	simm.s32 @p2 $0x1  }
0x17: {  	s4 =	simm.s32 $0x1BF5;
	[smem:$0x3FB3] =	sst s0  }
0x18: {  	s0 =	sld [smem:$0x3F96];
	_ =	swait.ge [sflag:s4], $0x0  }
0x19: {  	s7 =	sld [smem:$0x3F97]  }
0x1a: {  	s8 =	sadd.s32 $0xFFFFE003, lr  }
0x1b: {  	s9 =	sadd.s32 $0xFFFFFEF7, lr;
	s5 =	simm.s32 $0xFFFFFFFF;
	p2 =	slt.u32 s8, $0xFFFFF086  }
0x1c: {  	p1 =	slt.u32 s9, $0xF7A;
	s5 =	simm.s32 @!p2 $0x0  }
0x1d: {  	s5 =	simm.s32 @p1 $0x1;
	p0 =	seq.s32 s7, s2  }
0x1e: {  	s7 =	smul.u32 @!p0 $0xF7A, s2;
	p2 =	seq.s32 @!p0 s5, $0x0  }
0x1f: {  	s9 =	smul.u32 $0xF7A, s1;
	s8 =	simm.s32 @!p0 $0x1BF5;
	p2 =	por !p2, p0  }
0x20: {  	[sflag:s8] =	ssyncset.s32 @!p0 $0xFFFFF086;
	s6 =	sadd.s32 @!p0 s3, s7;
	s7 =	simm.s32 @!p0 $0x108  }
0x21: {  	s3 =	sadd.s32 s3, s9;
	s6 =	sadd.s32 @!p0 $0x88, s6;
	s7 =	simm.s32 @p2 $0x1082  }
0x22: {  	[simem:s7], [sflag:s8] =	dma.local @!p0 [hbm:s6], $0xF7A  }
0x23: {  	s9 =	sor.u32 $0xD0000000, s2;
	s6 =	simm.s32 $0x108;
	_ =	swait.ge @!p0 [sflag:s8], $0x0  }
0x24: {  	s3 =	sadd.s32 $0x88, s3;
	s6 =	simm.s32 @!p1 $0x1082;
	[sflag:s4] =	ssyncset.s32 $0xFFFFF086  }
0x25: {  	[simem:s6], [sflag:s4] =	dma.local [hbm:s3], $0xF7A  }
0x26: {  	[smem:$0x3F97] =	sst s1;
	(tag) =	ssettag s2;
	_ =	strace s9  }
0x27: {  	s1 =	sld [smem:$0x3FA7]  }
0x28: {  	s2 =	sld [smem:$0x3FA8]  }
0x29: {  	s4 =	sld [smem:$0x3FAA]  }
0x2a: {  	p0 =	seq.s32 s5, $0x0;
	s5 =	sld [smem:$0x3FAB]  }
0x2b: {  	s6 =	sld [smem:$0x3FAC]  }
0x2c: {  	s7 =	sld [smem:$0x3FAD]  }
0x2d: {  	s3 =	simm.s32 $0x108;
	s8 =	sld [smem:$0x3FAE]  }
0x2e: {  	s3 =	simm.s32 @!p0 $0x1082;
	s9 =	sld [smem:$0x3FAF]  }
0x2f: {  	lr =	sadd.s32 s0, s3;
	s0 =	sld [smem:$0x3FA6]  }
0x30: {  	s3 =	sld [smem:$0x3FA9]  }
0x31: {  	[smem:$0x3FB2] =	sst s10  }
0x32: {  	s10 =	sld [smem:$0x3FB0];
	_ =	sdelay $0x3  }
0x33: {  	p0 =	seq.s32 s10, $0x1;
	s10 =	sld [smem:$0x3FB2];
	_ =	sdelay $0x3  }
0x34: {  	[smem:$0x3FB2] =	sst s10  }
0x35: {  	s10 =	sld [smem:$0x3FB1];
	_ =	sdelay $0x3  }
0x36: {  	p1 =	seq.s32 s10, $0x1;
	s10 =	sld [smem:$0x3FB2];
	_ =	sdelay $0x3  }
0x37: {  	[smem:$0x3FB2] =	sst s10  }
0x38: {  	s10 =	sld [smem:$0x3FB3]  }
0x39: {  	_ = 	snop;
	(pc) =	sbr.ind lr, $3  }
0x3a: {  	_ = 	snop  }
0x3b: {  	_ = 	snop  }
0x3c: {  	p2 =	seq.s32 s10, $0x1;
	s10 =	sld [smem:$0x3FB2]  }
0x3d: {  	_ =	shalt  }
0x3e: {  	_ =	shalt  }
0x3f: {  	_ =	shalt  }
0x40: {  	_ =	shalt  }
0x41: {  	_ =	shalt  }
0x42: {  	_ =	shalt  }
0x43: {  	_ =	shalt  }
0x44: {  	_ =	shalt  }
0x45: {  	_ =	shalt  }
0x46: {  	_ =	shalt  }
0x47: {  	_ =	shalt  }
0x48: {  	_ =	shalt  }
0x49: {  	_ =	shalt  }
0x4a: {  	_ =	shalt  }
0x4b: {  	_ =	shalt  }
0x4c: {  	_ =	shalt  }
0x4d: {  	_ =	shalt  }
0x4e: {  	_ =	shalt  }
0x4f: {  	_ =	shalt  }
0x50: {  	_ =	shalt  }
0x51: {  	_ =	shalt  }
0x52: {  	_ =	shalt  }
0x53: {  	_ =	shalt  }
0x54: {  	_ =	shalt  }
0x55: {  	_ =	shalt  }
0x56: {  	_ =	shalt  }
0x57: {  	_ =	shalt  }
0x58: {  	_ =	shalt  }
0x59: {  	_ =	shalt  }
0x5a: {  	_ =	shalt  }
0x5b: {  	_ =	shalt  }
0x5c: {  	_ =	shalt  }
0x5d: {  	_ =	shalt  }
0x5e: {  	_ =	shalt  }
0x5f: {  	_ =	shalt  }
0x60: {  	_ =	shalt  }
0x61: {  	_ =	shalt  }
0x62: {  	_ =	shalt  }
0x63: {  	_ =	shalt  }
0x64: {  	_ =	shalt  }
0x65: {  	_ =	shalt  }
0x66: {  	_ =	shalt  }
0x67: {  	_ =	shalt  }
0x68: {  	_ =	shalt  }
0x69: {  	_ =	shalt  }
0x6a: {  	_ =	shalt  }
0x6b: {  	_ =	shalt  }
0x6c: {  	_ =	shalt  }
0x6d: {  	_ =	shalt  }
0x6e: {  	_ =	shalt  }
0x6f: {  	_ =	shalt  }
0x70: {  	_ =	shalt  }
0x71: {  	_ =	shalt  }
0x72: {  	_ =	shalt  }
0x73: {  	_ =	shalt  }
0x74: {  	_ =	shalt  }
0x75: {  	_ =	shalt  }
0x76: {  	_ =	shalt  }
0x77: {  	_ =	shalt  }
0x78: {  	_ =	shalt  }
0x79: {  	_ =	shalt  }
0x7a: {  	_ =	shalt  }
0x7b: {  	_ =	shalt  }
0x7c: {  	_ =	shalt  }
0x7d: {  	_ =	shalt  }
0x7e: {  	_ =	shalt  }
0x7f: {  	_ =	shalt  }
0x80: {  	_ =	shalt  }
0x81: {  	_ =	shalt  }
0x82: {  	_ =	shalt  }
0x83: {  	_ =	shalt  }
0x84: {  	_ =	shalt  }
0x85: {  	_ =	shalt  }
0x86: {  	_ =	shalt  }
0x87: {  	_ =	shalt  }
.Lfunc_end0:
.L_simem_size_0:
called_computation_lowered:
.L_overlay_start_0:
0x88: {  	s2 =	sld [smem:$0x3FD9]  }
0x89: {  	s3 =	sld [smem:$0x3FFE];
	_ =	sdelay $0x1  }
0x8a: {  	s1 =	srdreg.scid  }
0x8b: {  	s0 =	sand.u32 $0x1, s1  }
0x8c: {  	s14 =	sshll.u32 s0, $0xA;
	s2 =	sadd.s32 s3, s2  }
0x8d: {  	s2 =	sadd.s32 s2, s14  }
0x8e: {  	[smem:$0x3FBE] =	sst s2  }
0x8f: {  	_ = 	snop  }
0x90: {  	s2 =	sld [smem:$0x3FD0];
	_ =	sdelay $0x2  }
0x91: {  	s15 =	simm.s32 $0xA;
	s4 =	simm.s32 $0x10  }
0x92: {  	[smem:s4], [sflag:s15] =	dma.local [hbm:s2], $0x1  }
0x93: {  	_ =	swait.eq [sflag:s15], $0x1  }
0x94: {  	[sflag:s15] =	ssyncset.done $0x0  }
0x95: {  	s16 =	sld [smem:$0x10];
	[sflag:s15] =	ssyncadd.s32 $0xFFFFFFFF  }
0x96: {  	s17 =	sld [smem:$0x11];
	(tm) =	ssettm $0x1  }
0x97: {  	s18 =	sld [smem:$0x3FFB];
	_ =	sdelay $0x3  }
0x98: {  	_ =	strace s18  }
0x99: {  	s4 =	sld [smem:$0x3FFC];
	_ =	sdelay $0x3  }
0x9a: {  	_ =	strace s4  }
0x9b: {  	s4 =	sld [smem:$0x3FFD];
	_ =	sdelay $0x3  }
0x9c: {  	_ =	strace s4  }
0x9d: {  	_ =	strace $0x8FFFFFFF  }
0x9e: {  	s19 =	sld [smem:$0x3FDB];
	_ =	sdelay $0x1  }
0x9f: {  	s5 =	simm.s32 $_scs_section_size  }
0xa0: {  	s6 =	simm.s32 $_size__tile_overlayer_lowered;
	s7 =	simm.s32 $_tile_overlayer_lowered  }
0xa1: {  	s22 =	simm.s32 $0x1BFF;
	s21 =	sshll.u32 s7, $0x1;
	s4 =	sadd.s32 s5, s19  }
0xa2: {  	s8 =	simm.s32 $0x0;
	s20 =	sshll.u32 s6, $0x1;
	s6 =	sadd.s32 s21, s4  }
0xa3: {  	[timem:s8], [sflag:s22] =	dma.local [hbm:s6], s20  }
0xa4: {  	_ =	swait.ge [sflag:s22], s20  }
0xa5: {  	s5 =	ssub.s32 $0x0, s20;
	[sflag:s22] =	ssyncset.done $0x0  }
0xa6: {  	[sflag:s22] =	ssyncadd.s32 s5;
	_ =	sdelay $0x1  }
0xa7: {  	s23 =	simm.s32 $0x1B8B  }
0xa8: {  	_ =	swait.ge [sflag:s23], $0x1  }
0xa9: {  	[sflag:s23] =	ssyncset.done $0x0  }
0xaa: {  	s25 =	simm.s32 $0x1B8E;
	s24 =	sld [smem:$0x3FFE];
	[sflag:s23] =	ssyncadd.s32 $0xFFFFFFFF  }
0xab: {  	s26 =	simm.s32 $execute0_lowered;
	[smem:$0x3FD2] =	sst s25  }
0xac: {  	s6 =	sshll.u32 s26, $0x1;
	_ =	strace $0x80000046;
	[dreg:$0x1] =	wrdreg $0xFFFFFFFF  }
0xad: {  	s28 =	simm.s32 $_size_execute0_lowered;
	s4 =	sadd.s32 s4, s6;
	[dreg:$0x0] =	wrdreg $0x0  }
0xae: {  	s6 =	sshll.u32 s28, $0x1;
	[dreg:$0x2] =	wrdreg s4  }
0xaf: {  	[dreg:$0x3] =	wrdreg s6  }
0xb0: {  	[dreg:$0x4] =	wrdreg $0xC0  }
0xb1: {  	_ =	task [dreg:s8], $0x5FFFF  }
0xb2: {  	[dreg:$0x1] =	wrdreg $0xFFFFFFFF  }
0xb3: {  	[dreg:$0x0] =	wrdreg $0x60  }
0xb4: {  	[dreg:$0x2] =	wrdreg s17  }
0xb5: {  	[dreg:$0x3] =	wrdreg s16  }
0xb6: {  	[dreg:$0x4] =	wrdreg s24  }
0xb7: {  	[dreg:$0x5] =	wrdreg $0xC2800  }
0xb8: {  	[dreg:$0x6] =	wrdreg $0x9  }
0xb9: {  	_ =	task.clear_ibuf [dreg:s8], $0x7FFFF;
	_ =	strace $0x90000046  }
0xba: {  	s29 =	simm.s32 $0x9;
	_ =	strace $0x80000048  }
0xbb: {  	_ =	swait.ge [sflag:s29], $0x1  }
0xbc: {  	[sflag:s29] =	ssyncadd.s32 $0xFFFFFFFF  }
0xbd: {  	_ =	strace $0x90000048  }
0xbe: {  	_ =	sfence  }
0xbf: {  	s30 =	sld [smem:$0x0];
	_ =	sdelay $0x2  }
0xc0: {  	s31 =	sshll.u32 s1, $0xD;
	s1 =	sshrl.u32 s1, $0x2  }
0xc1: {  	s3 =	sand.u32 $0x4000, s31;
	s1 =	sadd.s32 s1, s30  }
0xc2: {  	s0 =	sor.u32 s3, s0;
	s1 =	sshll.u32 s1, $0x11  }
0xc3: {  	s0 =	sor.u32 s1, s0  }
0xc4: {  	s0 =	sadd.s32 $0x8F2B, s0  }
0xc5: {  	[sflag:s0] =	ssyncadd.remote.s32 $0x1  }
0xc6: {  	_ =	sfence.sel $0xFFFF  }
0xc7: {  	[dreg:$0x0] =	wrdreg $0xFFFFFFFF;
	(pc) =	sbr.abs _section_cstart, $3  }
0xc8: {  	[dreg:$0x1] =	wrdreg $0xFFFFFFFF  }
0xc9: {  	_ =	task.clear_ibuf [dreg:s8], $0x2FFFF;
	_ =	strace $0x9FFFFFFF  }
0xca: {  	(tm) =	ssettm $0x7FFFFFFF  }
0xcb: {  	_ =	shalt  }
tec
execute0_lowered:
.L_overlay_start_1:
0x0: {  	(tag) =	ssettag $0x1  }
0x1: {  	s1 =	rddreg [dreg:$0x0]  }
0x2: {  	s2 =	rddreg [dreg:$0x1]  }
0x3: {  	s0 =	rddreg [dreg:$0x2]  }
0x4: {  	s3 =	rddreg [dreg:$0x3];
	s25 =	simm.s32 $0x0  }
0x5: {  	[smem:$0x7FF] =	sst s25;
	s10 =	sadd.s32 $0x1AD400, s0  }
0x6: {  	s14 =	sadd.s32 $0x26A00, s0;
	_ =	strace $0x80000047;
	[dreg:$0x6] =	wrdreg s10  }
0x7: {  	s5 =	sadd.s32 $0x1A00, s0;
	[dreg:$0x7] =	wrdreg s14  }
0x8: {  	s6 =	sadd.s32 $0x14200, s0;
	[smem:$0x7F0] =	sst s5  }
0x9: {  	s18 =	sadd.s32 $0x1AF800, s0;
	[smem:$0x7F1] =	sst s6  }
0xa: {  	s20 =	sadd.s32 $0x28E00, s0;
	[dreg:$0xb] =	wrdreg s18  }
0xb: {  	s22 =	sadd.s32 $0x1AD800, s0;
	[dreg:$0xd] =	wrdreg s20  }
0xc: {  	s24 =	sadd.s32 $0x1ADC00, s0;
	[dreg:$0xe] =	wrdreg s22  }
0xd: {  	s26 =	sadd.s32 $0x1AE400, s0;
	[dreg:$0x10] =	wrdreg s24  }
0xe: {  	s30 =	sadd.s32 $0x1AE800, s0;
	[dreg:$0x11] =	wrdreg s26  }
0xf: {  	s4 =	srdreg.scid;
	s31 =	sadd.s32 $0x1AEC00, s0;
	[dreg:$0x13] =	wrdreg s30  }
0x10: {  	s13 =	stileid.u32;
	s28 =	sand.u32 $0x1, s4;
	[dreg:$0x14] =	wrdreg s31  }
0x11: {  	s8 =	sadd.s32 $0xAE00, s0;
	s7 =	smul.u32 $0x4A00, s13;
	[dreg:$0x5] =	wrdreg s28  }
0x12: {  	s12 =	smul.u32 $0x4E200, s13;
	s14 =	sadd.s32 $0x27A00, s0;
	[smem:$0x7FD] =	sst s8  }
0x13: {  	s18 =	sadd.s32 $0x28600, s0;
	s20 =	sadd.s32 $0x138800, s3;
	[dreg:$0x1b] =	wrdreg s14  }
0x14: {  	s4 =	sshrl.u32 s12, $0x2;
	s12 =	sshrl.u32 s7, $0x3;
	[dreg:$0x1e] =	wrdreg s18  }
0x15: {  	[smem:$0x7F3] =	sst s20;
	s16 =	sadd.s32 s5, s12  }
0x16: {  	s17 =	sadd.s32 s6, s12;
	[dreg:$0x9] =	wrdreg s16  }
0x17: {  	s9 =	sadd.s32 $0x1D600, s0;
	s19 =	sadd.s32 s8, s12;
	[dreg:$0xa] =	wrdreg s17  }
0x18: {  	s23 =	sadd.s32 s9, s12;
	[dreg:$0xc] =	wrdreg s19  }
0x19: {  	s15 =	ssub.s32 $0x2, s28;
	s5 =	sadd.s32 $0x1AE000, s0;
	[dreg:$0xf] =	wrdreg s23  }
0x1a: {  	s11 =	sshrl.u32 s15, $0x1;
	s6 =	sadd.s32 $0x1AF000, s0;
	[dreg:$0x15] =	wrdreg s5  }
0x1b: {  	s10 =	ssub.s32 s15, s11;
	s11 =	sadd.s32 $0x27200, s0;
	[dreg:$0x16] =	wrdreg s6  }
0x1c: {  	s12 =	sadd.s32 $0x27600, s0;
	[dreg:$0x19] =	wrdreg s11  }
0x1d: {  	s15 =	sadd.s32 $0x27E00, s0;
	[dreg:$0x1a] =	wrdreg s12  }
0x1e: {  	s21 =	sadd.s32 s4, s3;
	[dreg:$0x1c] =	wrdreg s15  }
0x1f: {  	s29 =	smax.u32 s10, $0x1;
	[dreg:$0x8] =	wrdreg s21  }
0x20: {  	s16 =	sadd.s32 $0x4A0, s7;
	s7 =	sadd.s32 $0x1AF400, s0;
	[dreg:$0x12] =	wrdreg s29  }
0x21: {  	s10 =	sadd.s32 $0x26E00, s0;
	[dreg:$0x17] =	wrdreg s7  }
0x22: {  	s17 =	sadd.s32 $0x28200, s0;
	[dreg:$0x18] =	wrdreg s10  }
0x23: {  	s0 =	sadd.s32 $0x28A00, s0;
	[dreg:$0x1d] =	wrdreg s17  }
0x24: {  	s23 =	sadd.s32 $0x6000, s21;
	[dreg:$0x1f] =	wrdreg s0  }
0x25: {  	s24 =	sadd.s32 $0x8000, s21;
	[smem:$0x7F4] =	sst s23  }
0x26: {  	s26 =	sadd.s32 $0xA000, s21;
	[smem:$0x7F5] =	sst s24  }
0x27: {  	s30 =	sadd.s32 $0xE000, s21;
	[smem:$0x7F6] =	sst s26  }
0x28: {  	s15 =	sadd.s32 $0x12000, s21;
	[smem:$0x7F8] =	sst s30  }
0x29: {  	s22 =	sadd.s32 $0x2000, s21;
	[smem:$0x7F9] =	sst s15  }
0x2a: {  	p0 =	sne.s32 s13, $0x0;
	s14 =	sadd.s32 $0x4000, s21;
	[smem:$0x7FA] =	sst s22  }
0x2b: {  	s19 =	smul.u32 $0x271, s13;
	s31 =	sadd.s32 $0x10000, s21;
	[smem:$0x7FB] =	sst s14  }
0x2c: {  	s11 =	simm.s32 $0x1A80;
	s12 =	simm.s32 $0x0;
	[smem:$0x7FC] =	sst s31  }
0x2d: {  	v0 =	vimm.f32 $0.0e+00;
	s29 =	sadd.s32 $0xC000, s21;
	s0 =	simm.s32 $0x1;
	[smem:$0x7F2] =	sst s19  }
0x2e: {  	v1 =	vimm.s32 $0x0;
	v2 =	vlaneseq.u32;
	v3 =	vimm.s32 $0x2710;
	s24 =	simm.s32 $0x2;
	s7 =	simm.s32 $0x1280;
	[smem:$0x7F7] =	sst s29  }
.LBB2_1:
0x2f: {  	[smem:$0x7EF] =	sst s12;
	s4 =	simm.s32 $0x10;
	s10 =	sand.u32 $0x1FF0, s25  }
.LBB2_2:
0x30: {  	p1 =	sne.s32 s4, $0x1FF0;
	[tilespmem:s10+$0xA280] =	vst v0;
	s10 =	smov.u32 s4;
	s4 =	sadd.s32 $0x10, s4  }
.Ltmp0:
0x31: {  	(pc) =	sbr.rel @p1 .LBB2_2-.Ltmp0, $2  }
0x32: {  	_ =	sdelay $0x2  }
0x33: {  	s10 =	sand.u32 $0x1FF0, s10  }
0x34: {  	[tilespmem:s10+$0xA280] =	vst v0;
	s10 =	sld [smem:$0x7FA]  }
0x35: {  	s22 =	sld [smem:$0x7F4]  }
0x36: {  	s23 =	sld [smem:$0x7F5]  }
0x37: {  	s26 =	sld [smem:$0x7F6]  }
0x38: {  	s29 =	sld [smem:$0x7F7]  }
0x39: {  	s19 =	sld [smem:$0x7F8]  }
0x3a: {  	s17 =	simm.s32 $0x0;
	s13 =	sld [smem:$0x7FC]  }
.LBB2_4:
0x3b: {  	s4 =	simm.s32 $0xA280  }
0x3c: {  	[spmem:s21] =	stream.linear.scatter [tilespmem:s4], [sflag:$0x1], $0x2000, $0x38;
	[tilespmem:$0x1FB40] =	vst v63  }
0x3d: {  	_ = 	snop  }
0x3e: {  	[spmem:s10] =	stream.linear.scatter [tilespmem:s4], [sflag:$0x1], $0x2000, $0x38;
	[tilespmem:$0x1FB40] =	vst v63  }
0x3f: {  	_ = 	snop  }
0x40: {  	[spmem:s14] =	stream.linear.scatter [tilespmem:s4], [sflag:$0x1], $0x2000, $0x38;
	[tilespmem:$0x1FB40] =	vst v63  }
0x41: {  	_ = 	snop  }
0x42: {  	[spmem:s22] =	stream.linear.scatter [tilespmem:s4], [sflag:$0x1], $0x2000, $0x38;
	[tilespmem:$0x1FB40] =	vst v63  }
0x43: {  	_ = 	snop  }
0x44: {  	[spmem:s23] =	stream.linear.scatter [tilespmem:s4], [sflag:$0x1], $0x2000, $0x38;
	[tilespmem:$0x1FB40] =	vst v63  }
0x45: {  	_ = 	snop  }
0x46: {  	[spmem:s26] =	stream.linear.scatter [tilespmem:s4], [sflag:$0x1], $0x2000, $0x38;
	[tilespmem:$0x1FB40] =	vst v63  }
0x47: {  	_ = 	snop  }
0x48: {  	[spmem:s29] =	stream.linear.scatter [tilespmem:s4], [sflag:$0x1], $0x2000, $0x38;
	[tilespmem:$0x1FB40] =	vst v63  }
0x49: {  	_ = 	snop  }
0x4a: {  	[spmem:s19] =	stream.linear.scatter [tilespmem:s4], [sflag:$0x1], $0x2000, $0x38;
	[tilespmem:$0x1FB40] =	vst v63  }
0x4b: {  	_ = 	snop  }
0x4c: {  	[spmem:s13] =	stream.linear.scatter [tilespmem:s4], [sflag:$0x1], $0x2000, $0x38;
	[tilespmem:$0x1FB40] =	vst v63  }
0x4d: {  	s10 =	sld [smem:$0x7F3]  }
0x4e: {  	[spmem:s15] =	stream.linear.scatter [tilespmem:s4], [sflag:$0x1], $0x1880, $0x38;
	[tilespmem:$0x1FB40] =	vst v63  }
0x4f: {  	s4 =	simm.s32 @!p0 $0xA280  }
0x50: {  	[spmem:s10] =	stream.linear.scatter @!p0 [tilespmem:s4], [sflag:$0x1], $0x400, $0x38;
	[tilespmem:$0x1FB40] =	vst v63  }
0x51: {  	s25 =	rddreg [dreg:$0x9];
	s12 =	simm.s32 $0x0  }
0x52: {  	[tilespmem:s12], [sflag:$0x2] =	stream.linear.gather [hbm4b:s25+s12], $0x4A0, $0x38;
	[tilespmem:$0x1FB40] =	vst v63  }
0x53: {  	s28 =	simm.s32 $0x940;
	s26 =	rddreg [dreg:$0xa]  }
0x54: {  	[tilespmem:s28], [sflag:$0x2] =	stream.linear.gather [hbm4b:s26+s12], $0x4A0, $0x38;
	[tilespmem:$0x1FB40] =	vst v63  }
0x55: {  	_ =	swait.ge [sflag:s0], $0x2000  }
0x56: {  	[sflag:s0] =	ssyncset.done $0x0  }
0x57: {  	[sflag:s0] =	ssyncadd.s32 $0xFFFFE000  }
0x58: {  	_ =	swait.ge [sflag:s0], $0x2000  }
0x59: {  	[sflag:s0] =	ssyncset.done $0x0  }
0x5a: {  	[sflag:s0] =	ssyncadd.s32 $0xFFFFE000  }
0x5b: {  	_ =	swait.ge [sflag:s0], $0x2000  }
0x5c: {  	[sflag:s0] =	ssyncset.done $0x0  }
0x5d: {  	[sflag:s0] =	ssyncadd.s32 $0xFFFFE000  }
0x5e: {  	_ =	swait.ge [sflag:s0], $0x2000  }
0x5f: {  	[sflag:s0] =	ssyncset.done $0x0  }
0x60: {  	[sflag:s0] =	ssyncadd.s32 $0xFFFFE000  }
0x61: {  	_ =	swait.ge [sflag:s0], $0x2000  }
0x62: {  	[sflag:s0] =	ssyncset.done $0x0  }
0x63: {  	[sflag:s0] =	ssyncadd.s32 $0xFFFFE000  }
0x64: {  	_ =	swait.ge [sflag:s0], $0x2000  }
0x65: {  	[sflag:s0] =	ssyncset.done $0x0  }
0x66: {  	[sflag:s0] =	ssyncadd.s32 $0xFFFFE000  }
0x67: {  	_ =	swait.ge [sflag:s0], $0x2000  }
0x68: {  	[sflag:s0] =	ssyncset.done $0x0  }
0x69: {  	[sflag:s0] =	ssyncadd.s32 $0xFFFFE000  }
0x6a: {  	_ =	swait.ge [sflag:s0], $0x2000  }
0x6b: {  	[sflag:s0] =	ssyncset.done $0x0  }
0x6c: {  	[sflag:s0] =	ssyncadd.s32 $0xFFFFE000  }
0x6d: {  	_ =	swait.ge [sflag:s0], $0x2000  }
0x6e: {  	[sflag:s0] =	ssyncset.done $0x0  }
0x6f: {  	[sflag:s0] =	ssyncadd.s32 $0xFFFFE000  }
0x70: {  	_ =	swait.ge [sflag:s0], $0x1880  }
0x71: {  	[sflag:s0] =	ssyncset.done $0x0  }
0x72: {  	s10 =	simm.s32 @!p0 $0x1;
	[smem:$0x7EE] =	sst s17;
	[sflag:s0] =	ssyncadd.s32 $0xFFFFE780  }
0x73: {  	s29 =	sshll.u32 s17, $0x1;
	s30 =	rddreg [dreg:$0x5];
	_ =	swait.ge @!p0 [sflag:s10], $0x400  }
.Ltmp1:
0x74: {  	s4 =	sor.u32 s30, s29;
	[sflag:s10] =	ssyncset.done @!p0 $0x0;
	(pc) =	sbr.rel .LBB2_6-.Ltmp1, $4  }
0x75: {  	s4 =	smul.u32 $0x2710, s4;
	[sflag:s10] =	ssyncadd.s32 @!p0 $0xFFFFFC00  }
0x76: {  	[bflag:$0x0] =	sbarrier.arrive $0xFFFF  }
0x77: {  	p1 =	por $0x0, $0x0;
	s31 =	sadd.s32 $0x2710, s4;
	s5 =	sld [smem:$0x7F0]  }
0x78: {  	v13 =	vimm.s32 $0x0;
	s13 =	simm.s32 $0x0;
	v4 =	vmov s4;
	s10 =	simm.s32 $0x0;
	v5 =	vmov s31;
	s6 =	sld [smem:$0x7F1]  }
.LBB2_5:
0x79: {  	p2 =	seq.s32 s10, $0x10  }
.Ltmp2:
0x7a: {  	_ = 	snop;
	(pc) =	sbr.rel @p2 .LBB2_12-.Ltmp2, $2  }
0x7b: {  	_ =	sdelay $0x2  }
0x7c: {  	p1 =	por !p1, !p1  }
.LBB2_6:
0x7d: {  	s12 =	simm.s32 $0x1  }
0x7e: {  	_ =	swait.ge [sflag:s24], $0x4A0;
	p2 =	seq.s32 s10, $0xF;
	s15 =	sand.u32 $0x1, s10  }
0x7f: {  	s12 =	simm.s32 @!p1 $0x0;
	[sflag:s24] =	ssyncset.done $0x0;
	s14 =	smul.u32 @!p2 $0x4A0, s10  }
0x80: {  	s15 =	sxor.u32 @!p2 $0x1, s15;
	s18 =	simm.s32 @!p2 $0x0;
	[sflag:s24] =	ssyncadd.s32 $0xFFFFFB60  }
0x81: {  	s12 =	smul.u32 $0x1280, s12;
	_ =	swait.ge [sflag:s24], $0x4A0;
	s14 =	sadd.s32 @!p2 s14, s16  }
0x82: {  	s15 =	smul.u32 @!p2 $0x4A0, s15;
	[sflag:s24] =	ssyncset.done $0x0;
	s14 =	sshrl.u32 @!p2 s14, $0x3  }
0x83: {  	s12 =	sshrl.u32 s12, $0x2;
	[sflag:s24] =	ssyncadd.s32 $0xFFFFFB60;
	s17 =	sadd.s32 @!p2 s5, s14  }
0x84: {  	[tilespmem:s15], [sflag:$0x2] =	stream.linear.gather @!p2 [hbm4b:s17+s18], $0x4A0, $0x38;
	[tilespmem:$0x1FB40] =	vst v63  }
0x85: {  	s19 =	sadd.s32 $0x980, s12;
	s14 =	sadd.s32 @!p2 s6, s14;
	s15 =	sadd.s32 @!p2 $0x940, s15  }
0x86: {  	[tilespmem:s15], [sflag:$0x2] =	stream.linear.gather @!p2 [hbm4b:s14+s18], $0x4A0, $0x38;
	[tilespmem:$0x1FB40] =	vst v63  }
0x87: {  	v14 =	vld [tilespmem:s19+$0xFFFFFFD0];
	_ =	sdelay $0x1  }
0x88: {  	v7 =	vld [tilespmem:s19+$0x10]  }
0x89: {  	v9 =	vld [tilespmem:s19+$0xFFFFFFC0]  }
0x8a: {  	v6 =	vld [tilespmem:s19+$0x30]  }
0x8b: {  	v10 =	vld [tilespmem:s19+$0x0];
	vm0 =	vge.s32 v14, v4;
	vm1 =	vlt.s32 v14, v5  }
0x8c: {  	v11 =	vld [tilespmem:s19+$0xFFFFFFF0];
	vm7 =	vmand vm0, vm1  }
0x8d: {  	v8 =	vsel vm7, $0x1, v1  }
0x8e: {  	(xrf0) =	vadd.scan.msk.s32 $0xffff, v8  }
0x8f: {  	vm3 =	vlt.s32 v9, v5;
	vm1 =	vge.s32 v9, v4  }
0x90: {  	v12 =	vld [tilespmem:s19+$0xFFFFFFE0];
	vm2 =	vlt.s32 v7, v5;
	vm4 =	vge.s32 v6, v4;
	vm3 =	vmand vm1, vm3  }
0x91: {  	vm5 =	vlt.s32 v11, v5;
	vm9 =	vlt.s32 v10, v5;
	v16 =	vmpcnt.ones.xlane vm3  }
0x92: {  	v15 =	vmpcnt.ones.xlane vm7;
	vm1 =	vlt.s32 v6, v5;
	v17 =	vsel vm3, $0x1, v1  }
0x93: {  	vm8 =	vmand vm4, vm1;
	vm4 =	vge.s32 v11, v4;
	(xrf0) =	vadd.scan.msk.s32 $0xffff, v17;
	v16 =	vadd.s32 v13, v16  }
0x94: {  	vm6 =	vmand vm4, vm5;
	v15 =	vadd.s32 v16, v15;
	v16 =	vadd.s32 $0xFFFFFFFF, v16;
	v18, _, _ =	vpop (xrf0)  }
0x95: {  	s17 =	sadd.s32 $0x40, s12;
	vm11 =	vge.s32 v12, v4;
	v8 =	vld [tilespmem:s19+$0x20];
	v17 =	vsel vm6, $0x1, v1;
	v16 =	vadd.s32 v18, v16  }
0x96: {  	v14 =	vsub.s32 v14, v4;
	vm1 =	vge.s32 v10, v4;
	(xrf0) =	vadd.scan.msk.s32 $0xffff, v17;
	v17 =	vld [tilespmem:s17+$0xFFFFFFD0];
	v21 =	vand.u32 $0x7FF, v16  }
0x97: {  	vm0 =	vge.s32 v7, v4;
	vm5 =	vmand vm1, vm9;
	vm1 =	vlt.s32 v12, v5  }
0x98: {  	vm2 =	vmand vm0, vm2;
	vm1 =	vmand vm11, vm1;
	v16 =	vsel vm5, $0x1, v1  }
0x99: {  	v19 =	vmpcnt.ones.xlane vm6;
	v13 =	vadd.s32 $0xFFFFFFFF, v13;
	v20 =	vsel vm1, $0x1, v1;
	v18, _, _ =	vpop (xrf0);
	(xrf0) =	vadd.scan.msk.s32 $0xffff, v16  }
0x9a: {  	v25 =	vmpcnt.ones.xlane vm1;
	vm4 =	vge.s32 v8, v4;
	vm10 =	vlt.s32 v8, v5  }
0x9b: {  	v22 =	vadd.s32 v18, v13;
	(xrf0) =	vadd.scan.msk.s32 $0xffff, v20;
	[tilespmem:v21+s7+$0x0] =	vst.idx.msk vm7, v17;
	v17 =	vmpcnt.ones.xlane vm5  }
0x9c: {  	vm4 =	vmand vm4, vm10;
	v18 =	vadd.s32 $0xFFFFFFFF, v15;
	v15 =	vadd.s32 v15, v25  }
0x9d: {  	v23 =	vld [tilespmem:s17+$0xFFFFFFC0];
	v26 =	vsel vm2, $0x1, v1;
	v24 =	vsel vm4, $0x1, v1;
	v19 =	vadd.s32 v15, v19  }
0x9e: {  	v13 =	vld [tilespmem:s17+$0x0];
	v20 =	vand.u32 $0x7FF, v22;
	v25 =	vadd.s32 $0xFFFFFFFF, v19;
	v22, _, _ =	vpop (xrf0);
	(xrf0) =	vadd.scan.msk.s32 $0xffff, v24;
	[tilespmem:v21+s11+$0x0] =	vst.idx.msk vm7, v14  }
0x9f: {  	s10 =	sadd.s32 $0x1, s10;
	v14 =	vadd.s32 $0xFFFFFFFF, v15;
	v15 =	vld [tilespmem:s17+$0x10];
	v21 =	vmpcnt.ones.xlane vm2;
	v24 =	vadd.s32 v19, v17;
	v17, _, _ =	vpop (xrf0);
	(xrf0) =	vadd.scan.msk.s32 $0xffff, v26  }
0xa0: {  	s14 =	sadd.s32 $0xDC0, s12;
	s15 =	sadd.s32 $0x480, s12;
	s12 =	smov.u32 s13;
	vm0 =	vmmov vm8;
	v16 =	vsel vm8, $0x1, v1;
	v14 =	vadd.s32 v22, v14;
	v19 =	vld [tilespmem:s17+$0x20]  }
0xa1: {  	s18 =	simm.s32 $0x0;
	s13 =	smov.u32 s17;
	s19 =	sadd.s32 $0x80, s19;
	v22 =	vld [tilespmem:s17+$0xFFFFFFF0];
	v14 =	vand.u32 $0x7FF, v14;
	v21 =	vadd.s32 v24, v21;
	v26 =	vadd.s32 v17, v25;
	v25, _, _ =	vpop (xrf0)  }
.LBB2_7:
0xa2: {  	v17 =	vld [tilespmem:s19+$0xFFFFFFD0];
	s18 =	sadd.s32 $0x8, s18;
	v27 =	vsub.s32 v11, v4;
	v11 =	vand.u32 $0x7FF, v26;
	v26 =	vsub.s32 v7, v4;
	s17 =	sadd.s32 $0x80, s17  }
0xa3: {  	v28 =	vsub.s32 v8, v4;
	vm7 =	vmmov vm6;
	v7 =	vld [tilespmem:s19+$0x10];
	p2 =	slt.u32 s18, $0x40;
	[tilespmem:v20+s7+$0x0] =	vst.idx.msk vm3, v23;
	v23 =	vsub.s32 v12, v4  }
0xa4: {  	v30 =	vsub.s32 v10, v4;
	v10 =	vadd.s32 $0xFFFFFFFF, v21;
	v31 =	vmpcnt.ones.xlane vm0;
	v29 =	vld [tilespmem:s19+$0x30];
	v12, _, _ =	vpop (xrf0)  }
0xa5: {  	v32 =	vsub.s32 v9, v4;
	v24 =	vadd.s32 $0xFFFFFFFF, v24;
	v8 =	vld [tilespmem:s19+$0x20];
	v10 =	vadd.s32 v12, v10;
	v12, _, _ =	vpop (xrf0)  }
0xa6: {  	v18 =	vadd.s32 v25, v18;
	v9 =	vld [tilespmem:s19+$0xFFFFFFC0];
	[tilespmem:v20+s11+$0x0] =	vst.idx.msk vm3, v32;
	v12 =	vadd.s32 v12, v24;
	v20 =	vand.u32 $0x7FF, v10  }
0xa7: {  	v25 =	vmpcnt.ones.xlane vm4;
	vm3 =	vge.s32 v17, v4;
	v10 =	vld [tilespmem:s19+$0x0];
	[tilespmem:v11+s7+$0x0] =	vst.idx.msk vm5, v13;
	v24 =	vand.u32 $0x7FF, v12  }
0xa8: {  	v18 =	vand.u32 $0x7FF, v18;
	vm6 =	vlt.s32 v17, v5;
	v12 =	vld [tilespmem:s19+$0xFFFFFFE0];
	vm9 =	vge.s32 v7, v4;
	[tilespmem:v11+s11+$0x0] =	vst.idx.msk vm5, v30  }
0xa9: {  	vm8 =	vmand vm3, vm6;
	vm11 =	vlt.s32 v7, v5;
	v11 =	vld [tilespmem:s19+$0xFFFFFFF0];
	vm3 =	vge.s32 v29, v4;
	(xrf0) =	vadd.scan.msk.s32 $0xffff, v16  }
0xaa: {  	v16 =	vsel vm8, $0x1, v1;
	v30 =	vmpcnt.ones.xlane vm8;
	vm5 =	vlt.s32 v29, v5;
	v13 =	vld [tilespmem:s17+$0x0];
	[tilespmem:v14+s7+$0x0] =	vst.idx.msk vm7, v22  }
0xab: {  	vm10 =	vmand vm3, vm5;
	vm6 =	vge.s32 v9, v4;
	vm12 =	vlt.s32 v9, v5;
	(xrf0) =	vadd.scan.msk.s32 $0xffff, v16;
	v16 =	vld [tilespmem:s13+$0xFFFFFFE0]  }
0xac: {  	vm3 =	vmand vm6, vm12;
	vm5 =	vge.s32 v10, v4;
	vm12 =	vlt.s32 v10, v5;
	[tilespmem:v20+s7+$0x0] =	vst.idx.msk vm4, v19  }
0xad: {  	v25 =	vadd.s32 v21, v25;
	v19 =	vsel vm3, $0x1, v1;
	v22 =	vmpcnt.ones.xlane vm3;
	[tilespmem:v20+s11+$0x0] =	vst.idx.msk vm4, v28  }
0xae: {  	vm4 =	vge.s32 v11, v4;
	vm6 =	vlt.s32 v11, v5;
	(xrf0) =	vadd.scan.msk.s32 $0xffff, v19;
	v19 =	vadd.s32 v25, v31  }
0xaf: {  	v21 =	vadd.s32 v19, v22;
	vm6 =	vmand vm4, vm6;
	[tilespmem:v24+s7+$0x0] =	vst.idx.msk vm2, v15;
	v15 =	vadd.s32 $0xFFFFFFFF, v25;
	v20, _, _ =	vpop (xrf0)  }
0xb0: {  	v22 =	vadd.s32 v21, v30;
	v25 =	vsel vm6, $0x1, v1;
	[tilespmem:v18+s7+$0x0] =	vst.idx.msk vm1, v16;
	v15 =	vadd.s32 v20, v15  }
0xb1: {  	vm13 =	vlt.s32 v8, v5;
	vm4 =	vge.s32 v8, v4;
	v16 =	vadd.s32 $0xFFFFFFFF, v21;
	v20, _, _ =	vpop (xrf0);
	(xrf0) =	vadd.scan.msk.s32 $0xffff, v25  }
0xb2: {  	v21 =	vmpcnt.ones.xlane vm6;
	v15 =	vand.u32 $0x7FF, v15;
	v16 =	vadd.s32 v20, v16;
	[tilespmem:v18+s11+$0x0] =	vst.idx.msk vm1, v23;
	v18 =	vld [tilespmem:s13+$0x30];
	s13 =	smov.u32 s17  }
0xb3: {  	vm5 =	vmand vm5, vm12;
	vm1 =	vge.s32 v12, v4;
	v20 =	vld [tilespmem:s17+$0xFFFFFFD0];
	v25 =	vand.u32 $0x7FF, v16;
	[tilespmem:v24+s11+$0x0] =	vst.idx.msk vm2, v26  }
0xb4: {  	v19 =	vadd.s32 $0xFFFFFFFF, v19;
	vm4 =	vmand vm4, vm13;
	vm2 =	vlt.s32 v12, v5;
	v23, _, _ =	vpop (xrf0);
	[tilespmem:v14+s11+$0x0] =	vst.idx.msk vm7, v27  }
0xb5: {  	v16 =	vsel vm10, $0x1, v1;
	vm1 =	vmand vm1, vm2;
	v14 =	vsel vm5, $0x1, v1  }
0xb6: {  	v19 =	vadd.s32 v23, v19;
	v23 =	vsel vm1, $0x1, v1;
	(xrf0) =	vadd.scan.msk.s32 $0xffff, v14;
	v14 =	vsub.s32 v6, v4;
	v6 =	vmovc v29  }
0xb7: {  	v24 =	vsel vm4, $0x1, v1;
	vm2 =	vmand vm9, vm11;
	(xrf0) =	vadd.scan.msk.s32 $0xffff, v23;
	v26, _, _ =	vpop (xrf0);
	[tilespmem:v15+s7+$0x0] =	vst.idx.msk vm0, v18  }
0xb8: {  	v27 =	vmpcnt.ones.xlane vm1;
	v28 =	vsel vm2, $0x1, v1;
	v18 =	vadd.s32 $0xFFFFFFFF, v22;
	[tilespmem:v25+s7+$0x0] =	vst.idx.msk vm8, v20  }
.Ltmp3:
0xb9: {  	v17 =	vsub.s32 v17, v4;
	v20 =	vand.u32 $0x7FF, v19;
	[tilespmem:v15+s11+$0x0] =	vst.idx.msk vm0, v14;
	vm0 =	vmmov vm10;
	(pc) =	sbr.rel @p2 .LBB2_7-.Ltmp3, $4  }
0xba: {  	v14 =	vadd.s32 v22, v27;
	v22 =	vmpcnt.ones.xlane vm5;
	v23 =	vld [tilespmem:s17+$0xFFFFFFC0];
	[tilespmem:v25+s11+$0x0] =	vst.idx.msk vm8, v17;
	(xrf0) =	vadd.scan.msk.s32 $0xffff, v24  }
0xbb: {  	v19 =	vadd.s32 $0xFFFFFFFF, v14;
	v14 =	vadd.s32 v14, v21;
	v21 =	vmpcnt.ones.xlane vm2;
	v15 =	vld [tilespmem:s17+$0x10];
	(xrf0) =	vadd.scan.msk.s32 $0xffff, v28  }
0xbc: {  	v27 =	vadd.s32 v26, v19;
	v26 =	vadd.s32 $0xFFFFFFFF, v14;
	v24 =	vadd.s32 v14, v22;
	v19 =	vld [tilespmem:s17+$0x20];
	v17, _, _ =	vpop (xrf0)  }
0xbd: {  	s19 =	sadd.s32 $0x80, s19;
	v14 =	vand.u32 $0x7FF, v27;
	v21 =	vadd.s32 v24, v21;
	v22 =	vld [tilespmem:s17+$0xFFFFFFF0];
	v26 =	vadd.s32 v17, v26;
	v25, _, _ =	vpop (xrf0)  }
0xbe: {  	_ =	sdelay $0x1  }
0xbf: {  	v17 =	vand.u32 $0x7FF, v26  }
0xc0: {  	vm6 =	vmmov vm6;
	v53 =	vadd.s32 $0xFFFFFFFF, v21;
	v27, _, _ =	vpop (xrf0)  }
0xc1: {  	(xrf0) =	vadd.scan.msk.s32 $0xffff, v16;
	v26 =	vadd.s32 v27, v53  }
0xc2: {  	v9 =	vsub.s32 v9, v4;
	v54 =	vadd.s32 $0xFFFFFFFF, v24;
	[tilespmem:v20+s7+$0x0] =	vst.idx.msk vm3, v23;
	v55, _, _ =	vpop (xrf0);
	v56 =	vand.u32 $0x7FF, v26  }
0xc3: {  	v10 =	vsub.s32 v10, v4;
	[tilespmem:v20+s11+$0x0] =	vst.idx.msk vm3, v9;
	v57 =	vadd.s32 v55, v54  }
0xc4: {  	v58 =	vadd.s32 v25, v18;
	[tilespmem:v17+s7+$0x0] =	vst.idx.msk vm5, v13;
	v9 =	vand.u32 $0x7FF, v57;
	v13 =	vmpcnt.ones.xlane vm4  }
0xc5: {  	v59 =	vld [tilespmem:s13+$0xFFFFFFE0];
	v16 =	vand.u32 $0x7FF, v58;
	[tilespmem:v17+s11+$0x0] =	vst.idx.msk vm5, v10  }
0xc6: {  	[tilespmem:v14+s7+$0x0] =	vst.idx.msk vm6, v22;
	v13 =	vadd.s32 v21, v13  }
0xc7: {  	v8 =	vsub.s32 v8, v4;
	v60 =	vadd.s32 $0xFFFFFFFF, v13;
	v61, _, _ =	vpop (xrf0);
	[tilespmem:v56+s7+$0x0] =	vst.idx.msk vm4, v19  }
0xc8: {  	v62 =	vadd.s32 v61, v60;
	[tilespmem:v56+s11+$0x0] =	vst.idx.msk vm4, v8  }
0xc9: {  	[tilespmem:v9+s7+$0x0] =	vst.idx.msk vm2, v15;
	v15 =	vld [tilespmem:s13+$0x30];
	v8 =	vand.u32 $0x7FF, v62  }
0xca: {  	v63 =	vsub.s32 v11, v4;
	[tilespmem:v16+s7+$0x0] =	vst.idx.msk vm1, v59  }
0xcb: {  	v12 =	vsub.s32 v12, v4;
	[tilespmem:v14+s11+$0x0] =	vst.idx.msk vm6, v63  }
0xcc: {  	v7 =	vsub.s32 v7, v4;
	[tilespmem:v16+s11+$0x0] =	vst.idx.msk vm1, v12  }
0xcd: {  	[tilespmem:v9+s11+$0x0] =	vst.idx.msk vm2, v7;
	v7 =	vmpcnt.ones.xlane vm0  }
0xce: {  	v6 =	vsub.s32 v6, v4;
	[tilespmem:v8+s7+$0x0] =	vst.idx.msk vm0, v15  }
0xcf: {  	s13 =	simm.s32 $0x0;
	v13 =	vadd.s32 v13, v7;
	[tilespmem:v8+s11+$0x0] =	vst.idx.msk vm0, v6  }
.LBB2_9:
0xd0: {  	s17 =	sshra.s32 s13, $0x2  }
0xd1: {  	s18 =	sadd.s32 s17, s14  }
0xd2: {  	v6 =	vld [tilespmem:s18+$0x0];
	_ =	sdelay $0x4  }
0xd3: {  	vm0 =	vge.s32 v6, v4;
	vm1 =	vlt.s32 v6, v5  }
0xd4: {  	vm0 =	vmand vm0, vm1  }
0xd5: {  	v7 =	vsel vm0, $0x1, v1  }
0xd6: {  	(xrf0) =	vadd.scan.msk.s32 $0xffff, v7;
	_ =	sdelay $0x5  }
0xd7: {  	v8 =	vadd.s32 $0xFFFFFFFF, v13;
	v7, _, _ =	vpop (xrf0)  }
0xd8: {  	s17 =	sadd.s32 s17, s15;
	v7 =	vadd.s32 v7, v8  }
0xd9: {  	v63 =	vld [tilespmem:s17+$0x0];
	v7 =	vand.u32 $0x7FF, v7  }
0xda: {  	p2 =	sne.s32 s13, $0x40  }
.Ltmp4:
0xdb: {  	_ = 	snop;
	(pc) =	sbr.rel @p2 .LBB2_9-.Ltmp4, $4  }
0xdc: {  	_ = 	snop  }
0xdd: {  	v9 =	vmpcnt.ones.xlane vm0  }
0xde: {  	v6 =	vsub.s32 v6, v4;
	[tilespmem:v7+s7+$0x0] =	vst.idx.msk vm0, v63  }
0xdf: {  	s13 =	sadd.s32 $0x40, s13;
	v13 =	vadd.s32 v13, v9;
	[tilespmem:v7+s11+$0x0] =	vst.idx.msk vm0, v6  }
0xe0: {  	v6 =	vxor.u32 $0x80000000, v13  }
0xe1: {  	(xrf0) =	vmax.scan.msk.u32 $0xffff, v6;
	_ =	sdelay $0x5  }
0xe2: {  	v6, _, _ =	vpop (xrf0)  }
0xe3: {  	(v2sf) =	vpush v6, $0xF;
	_ =	sdelay $0xe  }
0xe4: {  	s14 =	spop (v2sf)  }
0xe5: {  	s13 =	sshra.s32 s14, $0x7  }
0xe6: {  	s13 =	sxor.u32 $0xFF000000, s13  }
0xe7: {  	p2 =	sge.s32 s12, s13  }
0xe8: {  	s15 =	sand.u32 @!p2 $0x1, s12  }
0xe9: {  	p4 =	seq.s32 @!p2 s15, $0x0  }
0xea: {  	p3 =	por !p4, p2  }
0xeb: {  	s15 =	sshll.u32 @!p3 s12, $0x9  }
0xec: {  	s17 =	sand.u32 @!p3 $0x1C00, s15  }
0xed: {  	s19 =	simm.s32 @!p3 $0x80;
	s15 =	sor.u32 @!p3 $0x1, s12;
	s17 =	sshrl.u32 @!p3 s17, $0x2  }
0xee: {  	s20 =	simm.s32 @!p3 $0x2280;
	p5 =	sge.s32 @!p3 s15, s13;
	s18 =	sadd.s32 @!p3 $0x1280, s17  }
0xef: {  	[tilespmem:s20], [sflag:$0x3] =	stream.indirect.gather @!p3 [hbm4b:s1+s19], $0x80, s18, s19, $0xb8;
	[tilespmem:$0x1FB40] =	vst v63  }
0xf0: {  	p5 =	por @!p2 p5, !p4;
	s18 =	simm.s32 @!p3 $0x3  }
0xf1: {  	p5 =	por p5, p2;
	_ =	swait.ge @!p3 [sflag:s18], $0x4000  }
0xf2: {  	s22 =	sshll.u32 @!p5 s15, $0x7;
	[sflag:s18] =	ssyncset.done @!p3 $0x0  }
0xf3: {  	[sflag:s18] =	ssyncadd.s32 @!p3 $0xFFFFC000;
	s18 =	sand.u32 @!p5 $0x780, s22  }
0xf4: {  	s23 =	simm.s32 @!p5 $0x6280;
	s22 =	simm.s32 @!p5 $0x80;
	s18 =	sadd.s32 @!p5 $0x1280, s18  }
0xf5: {  	[tilespmem:s23], [sflag:$0x4] =	stream.indirect.gather @!p5 [hbm4b:s1+s22], $0x80, s18, s22, $0xb8;
	[tilespmem:$0x1FB40] =	vst v63  }
0xf6: {  	s17 =	sadd.s32 @!p3 $0x1A80, s17  }
0xf7: {  	[spmem:s3] =	stream.indirect.scatter.add.f32 @!p3 [tilespmem:s20], [sflag:$0x6], $0x80, s17, s19, $0xb8;
	[tilespmem:$0x1FB40] =	vst v63  }
0xf8: {  	p5 =	por p4, p2;
	s17 =	simm.s32 @!p3 $0x6  }
0xf9: {  	s18 =	sshll.u32 @!p5 s12, $0x9;
	_ =	swait.ge @!p3 [sflag:s17], $0x4000  }
0xfa: {  	s12 =	sadd.s32 @!p5 $0x1, s12;
	s18 =	sand.u32 @!p5 $0x1E00, s18;
	[sflag:s17] =	ssyncset.done @!p3 $0x0  }
0xfb: {  	s19 =	simm.s32 @!p5 $0x80;
	[sflag:s17] =	ssyncadd.s32 @!p3 $0xFFFFC000;
	s17 =	sshrl.u32 @!p5 s18, $0x2  }
0xfc: {  	s20 =	simm.s32 @!p5 $0x6280;
	p6 =	sge.s32 @!p5 s12, s13;
	s18 =	sadd.s32 @!p5 $0x1280, s17  }
0xfd: {  	[tilespmem:s20], [sflag:$0x4] =	stream.indirect.gather @!p5 [hbm4b:s1+s19], $0x80, s18, s19, $0xb8;
	[tilespmem:$0x1FB40] =	vst v63  }
0xfe: {  	p4 =	por @!p2 p6, p4;
	s18 =	simm.s32 @!p5 $0x4  }
0xff: {  	p4 =	por p4, p2;
	_ =	swait.ge @!p5 [sflag:s18], $0x4000  }
0x100: {  	s15 =	smov.u32 @p3 s12;
	s22 =	sshll.u32 @!p4 s12, $0x7;
	[sflag:s18] =	ssyncset.done @!p5 $0x0  }
0x101: {  	s23 =	simm.s32 @!p4 $0x2280;
	[sflag:s18] =	ssyncadd.s32 @!p5 $0xFFFFC000;
	s18 =	sand.u32 @!p4 $0x700, s22  }
0x102: {  	p3 =	seq.s32 @!p2 s15, s13;
	s22 =	simm.s32 @!p4 $0x80;
	s18 =	sadd.s32 @!p4 $0x1280, s18  }
0x103: {  	[tilespmem:s23], [sflag:$0x3] =	stream.indirect.gather @!p4 [hbm4b:s1+s22], $0x80, s18, s22, $0xb8;
	[tilespmem:$0x1FB40] =	vst v63  }
0x104: {  	s17 =	sadd.s32 @!p5 $0x1A80, s17;
	p2 =	por p2, p3  }
0x105: {  	[spmem:s3] =	stream.indirect.scatter.add.f32 @!p5 [tilespmem:s20], [sflag:$0x5], $0x80, s17, s19, $0xb8;
	[tilespmem:$0x1FB40] =	vst v63  }
.Ltmp5:
0x106: {  	_ = 	snop;
	(pc) =	sbr.rel @p2 .LBB2_5-.Ltmp5, $4  }
0x107: {  	s17 =	simm.s32 @!p5 $0x5  }
0x108: {  	_ =	swait.ge @!p5 [sflag:s17], $0x4000  }
0x109: {  	[sflag:s17] =	ssyncset.done @!p5 $0x0  }
0x10a: {  	[sflag:s17] =	ssyncadd.s32 @!p5 $0xFFFFC000  }
.LBB2_11:
0x10b: {  	s12 =	sand.u32 $0x1, s15  }
0x10c: {  	p2 =	seq.s32 s12, $0x1  }
0x10d: {  	s12 =	sadd.s32 @p2 $0x1, s15  }
0x10e: {  	s17 =	simm.s32 @p2 $0x4;
	p3 =	sge.s32 @p2 s12, s13  }
0x10f: {  	_ =	swait.ge @p2 [sflag:s17], $0x4000;
	p3 =	por p3, !p2  }
0x110: {  	[sflag:s17] =	ssyncset.done @p2 $0x0;
	s18 =	sshll.u32 @!p3 s12, $0x7  }
0x111: {  	[sflag:s17] =	ssyncadd.s32 @p2 $0xFFFFC000;
	s17 =	sand.u32 @!p3 $0x700, s18  }
0x112: {  	s19 =	simm.s32 @!p3 $0x2280;
	s18 =	simm.s32 @!p3 $0x80;
	s17 =	sadd.s32 @!p3 $0x1280, s17  }
0x113: {  	[tilespmem:s19], [sflag:$0x3] =	stream.indirect.gather @!p3 [hbm4b:s1+s18], $0x80, s17, s18, $0xb8;
	[tilespmem:$0x1FB40] =	vst v63  }
0x114: {  	s17 =	sshll.u32 @p2 s15, $0x7  }
0x115: {  	s17 =	sand.u32 @p2 $0x780, s17  }
0x116: {  	s18 =	simm.s32 @p2 $0x80;
	s19 =	simm.s32 @p2 $0x6280;
	s17 =	sadd.s32 @p2 $0x1A80, s17  }
0x117: {  	[spmem:s3] =	stream.indirect.scatter.add.f32 @p2 [tilespmem:s19], [sflag:$0x5], $0x80, s17, s18, $0xb8;
	[tilespmem:$0x1FB40] =	vst v63  }
0x118: {  	s17 =	simm.s32 @p2 $0x5  }
0x119: {  	_ =	swait.ge @p2 [sflag:s17], $0x4000  }
0x11a: {  	s18 =	sor.u32 @!p2 $0x1, s15;
	s15 =	sshll.u32 @!p2 s15, $0x7;
	[sflag:s17] =	ssyncset.done @p2 $0x0  }
0x11b: {  	p3 =	sge.s32 @!p2 s18, s13;
	[sflag:s17] =	ssyncadd.s32 @p2 $0xFFFFC000;
	s17 =	simm.s32 @!p2 $0x3  }
0x11c: {  	s15 =	sand.u32 @!p2 $0x700, s15;
	p3 =	por p3, p2;
	_ =	swait.ge @!p2 [sflag:s17], $0x4000  }
0x11d: {  	s15 =	sadd.s32 @!p2 $0x1A80, s15;
	s19 =	sshll.u32 @!p3 s18, $0x7;
	[sflag:s17] =	ssyncset.done @!p2 $0x0  }
0x11e: {  	s20 =	simm.s32 @!p3 $0x6280;
	[sflag:s17] =	ssyncadd.s32 @!p2 $0xFFFFC000;
	s17 =	sand.u32 @!p3 $0x780, s19  }
0x11f: {  	s18 =	smov.u32 @p2 s12;
	s19 =	simm.s32 @!p3 $0x80;
	s17 =	sadd.s32 @!p3 $0x1280, s17  }
0x120: {  	[tilespmem:s20], [sflag:$0x4] =	stream.indirect.gather @!p3 [hbm4b:s1+s19], $0x80, s17, s19, $0xb8;
	[tilespmem:$0x1FB40] =	vst v63  }
0x121: {  	s17 =	simm.s32 @!p2 $0x80;
	s19 =	simm.s32 @!p2 $0x2280;
	p3 =	seq.s32 s18, s13  }
0x122: {  	[spmem:s3] =	stream.indirect.scatter.add.f32 @!p2 [tilespmem:s19], [sflag:$0x6], $0x80, s15, s17, $0xb8;
	[tilespmem:$0x1FB40] =	vst v63  }
.Ltmp6:
0x123: {  	_ = 	snop;
	(pc) =	sbr.rel @!p3 .LBB2_11-.Ltmp6, $4  }
0x124: {  	s15 =	simm.s32 @!p2 $0x6  }
0x125: {  	_ =	swait.ge @!p2 [sflag:s15], $0x4000  }
0x126: {  	[sflag:s15] =	ssyncset.done @!p2 $0x0  }
0x127: {  	[sflag:s15] =	ssyncadd.s32 @!p2 $0xFFFFC000;
	s15 =	smov.u32 s18  }
.Ltmp7:
0x128: {  	_ = 	snop;
	(pc) =	sbr.rel .LBB2_5-.Ltmp7, $1  }
0x129: {  	_ =	sdelay $0x3  }
.LBB2_12:
0x12a: {  	s12 =	sxor.u32 $0x80000000, s14;
	s10 =	sadd.s32 $0x8000007F, s14  }
0x12b: {  	s14 =	sand.u32 $0xFFFFFF80, s10;
	s15 =	sadd.s32 $0x0, s12  }
0x12c: {  	v5 =	vmov s14;
	v4 =	vadd.s32 s15, v2  }
0x12d: {  	vm0 =	vlt.s32 v4, v5  }
0x12e: {  	s14 =	simm.s32 $0x10;
	v4 =	vand.u32 $0x7FF, v4;
	vm1 =	vmmov vm0  }
.LBB2_13:
0x12f: {  	p1 =	sne.s32 s14, $0x70  }
.Ltmp8:
0x130: {  	_ = 	snop;
	(pc) =	sbr.rel @p1 .LBB2_13-.Ltmp8, $4  }
0x131: {  	s15 =	sadd.s32 s14, s12  }
0x132: {  	v6 =	vadd.s32 s15, v2  }
0x133: {  	[tilespmem:v4+s7+$0x0] =	vst.idx.msk vm0, v1;
	vm0 =	vlt.s32 v6, v5  }
0x134: {  	s14 =	sadd.s32 $0x10, s14;
	[tilespmem:v4+s11+$0x0] =	vst.idx.msk vm1, v3;
	v4 =	vand.u32 $0x7FF, v6;
	vm1 =	vmmov vm0  }
0x135: {  	_ =	sdelay $0x1  }
0x136: {  	s10 =	sshra.s32 s10, $0x7  }
0x137: {  	p1 =	sle.s32 s10, s13  }
0x138: {  	s10 =	sshll.u32 @!p1 s13, $0x7  }
0x139: {  	[tilespmem:v4+s7+$0x0] =	vst.idx.msk vm0, v1;
	s10 =	sand.u32 @!p1 $0x780, s10  }
0x13a: {  	[tilespmem:v4+s11+$0x0] =	vst.idx.msk vm1, v3;
	s13 =	simm.s32 @!p1 $0x80;
	s14 =	simm.s32 @!p1 $0x2280;
	s12 =	sadd.s32 @!p1 $0x1280, s10  }
0x13b: {  	[tilespmem:s14], [sflag:$0x3] =	stream.indirect.gather @!p1 [hbm4b:s1+s13], $0x80, s12, s13, $0xb8;
	[tilespmem:$0x1FB40] =	vst v63  }
0x13c: {  	s12 =	simm.s32 @!p1 $0x3  }
0x13d: {  	_ =	swait.ge @!p1 [sflag:s12], $0x4000  }
0x13e: {  	[sflag:s12] =	ssyncset.done @!p1 $0x0  }
0x13f: {  	s10 =	sadd.s32 @!p1 $0x1A80, s10;
	[sflag:s12] =	ssyncadd.s32 @!p1 $0xFFFFC000  }
0x140: {  	[spmem:s3] =	stream.indirect.scatter.add.f32 @!p1 [tilespmem:s14], [sflag:$0x5], $0x80, s10, s13, $0xb8;
	[tilespmem:$0x1FB40] =	vst v63  }
0x141: {  	s10 =	simm.s32 @!p1 $0x5  }
0x142: {  	_ =	swait.ge @!p1 [sflag:s10], $0x4000  }
0x143: {  	s14 =	sld [smem:$0x7F2]  }
0x144: {  	[sflag:s10] =	ssyncset.done @!p1 $0x0  }
0x145: {  	[sflag:s10] =	ssyncadd.s32 @!p1 $0xFFFFC000  }
0x146: {  	s15 =	stileid.u32;
	[bflag:$0x0] =	sbarrier.arrive $0xFFFF;
	s4 =	sadd.s32 s14, s4  }
0x147: {  	s17 =	rddreg [dreg:$0x6];
	s14 =	sshll.u32 s4, $0x4;
	s4 =	sshll.u32 s15, $0x6  }
0x148: {  	s28 =	sshrl.u32 s21, $0x3;
	s10 =	sadd.s32 s17, s14;
	s12 =	sor.u32 $0x1C01, s4  }
0x149: {  	[hbm:s10], [sflag:s12] =	dma.local [spmem:s28], $0x400  }
0x14a: {  	s10 =	sld [smem:$0x7FA];
	_ =	sdelay $0x1  }
0x14b: {  	s18 =	rddreg [dreg:$0xe]  }
0x14c: {  	s4 =	sadd.s32 s18, s14;
	s18 =	sshrl.u32 s10, $0x3  }
0x14d: {  	[hbm:s4], [sflag:s12] =	dma.local [spmem:s18], $0x400  }
0x14e: {  	s17 =	sld [smem:$0x7FB];
	_ =	sdelay $0x1  }
0x14f: {  	s4 =	rddreg [dreg:$0x10]  }
0x150: {  	s4 =	sadd.s32 s4, s14;
	s20 =	sshrl.u32 s17, $0x3  }
0x151: {  	[hbm:s4], [sflag:s12] =	dma.local [spmem:s20], $0x400  }
0x152: {  	s22 =	sld [smem:$0x7F4];
	_ =	sdelay $0x1  }
0x153: {  	s4 =	rddreg [dreg:$0x15]  }
0x154: {  	s4 =	sadd.s32 s4, s14;
	s30 =	sshrl.u32 s22, $0x3  }
0x155: {  	[hbm:s4], [sflag:s12] =	dma.local [spmem:s30], $0x400  }
0x156: {  	s23 =	sld [smem:$0x7F5];
	_ =	sdelay $0x1  }
0x157: {  	s4 =	rddreg [dreg:$0x11]  }
0x158: {  	s19 =	sadd.s32 s4, s14;
	s25 =	sshrl.u32 s23, $0x3  }
0x159: {  	[hbm:s19], [sflag:s12] =	dma.local [spmem:s25], $0x400  }
0x15a: {  	s26 =	rddreg [dreg:$0x13]  }
0x15b: {  	s5 =	sadd.s32 s26, s14;
	s26 =	sld [smem:$0x7F6];
	_ =	sdelay $0x2  }
0x15c: {  	s31 =	sshrl.u32 s26, $0x3  }
0x15d: {  	[hbm:s5], [sflag:s12] =	dma.local [spmem:s31], $0x400  }
0x15e: {  	s29 =	sld [smem:$0x7F7];
	_ =	sdelay $0x1  }
0x15f: {  	s6 =	rddreg [dreg:$0x14]  }
0x160: {  	s8 =	sadd.s32 s6, s14;
	s5 =	sshrl.u32 s29, $0x3  }
0x161: {  	[hbm:s8], [sflag:s12] =	dma.local [spmem:s5], $0x400  }
0x162: {  	s19 =	sld [smem:$0x7F8];
	_ =	sdelay $0x1  }
0x163: {  	s13 =	rddreg [dreg:$0x16]  }
0x164: {  	s15 =	sadd.s32 s13, s14;
	s8 =	sshrl.u32 s19, $0x3  }
0x165: {  	[hbm:s15], [sflag:s12] =	dma.local [spmem:s8], $0x400  }
0x166: {  	s13 =	sld [smem:$0x7FC];
	_ =	sdelay $0x1  }
0x167: {  	s15 =	rddreg [dreg:$0x17]  }
0x168: {  	s4 =	sadd.s32 s15, s14;
	s6 =	sshrl.u32 s13, $0x3  }
0x169: {  	[hbm:s4], [sflag:s12] =	dma.local [spmem:s6], $0x400  }
0x16a: {  	s15 =	rddreg [dreg:$0xb]  }
0x16b: {  	s14 =	sadd.s32 s14, s15;
	s15 =	sld [smem:$0x7F9];
	_ =	sdelay $0x2  }
0x16c: {  	s4 =	sshrl.u32 s15, $0x3  }
0x16d: {  	[hbm:s14], [sflag:s12] =	dma.local [spmem:s4], $0x310  }
0x16e: {  	_ =	swait.ge [sflag:s0], $0x400  }
0x16f: {  	[sflag:s0] =	ssyncset.done $0x0  }
0x170: {  	[sflag:s0] =	ssyncadd.s32 $0xFFFFFC00  }
0x171: {  	_ =	swait.ge [sflag:s0], $0x400  }
0x172: {  	[sflag:s0] =	ssyncset.done $0x0  }
0x173: {  	[sflag:s0] =	ssyncadd.s32 $0xFFFFFC00  }
0x174: {  	_ =	swait.ge [sflag:s0], $0x400  }
0x175: {  	[sflag:s0] =	ssyncset.done $0x0  }
0x176: {  	[sflag:s0] =	ssyncadd.s32 $0xFFFFFC00  }
0x177: {  	_ =	swait.ge [sflag:s0], $0x400  }
0x178: {  	[sflag:s0] =	ssyncset.done $0x0  }
0x179: {  	[sflag:s0] =	ssyncadd.s32 $0xFFFFFC00  }
0x17a: {  	_ =	swait.ge [sflag:s0], $0x400  }
0x17b: {  	[sflag:s0] =	ssyncset.done $0x0  }
0x17c: {  	[sflag:s0] =	ssyncadd.s32 $0xFFFFFC00  }
0x17d: {  	_ =	swait.ge [sflag:s0], $0x400  }
0x17e: {  	[sflag:s0] =	ssyncset.done $0x0  }
0x17f: {  	[sflag:s0] =	ssyncadd.s32 $0xFFFFFC00  }
0x180: {  	_ =	swait.ge [sflag:s0], $0x400  }
0x181: {  	[sflag:s0] =	ssyncset.done $0x0  }
0x182: {  	[sflag:s0] =	ssyncadd.s32 $0xFFFFFC00  }
0x183: {  	_ =	swait.ge [sflag:s0], $0x400  }
0x184: {  	[sflag:s0] =	ssyncset.done $0x0  }
0x185: {  	[sflag:s0] =	ssyncadd.s32 $0xFFFFFC00  }
0x186: {  	_ =	swait.ge [sflag:s0], $0x400  }
0x187: {  	[sflag:s0] =	ssyncset.done $0x0  }
0x188: {  	[sflag:s0] =	ssyncadd.s32 $0xFFFFFC00  }
0x189: {  	_ =	swait.ge [sflag:s0], $0x310  }
0x18a: {  	s14 =	smov.u32 s17;
	s17 =	sld [smem:$0x7EE];
	_ =	sdelay $0x2  }
0x18b: {  	s17 =	sadd.s32 $0x1, s17  }
0x18c: {  	p1 =	sne.s32 s17, $0x5  }
.Ltmp9:
0x18d: {  	_ = 	snop;
	(pc) =	sbr.rel @p1 .LBB2_4-.Ltmp9, $3  }
0x18e: {  	_ =	sdelay $0x1  }
0x18f: {  	[sflag:s0] =	ssyncset.done $0x0  }
0x190: {  	[sflag:s0] =	ssyncadd.s32 $0xFFFFFCF0  }
0x191: {  	[smem:$0x7E9] =	sst s4  }
0x192: {  	[smem:$0x7EA] =	sst s5  }
0x193: {  	[smem:$0x7EB] =	sst s31  }
0x194: {  	[smem:$0x7EC] =	sst s25  }
0x195: {  	[bflag:$0x0] =	sbarrier.arrive $0xFFFF  }
0x196: {  	[smem:$0x7ED] =	sst s28  }
0x197: {  	s19 =	simm.s32 $0x0;
	s28 =	rddreg [dreg:$0x5]  }
0x198: {  	s25 =	simm.s32 $0x0;
	s5 =	smov.u32 s8;
	s8 =	sld [smem:$0x7FD]  }
.LBB2_16:
0x199: {  	s17 =	simm.s32 $0xA280  }
0x19a: {  	[spmem:s21] =	stream.linear.scatter [tilespmem:s17], [sflag:$0x1], $0x2000, $0x38;
	[tilespmem:$0x1FB40] =	vst v63  }
0x19b: {  	_ = 	snop  }
0x19c: {  	[spmem:s10] =	stream.linear.scatter [tilespmem:s17], [sflag:$0x1], $0x2000, $0x38;
	[tilespmem:$0x1FB40] =	vst v63  }
0x19d: {  	_ = 	snop  }
0x19e: {  	[spmem:s14] =	stream.linear.scatter [tilespmem:s17], [sflag:$0x1], $0x2000, $0x38;
	[tilespmem:$0x1FB40] =	vst v63  }
0x19f: {  	_ = 	snop  }
0x1a0: {  	[spmem:s22] =	stream.linear.scatter [tilespmem:s17], [sflag:$0x1], $0x2000, $0x38;
	[tilespmem:$0x1FB40] =	vst v63  }
0x1a1: {  	_ = 	snop  }
0x1a2: {  	[spmem:s23] =	stream.linear.scatter [tilespmem:s17], [sflag:$0x1], $0x2000, $0x38;
	[tilespmem:$0x1FB40] =	vst v63  }
0x1a3: {  	s4 =	sld [smem:$0x7F7]  }
0x1a4: {  	[spmem:s26] =	stream.linear.scatter [tilespmem:s17], [sflag:$0x1], $0x2000, $0x38;
	[tilespmem:$0x1FB40] =	vst v63  }
0x1a5: {  	s22 =	sld [smem:$0x7F8]  }
0x1a6: {  	[spmem:s4] =	stream.linear.scatter [tilespmem:s17], [sflag:$0x1], $0x2000, $0x38;
	[tilespmem:$0x1FB40] =	vst v63  }
0x1a7: {  	_ = 	snop  }
0x1a8: {  	[spmem:s22] =	stream.linear.scatter [tilespmem:s17], [sflag:$0x1], $0x2000, $0x38;
	[tilespmem:$0x1FB40] =	vst v63  }
0x1a9: {  	_ = 	snop  }
0x1aa: {  	[spmem:s13] =	stream.linear.scatter [tilespmem:s17], [sflag:$0x1], $0x2000, $0x38;
	[tilespmem:$0x1FB40] =	vst v63  }
0x1ab: {  	s4 =	sld [smem:$0x7F3]  }
0x1ac: {  	[spmem:s15] =	stream.linear.scatter [tilespmem:s17], [sflag:$0x1], $0x1880, $0x38;
	[tilespmem:$0x1FB40] =	vst v63  }
0x1ad: {  	s14 =	simm.s32 @!p0 $0xA280  }
0x1ae: {  	[spmem:s4] =	stream.linear.scatter @!p0 [tilespmem:s14], [sflag:$0x1], $0x400, $0x38;
	[tilespmem:$0x1FB40] =	vst v63  }
0x1af: {  	s23 =	rddreg [dreg:$0xc]  }
0x1b0: {  	[tilespmem:s25], [sflag:$0x2] =	stream.linear.gather [hbm4b:s23+s25], $0x4A0, $0x38;
	[tilespmem:$0x1FB40] =	vst v63  }
0x1b1: {  	s29 =	simm.s32 $0x940;
	s26 =	rddreg [dreg:$0xf]  }
0x1b2: {  	[tilespmem:s29], [sflag:$0x2] =	stream.linear.gather [hbm4b:s26+s25], $0x4A0, $0x38;
	[tilespmem:$0x1FB40] =	vst v63  }
0x1b3: {  	_ =	swait.ge [sflag:s0], $0x2000  }
0x1b4: {  	[sflag:s0] =	ssyncset.done $0x0  }
0x1b5: {  	[sflag:s0] =	ssyncadd.s32 $0xFFFFE000  }
0x1b6: {  	_ =	swait.ge [sflag:s0], $0x2000  }
0x1b7: {  	[sflag:s0] =	ssyncset.done $0x0  }
0x1b8: {  	[sflag:s0] =	ssyncadd.s32 $0xFFFFE000  }
0x1b9: {  	_ =	swait.ge [sflag:s0], $0x2000  }
0x1ba: {  	[sflag:s0] =	ssyncset.done $0x0  }
0x1bb: {  	[sflag:s0] =	ssyncadd.s32 $0xFFFFE000  }
0x1bc: {  	_ =	swait.ge [sflag:s0], $0x2000  }
0x1bd: {  	[sflag:s0] =	ssyncset.done $0x0  }
0x1be: {  	[sflag:s0] =	ssyncadd.s32 $0xFFFFE000  }
0x1bf: {  	_ =	swait.ge [sflag:s0], $0x2000  }
0x1c0: {  	[sflag:s0] =	ssyncset.done $0x0  }
0x1c1: {  	[sflag:s0] =	ssyncadd.s32 $0xFFFFE000  }
0x1c2: {  	_ =	swait.ge [sflag:s0], $0x2000  }
0x1c3: {  	[sflag:s0] =	ssyncset.done $0x0  }
0x1c4: {  	[sflag:s0] =	ssyncadd.s32 $0xFFFFE000  }
0x1c5: {  	_ =	swait.ge [sflag:s0], $0x2000  }
0x1c6: {  	[sflag:s0] =	ssyncset.done $0x0  }
0x1c7: {  	[sflag:s0] =	ssyncadd.s32 $0xFFFFE000  }
0x1c8: {  	_ =	swait.ge [sflag:s0], $0x2000  }
0x1c9: {  	[sflag:s0] =	ssyncset.done $0x0  }
0x1ca: {  	[sflag:s0] =	ssyncadd.s32 $0xFFFFE000  }
0x1cb: {  	_ =	swait.ge [sflag:s0], $0x2000  }
0x1cc: {  	[sflag:s0] =	ssyncset.done $0x0  }
0x1cd: {  	[sflag:s0] =	ssyncadd.s32 $0xFFFFE000  }
0x1ce: {  	_ =	swait.ge [sflag:s0], $0x1880  }
0x1cf: {  	[sflag:s0] =	ssyncset.done $0x0  }
0x1d0: {  	s31 =	sshll.u32 s19, $0x1;
	s15 =	simm.s32 @!p0 $0x1;
	[sflag:s0] =	ssyncadd.s32 $0xFFFFE780  }
.Ltmp10:
0x1d1: {  	s14 =	sor.u32 s28, s31;
	_ =	swait.ge @!p0 [sflag:s15], $0x400;
	(pc) =	sbr.rel .LBB2_18-.Ltmp10, $4  }
0x1d2: {  	s22 =	smul.u32 $0x2710, s14;
	[sflag:s15] =	ssyncset.done @!p0 $0x0  }
0x1d3: {  	[sflag:s15] =	ssyncadd.s32 @!p0 $0xFFFFFC00  }
0x1d4: {  	p1 =	por $0x0, $0x0;
	s14 =	sadd.s32 $0x2710, s22;
	[bflag:$0x0] =	sbarrier.arrive $0xFFFF  }
0x1d5: {  	v13 =	vimm.s32 $0x0;
	s23 =	simm.s32 $0x0;
	v4 =	vmov s22;
	v5 =	vmov s14;
	s25 =	simm.s32 $0x0;
	s21 =	sld [smem:$0x7EA]  }
.LBB2_17:
0x1d6: {  	p2 =	seq.s32 s23, $0x10  }
.Ltmp11:
0x1d7: {  	_ = 	snop;
	(pc) =	sbr.rel @p2 .LBB2_24-.Ltmp11, $2  }
0x1d8: {  	_ =	sdelay $0x2  }
0x1d9: {  	p1 =	por !p1, !p1  }
.LBB2_18:
0x1da: {  	s14 =	simm.s32 $0x1  }
0x1db: {  	s14 =	simm.s32 @!p1 $0x0  }
0x1dc: {  	_ =	swait.ge [sflag:s24], $0x4A0;
	p2 =	seq.s32 s23, $0xF;
	s14 =	smul.u32 $0x1280, s14  }
0x1dd: {  	[sflag:s24] =	ssyncset.done $0x0;
	s26 =	smul.u32 @!p2 $0x4A0, s23  }
0x1de: {  	[sflag:s24] =	ssyncadd.s32 $0xFFFFFB60;
	s15 =	sshrl.u32 s14, $0x2;
	s14 =	sand.u32 $0x1, s23  }
0x1df: {  	_ =	swait.ge [sflag:s24], $0x4A0;
	s26 =	sadd.s32 @!p2 s26, s16;
	s14 =	sxor.u32 @!p2 $0x1, s14  }
0x1e0: {  	[sflag:s24] =	ssyncset.done $0x0;
	s26 =	sshrl.u32 @!p2 s26, $0x3;
	s14 =	smul.u32 @!p2 $0x4A0, s14  }
0x1e1: {  	s29 =	simm.s32 @!p2 $0x0;
	[sflag:s24] =	ssyncadd.s32 $0xFFFFFB60;
	s28 =	sadd.s32 @!p2 s8, s26  }
0x1e2: {  	[tilespmem:s14], [sflag:$0x2] =	stream.linear.gather @!p2 [hbm4b:s28+s29], $0x4A0, $0x38;
	[tilespmem:$0x1FB40] =	vst v63  }
0x1e3: {  	s31 =	sadd.s32 $0x980, s15;
	s26 =	sadd.s32 @!p2 s9, s26;
	s14 =	sadd.s32 @!p2 $0x940, s14  }
0x1e4: {  	[tilespmem:s14], [sflag:$0x2] =	stream.linear.gather @!p2 [hbm4b:s26+s29], $0x4A0, $0x38;
	[tilespmem:$0x1FB40] =	vst v63  }
0x1e5: {  	v14 =	vld [tilespmem:s31+$0xFFFFFFD0];
	_ =	sdelay $0x1  }
0x1e6: {  	v7 =	vld [tilespmem:s31+$0x10]  }
0x1e7: {  	v9 =	vld [tilespmem:s31+$0xFFFFFFC0]  }
0x1e8: {  	v6 =	vld [tilespmem:s31+$0x30]  }
0x1e9: {  	v10 =	vld [tilespmem:s31+$0x0];
	vm0 =	vge.s32 v14, v4;
	vm1 =	vlt.s32 v14, v5  }
0x1ea: {  	v11 =	vld [tilespmem:s31+$0xFFFFFFF0];
	vm7 =	vmand vm0, vm1  }
0x1eb: {  	v8 =	vsel vm7, $0x1, v1  }
0x1ec: {  	(xrf0) =	vadd.scan.msk.s32 $0xffff, v8  }
0x1ed: {  	vm3 =	vlt.s32 v9, v5;
	vm1 =	vge.s32 v9, v4  }
0x1ee: {  	v12 =	vld [tilespmem:s31+$0xFFFFFFE0];
	vm2 =	vlt.s32 v7, v5;
	vm4 =	vge.s32 v6, v4;
	vm3 =	vmand vm1, vm3  }
0x1ef: {  	vm5 =	vlt.s32 v11, v5;
	vm9 =	vlt.s32 v10, v5;
	v16 =	vmpcnt.ones.xlane vm3  }
0x1f0: {  	v15 =	vmpcnt.ones.xlane vm7;
	vm1 =	vlt.s32 v6, v5;
	v17 =	vsel vm3, $0x1, v1  }
0x1f1: {  	vm8 =	vmand vm4, vm1;
	vm4 =	vge.s32 v11, v4;
	(xrf0) =	vadd.scan.msk.s32 $0xffff, v17;
	v16 =	vadd.s32 v13, v16  }
0x1f2: {  	vm6 =	vmand vm4, vm5;
	v15 =	vadd.s32 v16, v15;
	v16 =	vadd.s32 $0xFFFFFFFF, v16;
	v18, _, _ =	vpop (xrf0)  }
0x1f3: {  	s14 =	sadd.s32 $0x40, s15;
	vm11 =	vge.s32 v12, v4;
	v8 =	vld [tilespmem:s31+$0x20];
	v17 =	vsel vm6, $0x1, v1;
	v16 =	vadd.s32 v18, v16  }
0x1f4: {  	v14 =	vsub.s32 v14, v4;
	vm1 =	vge.s32 v10, v4;
	(xrf0) =	vadd.scan.msk.s32 $0xffff, v17;
	v17 =	vld [tilespmem:s14+$0xFFFFFFD0];
	v21 =	vand.u32 $0x7FF, v16  }
0x1f5: {  	vm0 =	vge.s32 v7, v4;
	vm5 =	vmand vm1, vm9;
	vm1 =	vlt.s32 v12, v5  }
0x1f6: {  	vm2 =	vmand vm0, vm2;
	vm1 =	vmand vm11, vm1;
	v16 =	vsel vm5, $0x1, v1  }
0x1f7: {  	v19 =	vmpcnt.ones.xlane vm6;
	v13 =	vadd.s32 $0xFFFFFFFF, v13;
	v20 =	vsel vm1, $0x1, v1;
	v18, _, _ =	vpop (xrf0);
	(xrf0) =	vadd.scan.msk.s32 $0xffff, v16  }
0x1f8: {  	v25 =	vmpcnt.ones.xlane vm1;
	vm4 =	vge.s32 v8, v4;
	vm10 =	vlt.s32 v8, v5  }
0x1f9: {  	v22 =	vadd.s32 v18, v13;
	(xrf0) =	vadd.scan.msk.s32 $0xffff, v20;
	[tilespmem:v21+s7+$0x0] =	vst.idx.msk vm7, v17;
	v17 =	vmpcnt.ones.xlane vm5  }
0x1fa: {  	vm4 =	vmand vm4, vm10;
	v18 =	vadd.s32 $0xFFFFFFFF, v15;
	v15 =	vadd.s32 v15, v25  }
0x1fb: {  	v23 =	vld [tilespmem:s14+$0xFFFFFFC0];
	v26 =	vsel vm2, $0x1, v1;
	v24 =	vsel vm4, $0x1, v1;
	v19 =	vadd.s32 v15, v19  }
0x1fc: {  	v13 =	vld [tilespmem:s14+$0x0];
	v20 =	vand.u32 $0x7FF, v22;
	v25 =	vadd.s32 $0xFFFFFFFF, v19;
	v22, _, _ =	vpop (xrf0);
	(xrf0) =	vadd.scan.msk.s32 $0xffff, v24;
	[tilespmem:v21+s11+$0x0] =	vst.idx.msk vm7, v14  }
0x1fd: {  	s23 =	sadd.s32 $0x1, s23;
	v14 =	vadd.s32 $0xFFFFFFFF, v15;
	v15 =	vld [tilespmem:s14+$0x10];
	v21 =	vmpcnt.ones.xlane vm2;
	v24 =	vadd.s32 v19, v17;
	v17, _, _ =	vpop (xrf0);
	(xrf0) =	vadd.scan.msk.s32 $0xffff, v26  }
0x1fe: {  	s28 =	sadd.s32 $0xDC0, s15;
	s29 =	sadd.s32 $0x480, s15;
	s26 =	smov.u32 s25;
	vm0 =	vmmov vm8;
	v16 =	vsel vm8, $0x1, v1;
	v14 =	vadd.s32 v22, v14;
	v19 =	vld [tilespmem:s14+$0x20]  }
0x1ff: {  	s15 =	simm.s32 $0x0;
	s25 =	smov.u32 s14;
	s31 =	sadd.s32 $0x80, s31;
	v22 =	vld [tilespmem:s14+$0xFFFFFFF0];
	v14 =	vand.u32 $0x7FF, v14;
	v21 =	vadd.s32 v24, v21;
	v26 =	vadd.s32 v17, v25;
	v25, _, _ =	vpop (xrf0)  }
.LBB2_19:
0x200: {  	v17 =	vld [tilespmem:s31+$0xFFFFFFD0];
	s15 =	sadd.s32 $0x8, s15;
	v27 =	vsub.s32 v11, v4;
	v11 =	vand.u32 $0x7FF, v26;
	v26 =	vsub.s32 v7, v4;
	s14 =	sadd.s32 $0x80, s14  }
0x201: {  	v28 =	vsub.s32 v8, v4;
	vm7 =	vmmov vm6;
	v7 =	vld [tilespmem:s31+$0x10];
	p2 =	slt.u32 s15, $0x40;
	[tilespmem:v20+s7+$0x0] =	vst.idx.msk vm3, v23;
	v23 =	vsub.s32 v12, v4  }
0x202: {  	v30 =	vsub.s32 v10, v4;
	v10 =	vadd.s32 $0xFFFFFFFF, v21;
	v31 =	vmpcnt.ones.xlane vm0;
	v29 =	vld [tilespmem:s31+$0x30];
	v12, _, _ =	vpop (xrf0)  }
0x203: {  	v32 =	vsub.s32 v9, v4;
	v24 =	vadd.s32 $0xFFFFFFFF, v24;
	v8 =	vld [tilespmem:s31+$0x20];
	v10 =	vadd.s32 v12, v10;
	v12, _, _ =	vpop (xrf0)  }
0x204: {  	v18 =	vadd.s32 v25, v18;
	v9 =	vld [tilespmem:s31+$0xFFFFFFC0];
	[tilespmem:v20+s11+$0x0] =	vst.idx.msk vm3, v32;
	v12 =	vadd.s32 v12, v24;
	v20 =	vand.u32 $0x7FF, v10  }
0x205: {  	v25 =	vmpcnt.ones.xlane vm4;
	vm3 =	vge.s32 v17, v4;
	v10 =	vld [tilespmem:s31+$0x0];
	[tilespmem:v11+s7+$0x0] =	vst.idx.msk vm5, v13;
	v24 =	vand.u32 $0x7FF, v12  }
0x206: {  	v18 =	vand.u32 $0x7FF, v18;
	vm6 =	vlt.s32 v17, v5;
	v12 =	vld [tilespmem:s31+$0xFFFFFFE0];
	vm9 =	vge.s32 v7, v4;
	[tilespmem:v11+s11+$0x0] =	vst.idx.msk vm5, v30  }
0x207: {  	vm8 =	vmand vm3, vm6;
	vm11 =	vlt.s32 v7, v5;
	v11 =	vld [tilespmem:s31+$0xFFFFFFF0];
	vm3 =	vge.s32 v29, v4;
	(xrf0) =	vadd.scan.msk.s32 $0xffff, v16  }
0x208: {  	v16 =	vsel vm8, $0x1, v1;
	v30 =	vmpcnt.ones.xlane vm8;
	vm5 =	vlt.s32 v29, v5;
	v13 =	vld [tilespmem:s14+$0x0];
	[tilespmem:v14+s7+$0x0] =	vst.idx.msk vm7, v22  }
0x209: {  	vm10 =	vmand vm3, vm5;
	vm6 =	vge.s32 v9, v4;
	vm12 =	vlt.s32 v9, v5;
	(xrf0) =	vadd.scan.msk.s32 $0xffff, v16;
	v16 =	vld [tilespmem:s25+$0xFFFFFFE0]  }
0x20a: {  	vm3 =	vmand vm6, vm12;
	vm5 =	vge.s32 v10, v4;
	vm12 =	vlt.s32 v10, v5;
	[tilespmem:v20+s7+$0x0] =	vst.idx.msk vm4, v19  }
0x20b: {  	v25 =	vadd.s32 v21, v25;
	v19 =	vsel vm3, $0x1, v1;
	v22 =	vmpcnt.ones.xlane vm3;
	[tilespmem:v20+s11+$0x0] =	vst.idx.msk vm4, v28  }
0x20c: {  	vm4 =	vge.s32 v11, v4;
	vm6 =	vlt.s32 v11, v5;
	(xrf0) =	vadd.scan.msk.s32 $0xffff, v19;
	v19 =	vadd.s32 v25, v31  }
0x20d: {  	v21 =	vadd.s32 v19, v22;
	vm6 =	vmand vm4, vm6;
	[tilespmem:v24+s7+$0x0] =	vst.idx.msk vm2, v15;
	v15 =	vadd.s32 $0xFFFFFFFF, v25;
	v20, _, _ =	vpop (xrf0)  }
0x20e: {  	v22 =	vadd.s32 v21, v30;
	v25 =	vsel vm6, $0x1, v1;
	[tilespmem:v18+s7+$0x0] =	vst.idx.msk vm1, v16;
	v15 =	vadd.s32 v20, v15  }
0x20f: {  	vm13 =	vlt.s32 v8, v5;
	vm4 =	vge.s32 v8, v4;
	v16 =	vadd.s32 $0xFFFFFFFF, v21;
	v20, _, _ =	vpop (xrf0);
	(xrf0) =	vadd.scan.msk.s32 $0xffff, v25  }
0x210: {  	v21 =	vmpcnt.ones.xlane vm6;
	v15 =	vand.u32 $0x7FF, v15;
	v16 =	vadd.s32 v20, v16;
	[tilespmem:v18+s11+$0x0] =	vst.idx.msk vm1, v23;
	v18 =	vld [tilespmem:s25+$0x30];
	s25 =	smov.u32 s14  }
0x211: {  	vm5 =	vmand vm5, vm12;
	vm1 =	vge.s32 v12, v4;
	v20 =	vld [tilespmem:s14+$0xFFFFFFD0];
	v25 =	vand.u32 $0x7FF, v16;
	[tilespmem:v24+s11+$0x0] =	vst.idx.msk vm2, v26  }
0x212: {  	v19 =	vadd.s32 $0xFFFFFFFF, v19;
	vm4 =	vmand vm4, vm13;
	vm2 =	vlt.s32 v12, v5;
	v23, _, _ =	vpop (xrf0);
	[tilespmem:v14+s11+$0x0] =	vst.idx.msk vm7, v27  }
0x213: {  	v16 =	vsel vm10, $0x1, v1;
	vm1 =	vmand vm1, vm2;
	v14 =	vsel vm5, $0x1, v1  }
0x214: {  	v19 =	vadd.s32 v23, v19;
	v23 =	vsel vm1, $0x1, v1;
	(xrf0) =	vadd.scan.msk.s32 $0xffff, v14;
	v14 =	vsub.s32 v6, v4;
	v6 =	vmovc v29  }
0x215: {  	v24 =	vsel vm4, $0x1, v1;
	vm2 =	vmand vm9, vm11;
	(xrf0) =	vadd.scan.msk.s32 $0xffff, v23;
	v26, _, _ =	vpop (xrf0);
	[tilespmem:v15+s7+$0x0] =	vst.idx.msk vm0, v18  }
0x216: {  	v27 =	vmpcnt.ones.xlane vm1;
	v28 =	vsel vm2, $0x1, v1;
	v18 =	vadd.s32 $0xFFFFFFFF, v22;
	[tilespmem:v25+s7+$0x0] =	vst.idx.msk vm8, v20  }
.Ltmp12:
0x217: {  	v17 =	vsub.s32 v17, v4;
	v20 =	vand.u32 $0x7FF, v19;
	[tilespmem:v15+s11+$0x0] =	vst.idx.msk vm0, v14;
	vm0 =	vmmov vm10;
	(pc) =	sbr.rel @p2 .LBB2_19-.Ltmp12, $4  }
0x218: {  	v14 =	vadd.s32 v22, v27;
	v22 =	vmpcnt.ones.xlane vm5;
	v23 =	vld [tilespmem:s14+$0xFFFFFFC0];
	[tilespmem:v25+s11+$0x0] =	vst.idx.msk vm8, v17;
	(xrf0) =	vadd.scan.msk.s32 $0xffff, v24  }
0x219: {  	v19 =	vadd.s32 $0xFFFFFFFF, v14;
	v14 =	vadd.s32 v14, v21;
	v21 =	vmpcnt.ones.xlane vm2;
	v15 =	vld [tilespmem:s14+$0x10];
	(xrf0) =	vadd.scan.msk.s32 $0xffff, v28  }
0x21a: {  	v27 =	vadd.s32 v26, v19;
	v26 =	vadd.s32 $0xFFFFFFFF, v14;
	v24 =	vadd.s32 v14, v22;
	v19 =	vld [tilespmem:s14+$0x20];
	v17, _, _ =	vpop (xrf0)  }
0x21b: {  	s31 =	sadd.s32 $0x80, s31;
	v14 =	vand.u32 $0x7FF, v27;
	v21 =	vadd.s32 v24, v21;
	v22 =	vld [tilespmem:s14+$0xFFFFFFF0];
	v26 =	vadd.s32 v17, v26;
	v25, _, _ =	vpop (xrf0)  }
0x21c: {  	_ =	sdelay $0x1  }
0x21d: {  	v17 =	vand.u32 $0x7FF, v26  }
0x21e: {  	vm6 =	vmmov vm6;
	v53 =	vadd.s32 $0xFFFFFFFF, v21;
	v27, _, _ =	vpop (xrf0)  }
0x21f: {  	(xrf0) =	vadd.scan.msk.s32 $0xffff, v16;
	v26 =	vadd.s32 v27, v53  }
0x220: {  	v9 =	vsub.s32 v9, v4;
	v54 =	vadd.s32 $0xFFFFFFFF, v24;
	[tilespmem:v20+s7+$0x0] =	vst.idx.msk vm3, v23;
	v55, _, _ =	vpop (xrf0);
	v56 =	vand.u32 $0x7FF, v26  }
0x221: {  	v10 =	vsub.s32 v10, v4;
	[tilespmem:v20+s11+$0x0] =	vst.idx.msk vm3, v9;
	v57 =	vadd.s32 v55, v54  }
0x222: {  	v58 =	vadd.s32 v25, v18;
	[tilespmem:v17+s7+$0x0] =	vst.idx.msk vm5, v13;
	v9 =	vand.u32 $0x7FF, v57;
	v13 =	vmpcnt.ones.xlane vm4  }
0x223: {  	v59 =	vld [tilespmem:s25+$0xFFFFFFE0];
	v16 =	vand.u32 $0x7FF, v58;
	[tilespmem:v17+s11+$0x0] =	vst.idx.msk vm5, v10  }
0x224: {  	[tilespmem:v14+s7+$0x0] =	vst.idx.msk vm6, v22;
	v13 =	vadd.s32 v21, v13  }
0x225: {  	v8 =	vsub.s32 v8, v4;
	v60 =	vadd.s32 $0xFFFFFFFF, v13;
	v61, _, _ =	vpop (xrf0);
	[tilespmem:v56+s7+$0x0] =	vst.idx.msk vm4, v19  }
0x226: {  	v62 =	vadd.s32 v61, v60;
	[tilespmem:v56+s11+$0x0] =	vst.idx.msk vm4, v8  }
0x227: {  	[tilespmem:v9+s7+$0x0] =	vst.idx.msk vm2, v15;
	v15 =	vld [tilespmem:s25+$0x30];
	v8 =	vand.u32 $0x7FF, v62  }
0x228: {  	v63 =	vsub.s32 v11, v4;
	[tilespmem:v16+s7+$0x0] =	vst.idx.msk vm1, v59  }
0x229: {  	v12 =	vsub.s32 v12, v4;
	[tilespmem:v14+s11+$0x0] =	vst.idx.msk vm6, v63  }
0x22a: {  	v7 =	vsub.s32 v7, v4;
	[tilespmem:v16+s11+$0x0] =	vst.idx.msk vm1, v12  }
0x22b: {  	[tilespmem:v9+s11+$0x0] =	vst.idx.msk vm2, v7;
	v7 =	vmpcnt.ones.xlane vm0  }
0x22c: {  	v6 =	vsub.s32 v6, v4;
	[tilespmem:v8+s7+$0x0] =	vst.idx.msk vm0, v15  }
0x22d: {  	s14 =	simm.s32 $0x0;
	v13 =	vadd.s32 v13, v7;
	[tilespmem:v8+s11+$0x0] =	vst.idx.msk vm0, v6  }
.LBB2_21:
0x22e: {  	s15 =	sshra.s32 s14, $0x2  }
0x22f: {  	s25 =	sadd.s32 s15, s28  }
0x230: {  	v6 =	vld [tilespmem:s25+$0x0];
	_ =	sdelay $0x4  }
0x231: {  	vm0 =	vge.s32 v6, v4;
	vm1 =	vlt.s32 v6, v5  }
0x232: {  	vm0 =	vmand vm0, vm1  }
0x233: {  	v7 =	vsel vm0, $0x1, v1  }
0x234: {  	(xrf0) =	vadd.scan.msk.s32 $0xffff, v7;
	_ =	sdelay $0x5  }
0x235: {  	v8 =	vadd.s32 $0xFFFFFFFF, v13;
	v7, _, _ =	vpop (xrf0)  }
0x236: {  	s15 =	sadd.s32 s15, s29;
	v7 =	vadd.s32 v7, v8  }
0x237: {  	v63 =	vld [tilespmem:s15+$0x0];
	v7 =	vand.u32 $0x7FF, v7  }
0x238: {  	p2 =	sne.s32 s14, $0x40  }
.Ltmp13:
0x239: {  	_ = 	snop;
	(pc) =	sbr.rel @p2 .LBB2_21-.Ltmp13, $4  }
0x23a: {  	_ = 	snop  }
0x23b: {  	v9 =	vmpcnt.ones.xlane vm0  }
0x23c: {  	v6 =	vsub.s32 v6, v4;
	[tilespmem:v7+s7+$0x0] =	vst.idx.msk vm0, v63  }
0x23d: {  	s14 =	sadd.s32 $0x40, s14;
	v13 =	vadd.s32 v13, v9;
	[tilespmem:v7+s11+$0x0] =	vst.idx.msk vm0, v6  }
0x23e: {  	v6 =	vxor.u32 $0x80000000, v13  }
0x23f: {  	(xrf0) =	vmax.scan.msk.u32 $0xffff, v6;
	_ =	sdelay $0x5  }
0x240: {  	v6, _, _ =	vpop (xrf0)  }
0x241: {  	(v2sf) =	vpush v6, $0xF;
	_ =	sdelay $0xe  }
0x242: {  	s14 =	spop (v2sf)  }
0x243: {  	s15 =	sshra.s32 s14, $0x7  }
0x244: {  	s25 =	sxor.u32 $0xFF000000, s15  }
0x245: {  	p2 =	sge.s32 s26, s25  }
0x246: {  	s15 =	sand.u32 @!p2 $0x1, s26  }
0x247: {  	p4 =	seq.s32 @!p2 s15, $0x0  }
0x248: {  	p3 =	por !p4, p2  }
0x249: {  	s15 =	sshll.u32 @!p3 s26, $0x9  }
0x24a: {  	s28 =	sand.u32 @!p3 $0x1C00, s15;
	s15 =	sor.u32 @!p3 $0x1, s26  }
0x24b: {  	s31 =	simm.s32 @!p3 $0x80;
	s28 =	sshrl.u32 @!p3 s28, $0x2;
	p5 =	sge.s32 @!p3 s15, s25  }
0x24c: {  	s10 =	simm.s32 @!p3 $0x2280;
	s29 =	sadd.s32 @!p3 $0x1280, s28;
	p5 =	por @!p2 p5, !p4  }
0x24d: {  	[tilespmem:s10], [sflag:$0x3] =	stream.indirect.gather @!p3 [hbm4b:s2+s31], $0x80, s29, s31, $0xb8;
	[tilespmem:$0x1FB40] =	vst v63  }
0x24e: {  	s29 =	simm.s32 @!p3 $0x3;
	p5 =	por p5, p2  }
0x24f: {  	_ =	swait.ge @!p3 [sflag:s29], $0x4000;
	s4 =	sshll.u32 @!p5 s15, $0x7  }
0x250: {  	s17 =	simm.s32 @!p5 $0x6280;
	[sflag:s29] =	ssyncset.done @!p3 $0x0;
	s4 =	sand.u32 @!p5 $0x780, s4  }
0x251: {  	[sflag:s29] =	ssyncadd.s32 @!p3 $0xFFFFC000;
	s4 =	sadd.s32 @!p5 $0x1280, s4;
	s29 =	simm.s32 @!p5 $0x80  }
0x252: {  	[tilespmem:s17], [sflag:$0x4] =	stream.indirect.gather @!p5 [hbm4b:s2+s29], $0x80, s4, s29, $0xb8;
	[tilespmem:$0x1FB40] =	vst v63  }
0x253: {  	s4 =	sadd.s32 @!p3 $0x1A80, s28  }
0x254: {  	[spmem:s3] =	stream.indirect.scatter.add.f32 @!p3 [tilespmem:s10], [sflag:$0x6], $0x80, s4, s31, $0xb8;
	[tilespmem:$0x1FB40] =	vst v63  }
0x255: {  	p5 =	por p4, p2;
	s4 =	simm.s32 @!p3 $0x6  }
0x256: {  	s10 =	sshll.u32 @!p5 s26, $0x9;
	_ =	swait.ge @!p3 [sflag:s4], $0x4000  }
0x257: {  	s10 =	sand.u32 @!p5 $0x1E00, s10;
	[sflag:s4] =	ssyncset.done @!p3 $0x0  }
0x258: {  	s28 =	simm.s32 @!p5 $0x6280;
	s10 =	sshrl.u32 @!p5 s10, $0x2;
	[sflag:s4] =	ssyncadd.s32 @!p3 $0xFFFFC000  }
0x259: {  	s4 =	sadd.s32 @!p5 $0x1, s26;
	s17 =	sadd.s32 @!p5 $0x1280, s10;
	s26 =	simm.s32 @!p5 $0x80  }
0x25a: {  	[tilespmem:s28], [sflag:$0x4] =	stream.indirect.gather @!p5 [hbm4b:s2+s26], $0x80, s17, s26, $0xb8;
	[tilespmem:$0x1FB40] =	vst v63  }
0x25b: {  	p6 =	sge.s32 @!p5 s4, s25  }
0x25c: {  	s17 =	simm.s32 @!p5 $0x4;
	p4 =	por @!p2 p6, p4  }
0x25d: {  	_ =	swait.ge @!p5 [sflag:s17], $0x4000;
	p4 =	por p4, p2  }
0x25e: {  	s15 =	smov.u32 @p3 s4;
	[sflag:s17] =	ssyncset.done @!p5 $0x0;
	s29 =	sshll.u32 @!p4 s4, $0x7  }
0x25f: {  	p3 =	seq.s32 @!p2 s15, s25;
	[sflag:s17] =	ssyncadd.s32 @!p5 $0xFFFFC000;
	s17 =	sand.u32 @!p4 $0x700, s29  }
0x260: {  	s31 =	simm.s32 @!p4 $0x2280;
	s29 =	simm.s32 @!p4 $0x80;
	s17 =	sadd.s32 @!p4 $0x1280, s17  }
0x261: {  	[tilespmem:s31], [sflag:$0x3] =	stream.indirect.gather @!p4 [hbm4b:s2+s29], $0x80, s17, s29, $0xb8;
	[tilespmem:$0x1FB40] =	vst v63  }
0x262: {  	s10 =	sadd.s32 @!p5 $0x1A80, s10;
	p2 =	por p2, p3  }
0x263: {  	[spmem:s3] =	stream.indirect.scatter.add.f32 @!p5 [tilespmem:s28], [sflag:$0x5], $0x80, s10, s26, $0xb8;
	[tilespmem:$0x1FB40] =	vst v63  }
.Ltmp14:
0x264: {  	_ = 	snop;
	(pc) =	sbr.rel @p2 .LBB2_17-.Ltmp14, $4  }
0x265: {  	s10 =	simm.s32 @!p5 $0x5  }
0x266: {  	_ =	swait.ge @!p5 [sflag:s10], $0x4000  }
0x267: {  	[sflag:s10] =	ssyncset.done @!p5 $0x0  }
0x268: {  	[sflag:s10] =	ssyncadd.s32 @!p5 $0xFFFFC000  }
.LBB2_23:
0x269: {  	s4 =	sand.u32 $0x1, s15  }
0x26a: {  	p2 =	seq.s32 s4, $0x1  }
0x26b: {  	s4 =	sadd.s32 @p2 $0x1, s15  }
0x26c: {  	s10 =	simm.s32 @p2 $0x4;
	p3 =	sge.s32 @p2 s4, s25  }
0x26d: {  	_ =	swait.ge @p2 [sflag:s10], $0x4000;
	p3 =	por p3, !p2  }
0x26e: {  	[sflag:s10] =	ssyncset.done @p2 $0x0;
	s17 =	sshll.u32 @!p3 s4, $0x7  }
0x26f: {  	[sflag:s10] =	ssyncadd.s32 @p2 $0xFFFFC000;
	s10 =	sand.u32 @!p3 $0x700, s17  }
0x270: {  	s26 =	simm.s32 @!p3 $0x2280;
	s17 =	simm.s32 @!p3 $0x80;
	s10 =	sadd.s32 @!p3 $0x1280, s10  }
0x271: {  	[tilespmem:s26], [sflag:$0x3] =	stream.indirect.gather @!p3 [hbm4b:s2+s17], $0x80, s10, s17, $0xb8;
	[tilespmem:$0x1FB40] =	vst v63  }
0x272: {  	s10 =	sshll.u32 @p2 s15, $0x7  }
0x273: {  	s10 =	sand.u32 @p2 $0x780, s10  }
0x274: {  	s17 =	simm.s32 @p2 $0x80;
	s26 =	simm.s32 @p2 $0x6280;
	s10 =	sadd.s32 @p2 $0x1A80, s10  }
0x275: {  	[spmem:s3] =	stream.indirect.scatter.add.f32 @p2 [tilespmem:s26], [sflag:$0x5], $0x80, s10, s17, $0xb8;
	[tilespmem:$0x1FB40] =	vst v63  }
0x276: {  	s10 =	simm.s32 @p2 $0x5  }
0x277: {  	_ =	swait.ge @p2 [sflag:s10], $0x4000  }
0x278: {  	s17 =	sor.u32 @!p2 $0x1, s15;
	[sflag:s10] =	ssyncset.done @p2 $0x0  }
0x279: {  	p3 =	sge.s32 @!p2 s17, s25;
	[sflag:s10] =	ssyncadd.s32 @p2 $0xFFFFC000;
	s10 =	simm.s32 @!p2 $0x3  }
0x27a: {  	p3 =	por p3, p2;
	_ =	swait.ge @!p2 [sflag:s10], $0x4000  }
0x27b: {  	s26 =	sshll.u32 @!p3 s17, $0x7;
	[sflag:s10] =	ssyncset.done @!p2 $0x0  }
0x27c: {  	[sflag:s10] =	ssyncadd.s32 @!p2 $0xFFFFC000;
	s10 =	sand.u32 @!p3 $0x780, s26  }
0x27d: {  	s28 =	simm.s32 @!p3 $0x6280;
	s26 =	simm.s32 @!p3 $0x80;
	s10 =	sadd.s32 @!p3 $0x1280, s10  }
0x27e: {  	[tilespmem:s28], [sflag:$0x4] =	stream.indirect.gather @!p3 [hbm4b:s2+s26], $0x80, s10, s26, $0xb8;
	[tilespmem:$0x1FB40] =	vst v63  }
0x27f: {  	s10 =	sshll.u32 @!p2 s15, $0x7  }
0x280: {  	s17 =	smov.u32 @p2 s4;
	s15 =	simm.s32 @!p2 $0x80;
	s10 =	sand.u32 @!p2 $0x700, s10  }
0x281: {  	s26 =	simm.s32 @!p2 $0x2280;
	p3 =	seq.s32 s17, s25;
	s10 =	sadd.s32 @!p2 $0x1A80, s10  }
0x282: {  	[spmem:s3] =	stream.indirect.scatter.add.f32 @!p2 [tilespmem:s26], [sflag:$0x6], $0x80, s10, s15, $0xb8;
	[tilespmem:$0x1FB40] =	vst v63  }
.Ltmp15:
0x283: {  	_ = 	snop;
	(pc) =	sbr.rel @!p3 .LBB2_23-.Ltmp15, $4  }
0x284: {  	s10 =	simm.s32 @!p2 $0x6  }
0x285: {  	_ =	swait.ge @!p2 [sflag:s10], $0x4000  }
0x286: {  	[sflag:s10] =	ssyncset.done @!p2 $0x0  }
0x287: {  	s15 =	smov.u32 s17;
	[sflag:s10] =	ssyncadd.s32 @!p2 $0xFFFFC000  }
.Ltmp16:
0x288: {  	_ = 	snop;
	(pc) =	sbr.rel .LBB2_17-.Ltmp16, $1  }
0x289: {  	_ =	sdelay $0x3  }
.LBB2_24:
0x28a: {  	s15 =	sxor.u32 $0x80000000, s14;
	s14 =	sadd.s32 $0x8000007F, s14  }
0x28b: {  	s4 =	sand.u32 $0xFFFFFF80, s14;
	s10 =	sadd.s32 $0x0, s15  }
0x28c: {  	v5 =	vmov s4;
	v4 =	vadd.s32 s10, v2  }
0x28d: {  	s17 =	sld [smem:$0x7EC];
	vm0 =	vlt.s32 v4, v5  }
0x28e: {  	s23 =	simm.s32 $0x10;
	s26 =	sld [smem:$0x7EB];
	v4 =	vand.u32 $0x7FF, v4;
	vm1 =	vmmov vm0  }
.LBB2_25:
0x28f: {  	p1 =	sne.s32 s23, $0x70  }
.Ltmp17:
0x290: {  	_ = 	snop;
	(pc) =	sbr.rel @p1 .LBB2_25-.Ltmp17, $4  }
0x291: {  	s4 =	sadd.s32 s23, s15  }
0x292: {  	v6 =	vadd.s32 s4, v2  }
0x293: {  	[tilespmem:v4+s7+$0x0] =	vst.idx.msk vm0, v1;
	vm0 =	vlt.s32 v6, v5  }
0x294: {  	s23 =	sadd.s32 $0x10, s23;
	[tilespmem:v4+s11+$0x0] =	vst.idx.msk vm1, v3;
	v4 =	vand.u32 $0x7FF, v6;
	vm1 =	vmmov vm0  }
0x295: {  	_ =	sdelay $0x1  }
0x296: {  	s4 =	sshra.s32 s14, $0x7  }
0x297: {  	p1 =	sle.s32 s4, s25  }
0x298: {  	s4 =	sshll.u32 @!p1 s25, $0x7  }
0x299: {  	[tilespmem:v4+s7+$0x0] =	vst.idx.msk vm0, v1;
	s4 =	sand.u32 @!p1 $0x780, s4  }
0x29a: {  	[tilespmem:v4+s11+$0x0] =	vst.idx.msk vm1, v3;
	s14 =	simm.s32 @!p1 $0x80;
	s15 =	simm.s32 @!p1 $0x2280;
	s10 =	sadd.s32 @!p1 $0x1280, s4  }
0x29b: {  	[tilespmem:s15], [sflag:$0x3] =	stream.indirect.gather @!p1 [hbm4b:s2+s14], $0x80, s10, s14, $0xb8;
	[tilespmem:$0x1FB40] =	vst v63  }
0x29c: {  	s10 =	simm.s32 @!p1 $0x3  }
0x29d: {  	_ =	swait.ge @!p1 [sflag:s10], $0x4000  }
0x29e: {  	[sflag:s10] =	ssyncset.done @!p1 $0x0  }
0x29f: {  	s4 =	sadd.s32 @!p1 $0x1A80, s4;
	[sflag:s10] =	ssyncadd.s32 @!p1 $0xFFFFC000  }
0x2a0: {  	[spmem:s3] =	stream.indirect.scatter.add.f32 @!p1 [tilespmem:s15], [sflag:$0x5], $0x80, s4, s14, $0xb8;
	[tilespmem:$0x1FB40] =	vst v63  }
0x2a1: {  	s4 =	simm.s32 @!p1 $0x5  }
0x2a2: {  	_ =	swait.ge @!p1 [sflag:s4], $0x4000  }
0x2a3: {  	[sflag:s4] =	ssyncset.done @!p1 $0x0;
	s15 =	sld [smem:$0x7F2]  }
0x2a4: {  	[sflag:s4] =	ssyncadd.s32 @!p1 $0xFFFFC000  }
0x2a5: {  	[bflag:$0x0] =	sbarrier.arrive $0xFFFF  }
0x2a6: {  	s10 =	sadd.s32 s15, s22;
	s29 =	sld [smem:$0x7ED]  }
0x2a7: {  	s25 =	rddreg [dreg:$0x7];
	s23 =	sshll.u32 s10, $0x4  }
0x2a8: {  	s10 =	sadd.s32 s25, s23  }
0x2a9: {  	[hbm:s10], [sflag:s12] =	dma.local [spmem:s29], $0x400  }
0x2aa: {  	s10 =	rddreg [dreg:$0x18]  }
0x2ab: {  	s10 =	sadd.s32 s10, s23  }
0x2ac: {  	[hbm:s10], [sflag:s12] =	dma.local [spmem:s18], $0x400  }
0x2ad: {  	s10 =	rddreg [dreg:$0x19]  }
0x2ae: {  	s10 =	sadd.s32 s10, s23  }
0x2af: {  	[hbm:s10], [sflag:s12] =	dma.local [spmem:s20], $0x400  }
0x2b0: {  	s10 =	rddreg [dreg:$0x1a]  }
0x2b1: {  	s10 =	sadd.s32 s10, s23  }
0x2b2: {  	[hbm:s10], [sflag:s12] =	dma.local [spmem:s30], $0x400  }
0x2b3: {  	s10 =	rddreg [dreg:$0x1b]  }
0x2b4: {  	s10 =	sadd.s32 s10, s23  }
0x2b5: {  	[hbm:s10], [sflag:s12] =	dma.local [spmem:s17], $0x400  }
0x2b6: {  	s10 =	rddreg [dreg:$0x1c]  }
0x2b7: {  	s10 =	sadd.s32 s10, s23  }
0x2b8: {  	[hbm:s10], [sflag:s12] =	dma.local [spmem:s26], $0x400  }
0x2b9: {  	s10 =	rddreg [dreg:$0x1d]  }
0x2ba: {  	s10 =	sadd.s32 s10, s23  }
0x2bb: {  	[hbm:s10], [sflag:s12] =	dma.local [spmem:s21], $0x400  }
0x2bc: {  	s10 =	rddreg [dreg:$0x1e]  }
0x2bd: {  	s10 =	sadd.s32 s10, s23  }
0x2be: {  	[hbm:s10], [sflag:s12] =	dma.local [spmem:s5], $0x400  }
0x2bf: {  	s10 =	rddreg [dreg:$0x1f]  }
0x2c0: {  	s10 =	sadd.s32 s10, s23  }
0x2c1: {  	[hbm:s10], [sflag:s12] =	dma.local [spmem:s6], $0x400  }
0x2c2: {  	s31 =	sld [smem:$0x7E9]  }
0x2c3: {  	s10 =	rddreg [dreg:$0xd]  }
0x2c4: {  	s4 =	sadd.s32 s23, s10  }
0x2c5: {  	[hbm:s4], [sflag:s12] =	dma.local [spmem:s31], $0x310  }
0x2c6: {  	_ =	swait.ge [sflag:s0], $0x400  }
0x2c7: {  	[sflag:s0] =	ssyncset.done $0x0  }
0x2c8: {  	[sflag:s0] =	ssyncadd.s32 $0xFFFFFC00  }
0x2c9: {  	_ =	swait.ge [sflag:s0], $0x400  }
0x2ca: {  	[sflag:s0] =	ssyncset.done $0x0  }
0x2cb: {  	[sflag:s0] =	ssyncadd.s32 $0xFFFFFC00  }
0x2cc: {  	_ =	swait.ge [sflag:s0], $0x400  }
0x2cd: {  	[sflag:s0] =	ssyncset.done $0x0  }
0x2ce: {  	[sflag:s0] =	ssyncadd.s32 $0xFFFFFC00  }
0x2cf: {  	_ =	swait.ge [sflag:s0], $0x400  }
0x2d0: {  	[sflag:s0] =	ssyncset.done $0x0  }
0x2d1: {  	[sflag:s0] =	ssyncadd.s32 $0xFFFFFC00  }
0x2d2: {  	_ =	swait.ge [sflag:s0], $0x400  }
0x2d3: {  	[sflag:s0] =	ssyncset.done $0x0  }
0x2d4: {  	[sflag:s0] =	ssyncadd.s32 $0xFFFFFC00  }
0x2d5: {  	_ =	swait.ge [sflag:s0], $0x400  }
0x2d6: {  	[sflag:s0] =	ssyncset.done $0x0  }
0x2d7: {  	[sflag:s0] =	ssyncadd.s32 $0xFFFFFC00  }
0x2d8: {  	_ =	swait.ge [sflag:s0], $0x400  }
0x2d9: {  	[sflag:s0] =	ssyncset.done $0x0  }
0x2da: {  	[sflag:s0] =	ssyncadd.s32 $0xFFFFFC00  }
0x2db: {  	_ =	swait.ge [sflag:s0], $0x400  }
0x2dc: {  	[sflag:s0] =	ssyncset.done $0x0  }
0x2dd: {  	[sflag:s0] =	ssyncadd.s32 $0xFFFFFC00  }
0x2de: {  	_ =	swait.ge [sflag:s0], $0x400  }
0x2df: {  	[sflag:s0] =	ssyncset.done $0x0  }
0x2e0: {  	[sflag:s0] =	ssyncadd.s32 $0xFFFFFC00  }
0x2e1: {  	_ =	swait.ge [sflag:s0], $0x310  }
0x2e2: {  	s28 =	rddreg [dreg:$0x5]  }
0x2e3: {  	s19 =	sadd.s32 $0x1, s19;
	s21 =	rddreg [dreg:$0x8]  }
0x2e4: {  	p1 =	sne.s32 s19, $0x5;
	s15 =	sld [smem:$0x7F9]  }
.Ltmp18:
0x2e5: {  	s10 =	sld [smem:$0x7FA];
	(pc) =	sbr.rel @p1 .LBB2_16-.Ltmp18, $4  }
0x2e6: {  	s14 =	sld [smem:$0x7FB]  }
0x2e7: {  	s22 =	sld [smem:$0x7F4]  }
0x2e8: {  	[sflag:s0] =	ssyncset.done $0x0;
	s23 =	sld [smem:$0x7F5]  }
0x2e9: {  	s25 =	simm.s32 $0x0;
	s26 =	sld [smem:$0x7F6];
	[sflag:s0] =	ssyncadd.s32 $0xFFFFFCF0  }
0x2ea: {  	s12 =	sld [smem:$0x7EF];
	_ =	sdelay $0x2  }
0x2eb: {  	s4 =	rddreg [dreg:$0x12];
	s12 =	sadd.s32 $0x1, s12  }
0x2ec: {  	p1 =	sne.s32 s12, s4  }
.Ltmp19:
0x2ed: {  	_ = 	snop;
	(pc) =	sbr.rel @p1 .LBB2_1-.Ltmp19, $2  }
0x2ee: {  	_ =	sdelay $0x1  }
0x2ef: {  	[bflag:$0x0] =	sbarrier.arrive $0xFFFF;
	_ =	sdelay $0x1  }
0x2f0: {  	_ =	sfence.sel $0x180000  }
0x2f1: {  	[bflag:$0x0] =	sbarrier.arrive $0xFFFF  }
0x2f2: {  	_ =	strace $0x90000047  }
0x2f3: {  	[bflag:$0x2] =	sbarrier.arrive $0xFFFF  }
0x2f4: {  	s0 =	rddreg [dreg:$0x4]  }
0x2f5: {  	s0 =	sadd.s32 @!p0 $0x100000, s0  }
0x2f6: {  	[sflag:s0] =	ssyncadd.tile.s32 @!p0 $0x1;
	_ =	shalt  }
.Lfunc_end2:
_tile_overlayer_lowered:
.L_overlay_start_2:
0x2f7: {  	(tag) =	ssettag $0x2  }
0x2f8: {  	s0 =	rddreg [dreg:$0x0];
	s2 =	stileid.u32  }
0x2f9: {  	s1 =	rddreg [dreg:$0x1];
	p0 =	sne.s32 s2, $0x0  }
0x2fa: {  	s3 =	rddreg [dreg:$0x2];
	[bflag:$0x3] =	sbarrier.arrive $0xFFFF;
	s2 =	simm.s32 @!p0 $0x1C05  }
0x2fb: {  	[timem:s3], [sflag:s2] =	dma.local @!p0 [hbm:s0], s1  }
0x2fc: {  	s0 =	simm.s32 @!p0 $0x5  }
0x2fd: {  	_ =	swait.ge @!p0 [sflag:s0], s1  }
0x2fe: {  	s1 =	ssub.s32 @!p0 $0x0, s1;
	[sflag:s0] =	ssyncset.done @!p0 $0x0  }
0x2ff: {  	[sflag:s0] =	ssyncadd.s32 @!p0 s1  }
0x300: {  	[bflag:$0x3] =	sbarrier.arrive $0xFFFF  }
0x301: {  	_ =	shalt  }

</sc_bundles>
